<compile_context>
chip_gen: v7x
topology: tpu7x:2x2x1
jax: 0.10.2.dev20260603
libtpu: 0.0.44.dev20260713+nightly
codegen_flags: <defaults>
</compile_context>

<pallas_src>
import functools

import jax
import jax.numpy as jnp
from jax import lax
from jax.experimental import pallas as pl
from jax.experimental.pallas import tpu as pltpu
from jax.experimental.pallas import tpu_sc as plsc

N = 10000
OUT_CH = 64
E = 320000

NC = 2
NS = 16
NW = NC * NS
NP = 10112
K = 80
H = 64
RPS = NP // NS
ZR = RPS // 4

EPT_D = E // NW
C_D = EPT_D // K
KS = 128
NB = 3
C_S = 159
EPT_S = C_S * KS
E_PAD = NS * EPT_S - E

_mesh = plsc.VectorSubcoreMesh(core_axis_name="c", subcore_axis_name="s")
_sc_params = pltpu.CompilerParams(
    needs_layout_passes=False, use_tc_tiling_on_sc=False)


@functools.partial(
    pl.kernel,
    out_type=jax.ShapeDtypeStruct((NW, NP), jnp.float32),
    mesh=_mesh,
    compiler_params=_sc_params,
    scratch_types=[
        pltpu.VMEM((C_D, K), jnp.int32),
        pltpu.VMEM((NP,), jnp.float32),
    ],
)
def _sc_degree(dst_hbm, out_hbm, dst_v, hist_v):
    c = lax.axis_index("c")
    s = lax.axis_index("s")
    wid = c * NS + s
    pltpu.sync_copy(dst_hbm.at[wid], dst_v)

    zeros16 = jnp.zeros((16,), jnp.float32)

    def zero_body(i, _):
        hist_v[pl.ds(i * 16, 16)] = zeros16
        return ()

    lax.fori_loop(0, NP // 16, zero_body, ())

    ones16 = jnp.full((16,), 1.0, jnp.float32)
    G = K // 16

    def hist_body(i, _):
        ci = i // G
        j = i - ci * G
        idx = dst_v[ci, pl.ds(j * 16, 16)]
        plsc.addupdate_scatter(hist_v, [idx], ones16)
        return ()

    lax.fori_loop(0, C_D * G, hist_body, ())
    pltpu.sync_copy(hist_v, out_hbm.at[wid])


@functools.partial(
    pl.kernel,
    out_type=jax.ShapeDtypeStruct((NC, NP, H), jnp.float32),
    mesh=_mesh,
    compiler_params=_sc_params,
    scratch_types=[
        pltpu.VMEM((C_S, KS), jnp.int32),
        pltpu.VMEM((C_S, KS), jnp.int32),
        [pltpu.VMEM((KS, H), jnp.float32)] * NB,
        pltpu.VMEM((ZR, H), jnp.float32),
        pltpu.VMEM_SHARED((NP, H), jnp.float32),
        [pltpu.SemaphoreType.DMA] * NB,
        [pltpu.SemaphoreType.DMA] * NB,
    ],
)
def _sc_scatter(src_hbm, dst_hbm, g0_hbm, g1_hbm, out_hbm,
                src_v, dst_v, rows, zbuf_v, acc_sh, gsem, ssem):
    c = lax.axis_index("c")
    s = lax.axis_index("s")
    pltpu.sync_copy(src_hbm.at[s], src_v)
    pltpu.sync_copy(dst_hbm.at[s], dst_v)

    @pl.when(c == 0)
    def _():
        for j in range(NB - 1):
            pltpu.async_copy(g0_hbm.at[src_v.at[j]], rows[j], gsem[j])

    @pl.when(c == 1)
    def _():
        for j in range(NB - 1):
            pltpu.async_copy(g1_hbm.at[src_v.at[j]], rows[j], gsem[j])

    zeros16 = jnp.zeros((16,), jnp.float32)
    GF = H // 16

    def zero_body(i, _):
        r = i // GF
        j = i - r * GF
        zbuf_v[r, pl.ds(j * 16, 16)] = zeros16
        return ()

    lax.fori_loop(0, ZR * GF, zero_body, ())
    for r in range(RPS // ZR):
        pltpu.sync_copy(zbuf_v, acc_sh.at[pl.ds(s * RPS + r * ZR, ZR)])
    plsc.subcore_barrier()

    def run_edges(g_hbm):
        def start_gather(j, ci):
            pltpu.async_copy(g_hbm.at[src_v.at[ci]], rows[j], gsem[j])

        def wait_gather(j):
            pltpu.make_async_copy(g_hbm.at[src_v.at[0]], rows[j],
                                  gsem[j]).wait()

        def edge_body(g, _):
            for j in range(NB):
                ci = NB * g + j
                wait_gather(j)

                @pl.when(ci + NB - 1 < C_S)
                def _(j=j, ci=ci):
                    start_gather((j + NB - 1) % NB, ci + NB - 1)

                pltpu.sync_copy(rows[j], acc_sh.at[dst_v.at[ci]], add=True)
            return ()

        lax.fori_loop(0, C_S // NB, edge_body, ())

    @pl.when(c == 0)
    def _():
        run_edges(g0_hbm)

    @pl.when(c == 1)
    def _():
        run_edges(g1_hbm)

    plsc.subcore_barrier()
    sl = pl.ds(s * RPS, RPS)
    pltpu.sync_copy(acc_sh.at[sl], out_hbm.at[c, sl])


R = 2000


def _deg_of(deg_ref):
    d = jnp.sum(deg_ref[...], axis=1, keepdims=True) + 1.0
    return d, lax.rsqrt(d)


def _tc1m_body(x_ref, wa_ref, wb_ref, ga_ref, gb_ref):
    x = x_ref[...]
    ga_ref[...] = jnp.dot(x, wa_ref[...], preferred_element_type=jnp.float32)
    gb_ref[...] = jnp.dot(x, wb_ref[...], preferred_element_type=jnp.float32)


def _tc1s_body(deg_ref, ga_ref, gb_ref, gsa_ref, gsb_ref):
    _, ds = _deg_of(deg_ref)
    gsa_ref[...] = ga_ref[...] * ds
    gsb_ref[...] = gb_ref[...] * ds


def _tc2_body(deg_ref, s_ref, ga_ref, gb_ref, b_ref, wmu_ref, wls_ref,
              t0_ref, t1_ref, ts0_ref, ts1_ref):
    d, ds = _deg_of(deg_ref)
    inv = 1.0 / d
    g = jnp.concatenate([ga_ref[...], gb_ref[...]], axis=1)
    s1 = jnp.concatenate([s_ref[0], s_ref[1]], axis=1)
    h = jnp.maximum(ds * s1 + inv * g + b_ref[...], 0.0)
    t0 = jnp.dot(h, wmu_ref[...], preferred_element_type=jnp.float32)
    t1 = jnp.dot(h, wls_ref[...], preferred_element_type=jnp.float32)
    t0_ref[...] = t0
    t1_ref[...] = t1
    ts0_ref[...] = t0 * ds
    ts1_ref[...] = t1 * ds


def _tc3_body(deg_ref, s_ref, t0_ref, t1_ref, bmu_ref, bls_ref,
              mu_ref, ls_ref):
    d, ds = _deg_of(deg_ref)
    inv = 1.0 / d
    mu_ref[...] = ds * s_ref[0] + inv * t0_ref[...] + bmu_ref[...]
    ls_ref[...] = ds * s_ref[1] + inv * t1_ref[...] + bls_ref[...]


_deg_spec = pl.BlockSpec((R, NW), lambda i: (i, 0))
_xrow_spec = pl.BlockSpec((R, 128), lambda i: (i, 0))
_hrow_spec = pl.BlockSpec((R, H), lambda i: (i, 0))
_prow_spec = pl.BlockSpec((NC, R, H), lambda i: (0, i, 0))
_w_spec = pl.BlockSpec((128, H), lambda i: (0, 0))
_b_spec = pl.BlockSpec((1, 128), lambda i: (0, 0))
_bh_spec = pl.BlockSpec((1, H), lambda i: (0, 0))

_tc1m = pl.pallas_call(
    _tc1m_body,
    grid=(N // R,),
    in_specs=[_xrow_spec, _w_spec, _w_spec],
    out_specs=[_hrow_spec] * 2,
    out_shape=[jax.ShapeDtypeStruct((N, H), jnp.float32)] * 2,
)

_tc1s = pl.pallas_call(
    _tc1s_body,
    grid=(N // R,),
    in_specs=[_deg_spec, _hrow_spec, _hrow_spec],
    out_specs=[_hrow_spec] * 2,
    out_shape=[jax.ShapeDtypeStruct((N, H), jnp.float32)] * 2,
)

_tc2 = pl.pallas_call(
    _tc2_body,
    grid=(N // R,),
    in_specs=[_deg_spec, _prow_spec, _hrow_spec, _hrow_spec, _b_spec,
              _w_spec, _w_spec],
    out_specs=[_hrow_spec] * 4,
    out_shape=[jax.ShapeDtypeStruct((N, H), jnp.float32)] * 4,
)

_tc3 = pl.pallas_call(
    _tc3_body,
    grid=(N // R,),
    in_specs=[_deg_spec, _prow_spec, _hrow_spec, _hrow_spec, _bh_spec,
              _bh_spec],
    out_specs=[_hrow_spec] * 2,
    out_shape=[jax.ShapeDtypeStruct((N, H), jnp.float32)] * 2,
)


def kernel(x, edge_index, W1, b1, Wmu, bmu, Wls, bls):
    ei = edge_index.astype(jnp.int32)
    pad_src = jnp.zeros((E_PAD,), jnp.int32)
    pad_dst = jnp.full((E_PAD,), NP - 1, jnp.int32)
    src_d = jnp.concatenate([ei[0], pad_src]).reshape(NS, C_S, KS)
    dst_d = jnp.concatenate([ei[1], pad_dst]).reshape(NS, C_S, KS)
    dst_deg = ei[1].reshape(NW, C_D, K)

    deg_p = _sc_degree(dst_deg).T
    ga, gb = _tc1m(x, W1[:, :H], W1[:, H:])
    gsa, gsb = _tc1s(deg_p, ga, gb)
    s1 = _sc_scatter(src_d, dst_d, gsa, gsb)
    t0, t1, ts0, ts1 = _tc2(deg_p, s1, ga, gb, b1.reshape(1, 128), Wmu, Wls)
    s2 = _sc_scatter(src_d, dst_d, ts0, ts1)
    mu, ls = _tc3(deg_p, s2, t0, t1, bmu.reshape(1, H), bls.reshape(1, H))
    return (mu, ls)

# --- scband reference (transcript-rebuilt; emitter-appended) ---
"""Pipeline reference for scband-vgaemodel-33809982554538 (READ-ONLY COPY).

The authoritative reference and input builder live on the scoring server;
editing this copy changes nothing except your own understanding.
"""

import jax, jax.numpy as jnp
import numpy as np

N_NODES = 10000
IN_CH = 128
HID = 128
OUT_CH = 64
N_EDGES = 320000


def gcn_conv(x, edge_index, W, b, n_nodes):
    # GCNConv (PyG semantics): add self-loops, symmetric normalization, linear transform, scatter-add aggregate
    src = edge_index[0]
    dst = edge_index[1]
    loop = jnp.arange(n_nodes, dtype=edge_index.dtype)
    src = jnp.concatenate([src, loop])
    dst = jnp.concatenate([dst, loop])
    deg = jnp.zeros((n_nodes,), dtype=x.dtype).at[dst].add(1.0)
    deg_inv_sqrt = jnp.where(deg > 0, deg ** -0.5, 0.0)
    norm = deg_inv_sqrt[src] * deg_inv_sqrt[dst]
    h = x @ W
    msgs = h[src] * norm[:, None]
    out = jnp.zeros((n_nodes, W.shape[1]), dtype=x.dtype).at[dst].add(msgs)
    return out + b


def setup_inputs(seed: int = 0) -> dict:
    key = jax.random.key(seed)
    k_x, k_e, k1, k2, k3 = jax.random.split(key, 5)
    x = jax.random.normal(k_x, (N_NODES, IN_CH), dtype=jnp.float32)
    edge_index = jax.random.randint(k_e, (2, N_EDGES), 0, N_NODES, dtype=jnp.int64)
    s1 = (1.0 / IN_CH) ** 0.5
    s2 = (1.0 / HID) ** 0.5
    W1 = jax.random.uniform(k1, (IN_CH, HID), jnp.float32, -s1, s1)
    b1 = jnp.zeros((HID,), jnp.float32)
    Wmu = jax.random.uniform(k2, (HID, OUT_CH), jnp.float32, -s2, s2)
    bmu = jnp.zeros((OUT_CH,), jnp.float32)
    Wls = jax.random.uniform(k3, (HID, OUT_CH), jnp.float32, -s2, s2)
    bls = jnp.zeros((OUT_CH,), jnp.float32)
    return {"x": x, "edge_index": edge_index, "W1": W1, "b1": b1, "Wmu": Wmu, "bmu": bmu, "Wls": Wls, "bls": bls}


def reference(x, edge_index, W1, b1, Wmu, bmu, Wls, bls):
    n_nodes = x.shape[0]
    h = jax.nn.relu(gcn_conv(x, edge_index, W1, b1, n_nodes))
    mu = gcn_conv(h, edge_index, Wmu, bmu, n_nodes)
    logstd = gcn_conv(h, edge_index, Wls, bls, n_nodes)
    return (mu, logstd)

if __name__ == "__main__":
    import jax
    _d = setup_inputs()
    print(jax.jit(kernel)(*tuple(_d.values())))

</pallas_src>

<mosaic_0001>
#map = affine_map<(d0, d1) -> (0, 0, 0)>
#map1 = affine_map<(d0, d1) -> (0, 0)>
module attributes {stable_mosaic.version = 14 : i64} {
  func.func @_sc_degree(%arg0: i32, %arg1: i32, %arg2: memref<32x125x80xi32, #tpu.memory_space<hbm>>, %arg3: memref<32x10112xf32, #tpu.memory_space<hbm>>, %arg4: memref<125x80xi32, #tpu.memory_space<vmem>>, %arg5: memref<10112xf32, #tpu.memory_space<vmem>>) attributes {dimension_semantics = [#tpu.dimension_semantics<core_parallel>, #tpu.dimension_semantics<subcore_parallel>], iteration_bounds = array<i64: 2, 16>, scalar_prefetch = 0 : i64, scratch_operands = 2 : i64, tpu.core_type = #tpu.core_type<sc_vector_subcore>, window_params = [{transform_indices = #map}, {transform_indices = #map1}]} {
    %mul3A = arith.constant 16 : i32
    %mul3A_0 = arith.muli %arg0, %mul3A : i32
    %add3A = arith.addi %mul3A_0, %arg1 : i32
    "tpu.region"() ({
      %run_scoped3A = tpu.sem_alloc : memref<!tpu.dma_semaphore, #tpu.memory_space<semaphore_mem>>
      %dma_start3A = arith.constant 0 : i32
      %dma_start3A_13 = arith.constant 0 : i32
      %dma_start3A_14 = tpu.memref_slice %arg2[%add3A, %dma_start3A, %dma_start3A_13] : memref<32x125x80xi32, #tpu.memory_space<hbm>> -> memref<1x125x80xi32, #tpu.memory_space<hbm>>
      %dma_start3A_15 = tpu.memref_squeeze %dma_start3A_14 : memref<1x125x80xi32, #tpu.memory_space<hbm>> -> memref<125x80xi32, #tpu.memory_space<hbm>>
      %dma_start3A_16 = arith.constant 0 : i32
      %dma_start3A_17 = arith.constant 0 : i32
      %dma_start3A_18 = tpu.memref_slice %arg2[%add3A, %dma_start3A_16, %dma_start3A_17] : memref<32x125x80xi32, #tpu.memory_space<hbm>> -> memref<1x125x80xi32, #tpu.memory_space<hbm>>
      %dma_start3A_19 = tpu.memref_squeeze %dma_start3A_18 : memref<1x125x80xi32, #tpu.memory_space<hbm>> -> memref<125x80xi32, #tpu.memory_space<hbm>>
      tpu.enqueue_dma source(%dma_start3A_19 : memref<125x80xi32, #tpu.memory_space<hbm>>) target(%arg4 : memref<125x80xi32, #tpu.memory_space<vmem>>) target_semaphore(%run_scoped3A : memref<!tpu.dma_semaphore, #tpu.memory_space<semaphore_mem>>)
      %dma_wait3A = arith.constant 0 : i32
      %dma_wait3A_20 = arith.constant 0 : i32
      %dma_wait3A_21 = tpu.memref_slice %arg2[%add3A, %dma_wait3A, %dma_wait3A_20] : memref<32x125x80xi32, #tpu.memory_space<hbm>> -> memref<1x125x80xi32, #tpu.memory_space<hbm>>
      %dma_wait3A_22 = tpu.memref_squeeze %dma_wait3A_21 : memref<1x125x80xi32, #tpu.memory_space<hbm>> -> memref<125x80xi32, #tpu.memory_space<hbm>>
      %dma_wait3A_23 = arith.constant 0 : i32
      %dma_wait3A_24 = arith.constant 0 : i32
      %dma_wait3A_25 = tpu.memref_slice %arg2[%add3A, %dma_wait3A_23, %dma_wait3A_24] : memref<32x125x80xi32, #tpu.memory_space<hbm>> -> memref<1x125x80xi32, #tpu.memory_space<hbm>>
      %dma_wait3A_26 = tpu.memref_squeeze %dma_wait3A_25 : memref<1x125x80xi32, #tpu.memory_space<hbm>> -> memref<125x80xi32, #tpu.memory_space<hbm>>
      tpu.wait_dma2 semaphore(%run_scoped3A : memref<!tpu.dma_semaphore, #tpu.memory_space<semaphore_mem>>) src(%dma_wait3A_26 : memref<125x80xi32, #tpu.memory_space<hbm>>) dst(%arg4 : memref<125x80xi32, #tpu.memory_space<vmem>>)
      tpu.yield
    }) : () -> ()
    %broadcast_in_dim3A = arith.constant 0.000000e+00 : f32
    %broadcast_in_dim3A_1 = vector.broadcast %broadcast_in_dim3A : f32 to vector<16xf32>
    %scan3A = arith.constant 0 : i32
    %scan3A_2 = arith.constant 632 : i32
    %scan3A_3 = arith.addi %scan3A, %scan3A_2 : i32
    %scan3A_4 = arith.constant 1 : i32
    scf.for %scan3A_13 = %scan3A to %scan3A_3 step %scan3A_4  : i32 {
      %mul3A_14 = arith.constant 16 : i32
      %mul3A_15 = arith.muli %scan3A_13, %mul3A_14 : i32
      %swap3A = arith.index_cast %mul3A_15 : i32 to index
      %swap3A_16 = tpu.vector_load %arg5[%swap3A] {strides = array<i32>} : memref<10112xf32, #tpu.memory_space<vmem>>, vector<16xf32>,
      tpu.vector_store %arg5[%swap3A], %broadcast_in_dim3A_1 {strides = array<i32>} : memref<10112xf32, #tpu.memory_space<vmem>>, vector<16xf32>,
    }
    %scan3A_5 = arith.constant 632 : i32
    %broadcast_in_dim3A_6 = arith.constant 1.000000e+00 : f32
    %broadcast_in_dim3A_7 = vector.broadcast %broadcast_in_dim3A_6 : f32 to vector<16xf32>
    %scan3A_8 = arith.constant 0 : i32
    %scan3A_9 = arith.constant 625 : i32
    %scan3A_10 = arith.addi %scan3A_8, %scan3A_9 : i32
    %scan3A_11 = arith.constant 1 : i32
    scf.for %scan3A_13 = %scan3A_8 to %scan3A_10 step %scan3A_11  : i32 {
      %jit3A = arith.constant 5 : i32
      %div3A = arith.divsi %scan3A_13, %jit3A : i32
      %sign3A = arith.constant 0 : i32
      %sign3A_14 = arith.cmpi sgt, %scan3A_13, %sign3A : i32
      %sign3A_15 = arith.extui %sign3A_14 : i1 to i32
      %sign3A_16 = arith.constant 0 : i32
      %sign3A_17 = arith.cmpi slt, %scan3A_13, %sign3A_16 : i32
      %sign3A_18 = arith.extui %sign3A_17 : i1 to i32
      %sign3A_19 = arith.subi %sign3A_15, %sign3A_18 : i32
      %sign3A_20 = arith.constant 0 : i32
      %sign3A_21 = arith.cmpi sgt, %jit3A, %sign3A_20 : i32
      %sign3A_22 = arith.extui %sign3A_21 : i1 to i32
      %sign3A_23 = arith.constant 0 : i32
      %sign3A_24 = arith.cmpi slt, %jit3A, %sign3A_23 : i32
      %sign3A_25 = arith.extui %sign3A_24 : i1 to i32
      %sign3A_26 = arith.subi %sign3A_22, %sign3A_25 : i32
      %ne3A = arith.cmpi ne, %sign3A_19, %sign3A_26 : i32
      %rem3A = arith.remsi %scan3A_13, %jit3A : i32
      %ne3A_27 = arith.constant 0 : i32
      %ne3A_28 = arith.cmpi ne, %rem3A, %ne3A_27 : i32
      %and3A = arith.andi %ne3A, %ne3A_28 : i1
      %sub3A = arith.constant 1 : i32
      %sub3A_29 = arith.subi %div3A, %sub3A : i32
      %select_n3A = arith.select %and3A, %sub3A_29, %div3A : i32
      %mul3A_30 = arith.constant 5 : i32
      %mul3A_31 = arith.muli %select_n3A, %mul3A_30 : i32
      %sub3A_32 = arith.subi %scan3A_13, %mul3A_31 : i32
      %mul3A_33 = arith.constant 16 : i32
      %mul3A_34 = arith.muli %sub3A_32, %mul3A_33 : i32
      %get3A = arith.index_cast %select_n3A : i32 to index
      %get3A_35 = arith.index_cast %mul3A_34 : i32 to index
      %get3A_36 = tpu.vector_load %arg4[%get3A, %get3A_35] {strides = array<i32>} : memref<125x80xi32, #tpu.memory_space<vmem>>, vector<16xi32>,
      tpu.vector_store_idx %arg5[%get3A_36], %broadcast_in_dim3A_7 {add = true} : memref<10112xf32, #tpu.memory_space<vmem>>[vector<16xi32>], vector<16xf32>,
    }
    %scan3A_12 = arith.constant 625 : i32
    "tpu.region"() ({
      %run_scoped3A = tpu.sem_alloc : memref<!tpu.dma_semaphore, #tpu.memory_space<semaphore_mem>>
      %dma_start3A = arith.constant 0 : i32
      %dma_start3A_13 = tpu.memref_slice %arg3[%add3A, %dma_start3A] : memref<32x10112xf32, #tpu.memory_space<hbm>> -> memref<1x10112xf32, #tpu.memory_space<hbm>>
      %dma_start3A_14 = tpu.memref_squeeze %dma_start3A_13 : memref<1x10112xf32, #tpu.memory_space<hbm>> -> memref<10112xf32, #tpu.memory_space<hbm>>
      %dma_start3A_15 = arith.constant 0 : i32
      %dma_start3A_16 = tpu.memref_slice %arg3[%add3A, %dma_start3A_15] : memref<32x10112xf32, #tpu.memory_space<hbm>> -> memref<1x10112xf32, #tpu.memory_space<hbm>>
      %dma_start3A_17 = tpu.memref_squeeze %dma_start3A_16 : memref<1x10112xf32, #tpu.memory_space<hbm>> -> memref<10112xf32, #tpu.memory_space<hbm>>
      tpu.enqueue_dma source(%arg5 : memref<10112xf32, #tpu.memory_space<vmem>>) target(%dma_start3A_17 : memref<10112xf32, #tpu.memory_space<hbm>>) target_semaphore(%run_scoped3A : memref<!tpu.dma_semaphore, #tpu.memory_space<semaphore_mem>>)
      %dma_wait3A = arith.constant 0 : i32
      %dma_wait3A_18 = tpu.memref_slice %arg3[%add3A, %dma_wait3A] : memref<32x10112xf32, #tpu.memory_space<hbm>> -> memref<1x10112xf32, #tpu.memory_space<hbm>>
      %dma_wait3A_19 = tpu.memref_squeeze %dma_wait3A_18 : memref<1x10112xf32, #tpu.memory_space<hbm>> -> memref<10112xf32, #tpu.memory_space<hbm>>
      %dma_wait3A_20 = arith.constant 0 : i32
      %dma_wait3A_21 = tpu.memref_slice %arg3[%add3A, %dma_wait3A_20] : memref<32x10112xf32, #tpu.memory_space<hbm>> -> memref<1x10112xf32, #tpu.memory_space<hbm>>
      %dma_wait3A_22 = tpu.memref_squeeze %dma_wait3A_21 : memref<1x10112xf32, #tpu.memory_space<hbm>> -> memref<10112xf32, #tpu.memory_space<hbm>>
      tpu.wait_dma2 semaphore(%run_scoped3A : memref<!tpu.dma_semaphore, #tpu.memory_space<semaphore_mem>>) src(%arg5 : memref<10112xf32, #tpu.memory_space<vmem>>) dst(%dma_wait3A_22 : memref<10112xf32, #tpu.memory_space<hbm>>)
      tpu.yield
    }) : () -> ()
    return
  }
}

#map = affine_map<(d0, d1) -> (0, 0, 0)>
#map1 = affine_map<(d0, d1) -> (0, 0)>
module attributes {stable_mosaic.version = 14 : i64} {
  func.func @_sc_scatter(%arg0: i32, %arg1: i32, %arg2: memref<16x159x128xi32, #tpu.memory_space<hbm>>, %arg3: memref<16x159x128xi32, #tpu.memory_space<hbm>>, %arg4: memref<10000x64xf32, #tpu.memory_space<hbm>>, %arg5: memref<10000x64xf32, #tpu.memory_space<hbm>>, %arg6: memref<2x10112x64xf32, #tpu.memory_space<hbm>>, %arg7: memref<159x128xi32, #tpu.memory_space<vmem>>, %arg8: memref<159x128xi32, #tpu.memory_space<vmem>>, %arg9: memref<128x64xf32, #tpu.memory_space<vmem>>, %arg10: memref<128x64xf32, #tpu.memory_space<vmem>>, %arg11: memref<128x64xf32, #tpu.memory_space<vmem>>, %arg12: memref<158x64xf32, #tpu.memory_space<vmem>>, %arg13: memref<10112x64xf32, #tpu.memory_space<vmem_shared>>, %arg14: memref<!tpu.dma_semaphore, #tpu.memory_space<semaphore_mem>>, %arg15: memref<!tpu.dma_semaphore, #tpu.memory_space<semaphore_mem>>, %arg16: memref<!tpu.dma_semaphore, #tpu.memory_space<semaphore_mem>>, %arg17: memref<!tpu.dma_semaphore, #tpu.memory_space<semaphore_mem>>, %arg18: memref<!tpu.dma_semaphore, #tpu.memory_space<semaphore_mem>>, %arg19: memref<!tpu.dma_semaphore, #tpu.memory_space<semaphore_mem>>) attributes {dimension_semantics = [#tpu.dimension_semantics<core_parallel>, #tpu.dimension_semantics<subcore_parallel>], iteration_bounds = array<i64: 2, 16>, scalar_prefetch = 0 : i64, scratch_operands = 13 : i64, tpu.core_type = #tpu.core_type<sc_vector_subcore>, window_params = [{transform_indices = #map}, {transform_indices = #map}, {transform_indices = #map1}, {transform_indices = #map1}, {transform_indices = #map}]} {
    "tpu.region"() ({
      %run_scoped3A = tpu.sem_alloc : memref<!tpu.dma_semaphore, #tpu.memory_space<semaphore_mem>>
      %dma_start3A = arith.constant 0 : i32
      %dma_start3A_39 = arith.constant 0 : i32
      %dma_start3A_40 = tpu.memref_slice %arg2[%arg1, %dma_start3A, %dma_start3A_39] : memref<16x159x128xi32, #tpu.memory_space<hbm>> -> memref<1x159x128xi32, #tpu.memory_space<hbm>>
      %dma_start3A_41 = tpu.memref_squeeze %dma_start3A_40 : memref<1x159x128xi32, #tpu.memory_space<hbm>> -> memref<159x128xi32, #tpu.memory_space<hbm>>
      %dma_start3A_42 = arith.constant 0 : i32
      %dma_start3A_43 = arith.constant 0 : i32
      %dma_start3A_44 = tpu.memref_slice %arg2[%arg1, %dma_start3A_42, %dma_start3A_43] : memref<16x159x128xi32, #tpu.memory_space<hbm>> -> memref<1x159x128xi32, #tpu.memory_space<hbm>>
      %dma_start3A_45 = tpu.memref_squeeze %dma_start3A_44 : memref<1x159x128xi32, #tpu.memory_space<hbm>> -> memref<159x128xi32, #tpu.memory_space<hbm>>
      tpu.enqueue_dma source(%dma_start3A_45 : memref<159x128xi32, #tpu.memory_space<hbm>>) target(%arg7 : memref<159x128xi32, #tpu.memory_space<vmem>>) target_semaphore(%run_scoped3A : memref<!tpu.dma_semaphore, #tpu.memory_space<semaphore_mem>>)
      %dma_wait3A = arith.constant 0 : i32
      %dma_wait3A_46 = arith.constant 0 : i32
      %dma_wait3A_47 = tpu.memref_slice %arg2[%arg1, %dma_wait3A, %dma_wait3A_46] : memref<16x159x128xi32, #tpu.memory_space<hbm>> -> memref<1x159x128xi32, #tpu.memory_space<hbm>>
      %dma_wait3A_48 = tpu.memref_squeeze %dma_wait3A_47 : memref<1x159x128xi32, #tpu.memory_space<hbm>> -> memref<159x128xi32, #tpu.memory_space<hbm>>
      %dma_wait3A_49 = arith.constant 0 : i32
      %dma_wait3A_50 = arith.constant 0 : i32
      %dma_wait3A_51 = tpu.memref_slice %arg2[%arg1, %dma_wait3A_49, %dma_wait3A_50] : memref<16x159x128xi32, #tpu.memory_space<hbm>> -> memref<1x159x128xi32, #tpu.memory_space<hbm>>
      %dma_wait3A_52 = tpu.memref_squeeze %dma_wait3A_51 : memref<1x159x128xi32, #tpu.memory_space<hbm>> -> memref<159x128xi32, #tpu.memory_space<hbm>>
      tpu.wait_dma2 semaphore(%run_scoped3A : memref<!tpu.dma_semaphore, #tpu.memory_space<semaphore_mem>>) src(%dma_wait3A_52 : memref<159x128xi32, #tpu.memory_space<hbm>>) dst(%arg7 : memref<159x128xi32, #tpu.memory_space<vmem>>)
      tpu.yield
    }) : () -> ()
    "tpu.region"() ({
      %run_scoped3A = tpu.sem_alloc : memref<!tpu.dma_semaphore, #tpu.memory_space<semaphore_mem>>
      %dma_start3A = arith.constant 0 : i32
      %dma_start3A_39 = arith.constant 0 : i32
      %dma_start3A_40 = tpu.memref_slice %arg3[%arg1, %dma_start3A, %dma_start3A_39] : memref<16x159x128xi32, #tpu.memory_space<hbm>> -> memref<1x159x128xi32, #tpu.memory_space<hbm>>
      %dma_start3A_41 = tpu.memref_squeeze %dma_start3A_40 : memref<1x159x128xi32, #tpu.memory_space<hbm>> -> memref<159x128xi32, #tpu.memory_space<hbm>>
      %dma_start3A_42 = arith.constant 0 : i32
      %dma_start3A_43 = arith.constant 0 : i32
      %dma_start3A_44 = tpu.memref_slice %arg3[%arg1, %dma_start3A_42, %dma_start3A_43] : memref<16x159x128xi32, #tpu.memory_space<hbm>> -> memref<1x159x128xi32, #tpu.memory_space<hbm>>
      %dma_start3A_45 = tpu.memref_squeeze %dma_start3A_44 : memref<1x159x128xi32, #tpu.memory_space<hbm>> -> memref<159x128xi32, #tpu.memory_space<hbm>>
      tpu.enqueue_dma source(%dma_start3A_45 : memref<159x128xi32, #tpu.memory_space<hbm>>) target(%arg8 : memref<159x128xi32, #tpu.memory_space<vmem>>) target_semaphore(%run_scoped3A : memref<!tpu.dma_semaphore, #tpu.memory_space<semaphore_mem>>)
      %dma_wait3A = arith.constant 0 : i32
      %dma_wait3A_46 = arith.constant 0 : i32
      %dma_wait3A_47 = tpu.memref_slice %arg3[%arg1, %dma_wait3A, %dma_wait3A_46] : memref<16x159x128xi32, #tpu.memory_space<hbm>> -> memref<1x159x128xi32, #tpu.memory_space<hbm>>
      %dma_wait3A_48 = tpu.memref_squeeze %dma_wait3A_47 : memref<1x159x128xi32, #tpu.memory_space<hbm>> -> memref<159x128xi32, #tpu.memory_space<hbm>>
      %dma_wait3A_49 = arith.constant 0 : i32
      %dma_wait3A_50 = arith.constant 0 : i32
      %dma_wait3A_51 = tpu.memref_slice %arg3[%arg1, %dma_wait3A_49, %dma_wait3A_50] : memref<16x159x128xi32, #tpu.memory_space<hbm>> -> memref<1x159x128xi32, #tpu.memory_space<hbm>>
      %dma_wait3A_52 = tpu.memref_squeeze %dma_wait3A_51 : memref<1x159x128xi32, #tpu.memory_space<hbm>> -> memref<159x128xi32, #tpu.memory_space<hbm>>
      tpu.wait_dma2 semaphore(%run_scoped3A : memref<!tpu.dma_semaphore, #tpu.memory_space<semaphore_mem>>) src(%dma_wait3A_52 : memref<159x128xi32, #tpu.memory_space<hbm>>) dst(%arg8 : memref<159x128xi32, #tpu.memory_space<vmem>>)
      tpu.yield
    }) : () -> ()
    %eq3A = arith.constant 0 : i32
    %eq3A_0 = arith.cmpi eq, %arg0, %eq3A : i32
    %convert_element_type3A = arith.extui %eq3A_0 : i1 to i32
    %cond3A = arith.constant 0 : i32
    %cond3A_1 = arith.cmpi ne, %convert_element_type3A, %cond3A : i32
    scf.if %cond3A_1 {
      %dma_start3A = arith.constant 0 : i32
      %dma_start3A_39 = arith.constant 0 : i32
      %dma_start3A_40 = tpu.memref_slice %arg7[%dma_start3A, %dma_start3A_39] : memref<159x128xi32, #tpu.memory_space<vmem>> -> memref<1x128xi32, #tpu.memory_space<vmem>>
      %dma_start3A_41 = tpu.memref_squeeze %dma_start3A_40 : memref<1x128xi32, #tpu.memory_space<vmem>> -> memref<128xi32, #tpu.memory_space<vmem>>
      %dma_start3A_42 = arith.constant 0 : i32
      %dma_start3A_43 = arith.constant 0 : i32
      %dma_start3A_44 = tpu.memref_slice %arg4[%dma_start3A_42, %dma_start3A_43] : memref<10000x64xf32, #tpu.memory_space<hbm>> -> memref<10000x64xf32, #tpu.memory_space<hbm>>
      tpu.enqueue_indirect_dma source(%dma_start3A_44 : memref<10000x64xf32, #tpu.memory_space<hbm>>) target(%arg9 : memref<128x64xf32, #tpu.memory_space<vmem>>) offsets(%dma_start3A_41 : memref<128xi32, #tpu.memory_space<vmem>>) semaphore(%arg14 : memref<!tpu.dma_semaphore, #tpu.memory_space<semaphore_mem>>)
      %dma_start3A_45 = arith.constant 1 : i32
      %dma_start3A_46 = arith.constant 0 : i32
      %dma_start3A_47 = tpu.memref_slice %arg7[%dma_start3A_45, %dma_start3A_46] : memref<159x128xi32, #tpu.memory_space<vmem>> -> memref<1x128xi32, #tpu.memory_space<vmem>>
      %dma_start3A_48 = tpu.memref_squeeze %dma_start3A_47 : memref<1x128xi32, #tpu.memory_space<vmem>> -> memref<128xi32, #tpu.memory_space<vmem>>
      %dma_start3A_49 = arith.constant 0 : i32
      %dma_start3A_50 = arith.constant 0 : i32
      %dma_start3A_51 = tpu.memref_slice %arg4[%dma_start3A_49, %dma_start3A_50] : memref<10000x64xf32, #tpu.memory_space<hbm>> -> memref<10000x64xf32, #tpu.memory_space<hbm>>
      tpu.enqueue_indirect_dma source(%dma_start3A_51 : memref<10000x64xf32, #tpu.memory_space<hbm>>) target(%arg10 : memref<128x64xf32, #tpu.memory_space<vmem>>) offsets(%dma_start3A_48 : memref<128xi32, #tpu.memory_space<vmem>>) semaphore(%arg15 : memref<!tpu.dma_semaphore, #tpu.memory_space<semaphore_mem>>)
    } else {
    }
    %eq3A_2 = arith.constant 1 : i32
    %eq3A_3 = arith.cmpi eq, %arg0, %eq3A_2 : i32
    %convert_element_type3A_4 = arith.extui %eq3A_3 : i1 to i32
    %cond3A_5 = arith.constant 0 : i32
    %cond3A_6 = arith.cmpi ne, %convert_element_type3A_4, %cond3A_5 : i32
    scf.if %cond3A_6 {
      %dma_start3A = arith.constant 0 : i32
      %dma_start3A_39 = arith.constant 0 : i32
      %dma_start3A_40 = tpu.memref_slice %arg7[%dma_start3A, %dma_start3A_39] : memref<159x128xi32, #tpu.memory_space<vmem>> -> memref<1x128xi32, #tpu.memory_space<vmem>>
      %dma_start3A_41 = tpu.memref_squeeze %dma_start3A_40 : memref<1x128xi32, #tpu.memory_space<vmem>> -> memref<128xi32, #tpu.memory_space<vmem>>
      %dma_start3A_42 = arith.constant 0 : i32
      %dma_start3A_43 = arith.constant 0 : i32
      %dma_start3A_44 = tpu.memref_slice %arg5[%dma_start3A_42, %dma_start3A_43] : memref<10000x64xf32, #tpu.memory_space<hbm>> -> memref<10000x64xf32, #tpu.memory_space<hbm>>
      tpu.enqueue_indirect_dma source(%dma_start3A_44 : memref<10000x64xf32, #tpu.memory_space<hbm>>) target(%arg9 : memref<128x64xf32, #tpu.memory_space<vmem>>) offsets(%dma_start3A_41 : memref<128xi32, #tpu.memory_space<vmem>>) semaphore(%arg14 : memref<!tpu.dma_semaphore, #tpu.memory_space<semaphore_mem>>)
      %dma_start3A_45 = arith.constant 1 : i32
      %dma_start3A_46 = arith.constant 0 : i32
      %dma_start3A_47 = tpu.memref_slice %arg7[%dma_start3A_45, %dma_start3A_46] : memref<159x128xi32, #tpu.memory_space<vmem>> -> memref<1x128xi32, #tpu.memory_space<vmem>>
      %dma_start3A_48 = tpu.memref_squeeze %dma_start3A_47 : memref<1x128xi32, #tpu.memory_space<vmem>> -> memref<128xi32, #tpu.memory_space<vmem>>
      %dma_start3A_49 = arith.constant 0 : i32
      %dma_start3A_50 = arith.constant 0 : i32
      %dma_start3A_51 = tpu.memref_slice %arg5[%dma_start3A_49, %dma_start3A_50] : memref<10000x64xf32, #tpu.memory_space<hbm>> -> memref<10000x64xf32, #tpu.memory_space<hbm>>
      tpu.enqueue_indirect_dma source(%dma_start3A_51 : memref<10000x64xf32, #tpu.memory_space<hbm>>) target(%arg10 : memref<128x64xf32, #tpu.memory_space<vmem>>) offsets(%dma_start3A_48 : memref<128xi32, #tpu.memory_space<vmem>>) semaphore(%arg15 : memref<!tpu.dma_semaphore, #tpu.memory_space<semaphore_mem>>)
    } else {
    }
    %broadcast_in_dim3A = arith.constant 0.000000e+00 : f32
    %broadcast_in_dim3A_7 = vector.broadcast %broadcast_in_dim3A : f32 to vector<16xf32>
    %scan3A = arith.constant 0 : i32
    %scan3A_8 = arith.constant 632 : i32
    %scan3A_9 = arith.addi %scan3A, %scan3A_8 : i32
    %scan3A_10 = arith.constant 1 : i32
    scf.for %scan3A_39 = %scan3A to %scan3A_9 step %scan3A_10  : i32 {
      %jit3A = arith.constant 4 : i32
      %div3A = arith.divsi %scan3A_39, %jit3A : i32
      %sign3A = arith.constant 0 : i32
      %sign3A_40 = arith.cmpi sgt, %scan3A_39, %sign3A : i32
      %sign3A_41 = arith.extui %sign3A_40 : i1 to i32
      %sign3A_42 = arith.constant 0 : i32
      %sign3A_43 = arith.cmpi slt, %scan3A_39, %sign3A_42 : i32
      %sign3A_44 = arith.extui %sign3A_43 : i1 to i32
      %sign3A_45 = arith.subi %sign3A_41, %sign3A_44 : i32
      %sign3A_46 = arith.constant 0 : i32
      %sign3A_47 = arith.cmpi sgt, %jit3A, %sign3A_46 : i32
      %sign3A_48 = arith.extui %sign3A_47 : i1 to i32
      %sign3A_49 = arith.constant 0 : i32
      %sign3A_50 = arith.cmpi slt, %jit3A, %sign3A_49 : i32
      %sign3A_51 = arith.extui %sign3A_50 : i1 to i32
      %sign3A_52 = arith.subi %sign3A_48, %sign3A_51 : i32
      %ne3A = arith.cmpi ne, %sign3A_45, %sign3A_52 : i32
      %rem3A = arith.remsi %scan3A_39, %jit3A : i32
      %ne3A_53 = arith.constant 0 : i32
      %ne3A_54 = arith.cmpi ne, %rem3A, %ne3A_53 : i32
      %and3A = arith.andi %ne3A, %ne3A_54 : i1
      %sub3A = arith.constant 1 : i32
      %sub3A_55 = arith.subi %div3A, %sub3A : i32
      %select_n3A = arith.select %and3A, %sub3A_55, %div3A : i32
      %mul3A_56 = arith.constant 4 : i32
      %mul3A_57 = arith.muli %select_n3A, %mul3A_56 : i32
      %sub3A_58 = arith.subi %scan3A_39, %mul3A_57 : i32
      %mul3A_59 = arith.constant 16 : i32
      %mul3A_60 = arith.muli %sub3A_58, %mul3A_59 : i32
      %swap3A = arith.index_cast %select_n3A : i32 to index
      %swap3A_61 = arith.index_cast %mul3A_60 : i32 to index
      %swap3A_62 = tpu.vector_load %arg12[%swap3A, %swap3A_61] {strides = array<i32>} : memref<158x64xf32, #tpu.memory_space<vmem>>, vector<16xf32>,
      tpu.vector_store %arg12[%swap3A, %swap3A_61], %broadcast_in_dim3A_7 {strides = array<i32>} : memref<158x64xf32, #tpu.memory_space<vmem>>, vector<16xf32>,
    }
    %scan3A_11 = arith.constant 632 : i32
    %mul3A = arith.constant 632 : i32
    %mul3A_12 = arith.muli %arg1, %mul3A : i32
    %add3A = arith.constant 0 : i32
    %add3A_13 = arith.addi %mul3A_12, %add3A : i32
    "tpu.region"() ({
      %run_scoped3A = tpu.sem_alloc : memref<!tpu.dma_semaphore, #tpu.memory_space<semaphore_mem>>
      %dma_start3A = arith.constant 0 : i32
      %dma_start3A_39 = tpu.memref_slice %arg13[%add3A_13, %dma_start3A] : memref<10112x64xf32, #tpu.memory_space<vmem_shared>> -> memref<158x64xf32, #tpu.memory_space<vmem_shared>>
      %dma_start3A_40 = arith.constant 0 : i32
      %dma_start3A_41 = tpu.memref_slice %arg13[%add3A_13, %dma_start3A_40] : memref<10112x64xf32, #tpu.memory_space<vmem_shared>> -> memref<158x64xf32, #tpu.memory_space<vmem_shared>>
      tpu.enqueue_dma source(%arg12 : memref<158x64xf32, #tpu.memory_space<vmem>>) target(%dma_start3A_41 : memref<158x64xf32, #tpu.memory_space<vmem_shared>>) target_semaphore(%run_scoped3A : memref<!tpu.dma_semaphore, #tpu.memory_space<semaphore_mem>>)
      %dma_wait3A = arith.constant 0 : i32
      %dma_wait3A_42 = tpu.memref_slice %arg13[%add3A_13, %dma_wait3A] : memref<10112x64xf32, #tpu.memory_space<vmem_shared>> -> memref<158x64xf32, #tpu.memory_space<vmem_shared>>
      %dma_wait3A_43 = arith.constant 0 : i32
      %dma_wait3A_44 = tpu.memref_slice %arg13[%add3A_13, %dma_wait3A_43] : memref<10112x64xf32, #tpu.memory_space<vmem_shared>> -> memref<158x64xf32, #tpu.memory_space<vmem_shared>>
      tpu.wait_dma2 semaphore(%run_scoped3A : memref<!tpu.dma_semaphore, #tpu.memory_space<semaphore_mem>>) src(%arg12 : memref<158x64xf32, #tpu.memory_space<vmem>>) dst(%dma_wait3A_44 : memref<158x64xf32, #tpu.memory_space<vmem_shared>>)
      tpu.yield
    }) : () -> ()
    %mul3A_14 = arith.constant 632 : i32
    %mul3A_15 = arith.muli %arg1, %mul3A_14 : i32
    %add3A_16 = arith.constant 158 : i32
    %add3A_17 = arith.addi %mul3A_15, %add3A_16 : i32
    "tpu.region"() ({
      %run_scoped3A = tpu.sem_alloc : memref<!tpu.dma_semaphore, #tpu.memory_space<semaphore_mem>>
      %dma_start3A = arith.constant 0 : i32
      %dma_start3A_39 = tpu.memref_slice %arg13[%add3A_17, %dma_start3A] : memref<10112x64xf32, #tpu.memory_space<vmem_shared>> -> memref<158x64xf32, #tpu.memory_space<vmem_shared>>
      %dma_start3A_40 = arith.constant 0 : i32
      %dma_start3A_41 = tpu.memref_slice %arg13[%add3A_17, %dma_start3A_40] : memref<10112x64xf32, #tpu.memory_space<vmem_shared>> -> memref<158x64xf32, #tpu.memory_space<vmem_shared>>
      tpu.enqueue_dma source(%arg12 : memref<158x64xf32, #tpu.memory_space<vmem>>) target(%dma_start3A_41 : memref<158x64xf32, #tpu.memory_space<vmem_shared>>) target_semaphore(%run_scoped3A : memref<!tpu.dma_semaphore, #tpu.memory_space<semaphore_mem>>)
      %dma_wait3A = arith.constant 0 : i32
      %dma_wait3A_42 = tpu.memref_slice %arg13[%add3A_17, %dma_wait3A] : memref<10112x64xf32, #tpu.memory_space<vmem_shared>> -> memref<158x64xf32, #tpu.memory_space<vmem_shared>>
      %dma_wait3A_43 = arith.constant 0 : i32
      %dma_wait3A_44 = tpu.memref_slice %arg13[%add3A_17, %dma_wait3A_43] : memref<10112x64xf32, #tpu.memory_space<vmem_shared>> -> memref<158x64xf32, #tpu.memory_space<vmem_shared>>
      tpu.wait_dma2 semaphore(%run_scoped3A : memref<!tpu.dma_semaphore, #tpu.memory_space<semaphore_mem>>) src(%arg12 : memref<158x64xf32, #tpu.memory_space<vmem>>) dst(%dma_wait3A_44 : memref<158x64xf32, #tpu.memory_space<vmem_shared>>)
      tpu.yield
    }) : () -> ()
    %mul3A_18 = arith.constant 632 : i32
    %mul3A_19 = arith.muli %arg1, %mul3A_18 : i32
    %add3A_20 = arith.constant 316 : i32
    %add3A_21 = arith.addi %mul3A_19, %add3A_20 : i32
    "tpu.region"() ({
      %run_scoped3A = tpu.sem_alloc : memref<!tpu.dma_semaphore, #tpu.memory_space<semaphore_mem>>
      %dma_start3A = arith.constant 0 : i32
      %dma_start3A_39 = tpu.memref_slice %arg13[%add3A_21, %dma_start3A] : memref<10112x64xf32, #tpu.memory_space<vmem_shared>> -> memref<158x64xf32, #tpu.memory_space<vmem_shared>>
      %dma_start3A_40 = arith.constant 0 : i32
      %dma_start3A_41 = tpu.memref_slice %arg13[%add3A_21, %dma_start3A_40] : memref<10112x64xf32, #tpu.memory_space<vmem_shared>> -> memref<158x64xf32, #tpu.memory_space<vmem_shared>>
      tpu.enqueue_dma source(%arg12 : memref<158x64xf32, #tpu.memory_space<vmem>>) target(%dma_start3A_41 : memref<158x64xf32, #tpu.memory_space<vmem_shared>>) target_semaphore(%run_scoped3A : memref<!tpu.dma_semaphore, #tpu.memory_space<semaphore_mem>>)
      %dma_wait3A = arith.constant 0 : i32
      %dma_wait3A_42 = tpu.memref_slice %arg13[%add3A_21, %dma_wait3A] : memref<10112x64xf32, #tpu.memory_space<vmem_shared>> -> memref<158x64xf32, #tpu.memory_space<vmem_shared>>
      %dma_wait3A_43 = arith.constant 0 : i32
      %dma_wait3A_44 = tpu.memref_slice %arg13[%add3A_21, %dma_wait3A_43] : memref<10112x64xf32, #tpu.memory_space<vmem_shared>> -> memref<158x64xf32, #tpu.memory_space<vmem_shared>>
      tpu.wait_dma2 semaphore(%run_scoped3A : memref<!tpu.dma_semaphore, #tpu.memory_space<semaphore_mem>>) src(%arg12 : memref<158x64xf32, #tpu.memory_space<vmem>>) dst(%dma_wait3A_44 : memref<158x64xf32, #tpu.memory_space<vmem_shared>>)
      tpu.yield
    }) : () -> ()
    %mul3A_22 = arith.constant 632 : i32
    %mul3A_23 = arith.muli %arg1, %mul3A_22 : i32
    %add3A_24 = arith.constant 474 : i32
    %add3A_25 = arith.addi %mul3A_23, %add3A_24 : i32
    "tpu.region"() ({
      %run_scoped3A = tpu.sem_alloc : memref<!tpu.dma_semaphore, #tpu.memory_space<semaphore_mem>>
      %dma_start3A = arith.constant 0 : i32
      %dma_start3A_39 = tpu.memref_slice %arg13[%add3A_25, %dma_start3A] : memref<10112x64xf32, #tpu.memory_space<vmem_shared>> -> memref<158x64xf32, #tpu.memory_space<vmem_shared>>
      %dma_start3A_40 = arith.constant 0 : i32
      %dma_start3A_41 = tpu.memref_slice %arg13[%add3A_25, %dma_start3A_40] : memref<10112x64xf32, #tpu.memory_space<vmem_shared>> -> memref<158x64xf32, #tpu.memory_space<vmem_shared>>
      tpu.enqueue_dma source(%arg12 : memref<158x64xf32, #tpu.memory_space<vmem>>) target(%dma_start3A_41 : memref<158x64xf32, #tpu.memory_space<vmem_shared>>) target_semaphore(%run_scoped3A : memref<!tpu.dma_semaphore, #tpu.memory_space<semaphore_mem>>)
      %dma_wait3A = arith.constant 0 : i32
      %dma_wait3A_42 = tpu.memref_slice %arg13[%add3A_25, %dma_wait3A] : memref<10112x64xf32, #tpu.memory_space<vmem_shared>> -> memref<158x64xf32, #tpu.memory_space<vmem_shared>>
      %dma_wait3A_43 = arith.constant 0 : i32
      %dma_wait3A_44 = tpu.memref_slice %arg13[%add3A_25, %dma_wait3A_43] : memref<10112x64xf32, #tpu.memory_space<vmem_shared>> -> memref<158x64xf32, #tpu.memory_space<vmem_shared>>
      tpu.wait_dma2 semaphore(%run_scoped3A : memref<!tpu.dma_semaphore, #tpu.memory_space<semaphore_mem>>) src(%arg12 : memref<158x64xf32, #tpu.memory_space<vmem>>) dst(%dma_wait3A_44 : memref<158x64xf32, #tpu.memory_space<vmem_shared>>)
      tpu.yield
    }) : () -> ()
    %barrier3A = arith.constant 0 : index
    tpu.barrier barrier_id(%barrier3A)
    %eq3A_26 = arith.constant 0 : i32
    %eq3A_27 = arith.cmpi eq, %arg0, %eq3A_26 : i32
    %convert_element_type3A_28 = arith.extui %eq3A_27 : i1 to i32
    %cond3A_29 = arith.constant 0 : i32
    %cond3A_30 = arith.cmpi ne, %convert_element_type3A_28, %cond3A_29 : i32
    scf.if %cond3A_30 {
      %scan3A_39 = arith.constant 0 : i32
      %scan3A_40 = arith.constant 53 : i32
      %scan3A_41 = arith.addi %scan3A_39, %scan3A_40 : i32
      %scan3A_42 = arith.constant 1 : i32
      scf.for %scan3A_44 = %scan3A_39 to %scan3A_41 step %scan3A_42  : i32 {
        %mul3A_45 = arith.constant 3 : i32
        %mul3A_46 = arith.muli %mul3A_45, %scan3A_44 : i32
        %add3A_47 = arith.constant 0 : i32
        %add3A_48 = arith.addi %mul3A_46, %add3A_47 : i32
        %dma_wait3A = arith.constant 0 : i32
        %dma_wait3A_49 = arith.constant 0 : i32
        %dma_wait3A_50 = tpu.memref_slice %arg7[%dma_wait3A, %dma_wait3A_49] : memref<159x128xi32, #tpu.memory_space<vmem>> -> memref<1x128xi32, #tpu.memory_space<vmem>>
        %dma_wait3A_51 = tpu.memref_squeeze %dma_wait3A_50 : memref<1x128xi32, #tpu.memory_space<vmem>> -> memref<128xi32, #tpu.memory_space<vmem>>
        %dma_wait3A_52 = arith.constant 0 : i32
        %dma_wait3A_53 = arith.constant 0 : i32
        %dma_wait3A_54 = tpu.memref_slice %arg4[%dma_wait3A_52, %dma_wait3A_53] : memref<10000x64xf32, #tpu.memory_space<hbm>> -> memref<10000x64xf32, #tpu.memory_space<hbm>>
        tpu.wait_indirect_dma semaphore(%arg14 : memref<!tpu.dma_semaphore, #tpu.memory_space<semaphore_mem>>) src(%dma_wait3A_54 : memref<10000x64xf32, #tpu.memory_space<hbm>>) dst(%arg9 : memref<128x64xf32, #tpu.memory_space<vmem>>)
        %add3A_55 = arith.constant 3 : i32
        %add3A_56 = arith.addi %add3A_48, %add3A_55 : i32
        %sub3A = arith.constant 1 : i32
        %sub3A_57 = arith.subi %add3A_56, %sub3A : i32
        %lt3A = arith.constant 159 : i32
        %lt3A_58 = arith.cmpi slt, %sub3A_57, %lt3A : i32
        %convert_element_type3A_59 = arith.extui %lt3A_58 : i1 to i32
        %cond3A_60 = arith.constant 0 : i32
        %cond3A_61 = arith.cmpi ne, %convert_element_type3A_59, %cond3A_60 : i32
        scf.if %cond3A_61 {
          %add3A_102 = arith.constant 3 : i32
          %add3A_103 = arith.addi %add3A_48, %add3A_102 : i32
          %sub3A_104 = arith.constant 1 : i32
          %sub3A_105 = arith.subi %add3A_103, %sub3A_104 : i32
          %dma_start3A = arith.constant 0 : i32
          %dma_start3A_106 = tpu.memref_slice %arg7[%sub3A_105, %dma_start3A] : memref<159x128xi32, #tpu.memory_space<vmem>> -> memref<1x128xi32, #tpu.memory_space<vmem>>
          %dma_start3A_107 = tpu.memref_squeeze %dma_start3A_106 : memref<1x128xi32, #tpu.memory_space<vmem>> -> memref<128xi32, #tpu.memory_space<vmem>>
          %dma_start3A_108 = arith.constant 0 : i32
          %dma_start3A_109 = arith.constant 0 : i32
          %dma_start3A_110 = tpu.memref_slice %arg4[%dma_start3A_108, %dma_start3A_109] : memref<10000x64xf32, #tpu.memory_space<hbm>> -> memref<10000x64xf32, #tpu.memory_space<hbm>>
          tpu.enqueue_indirect_dma source(%dma_start3A_110 : memref<10000x64xf32, #tpu.memory_space<hbm>>) target(%arg11 : memref<128x64xf32, #tpu.memory_space<vmem>>) offsets(%dma_start3A_107 : memref<128xi32, #tpu.memory_space<vmem>>) semaphore(%arg16 : memref<!tpu.dma_semaphore, #tpu.memory_space<semaphore_mem>>)
        } else {
        }
        "tpu.region"() ({
          %run_scoped3A = tpu.sem_alloc : memref<!tpu.dma_semaphore, #tpu.memory_space<semaphore_mem>>
          %dma_start3A = arith.constant 0 : i32
          %dma_start3A_102 = tpu.memref_slice %arg8[%add3A_48, %dma_start3A] : memref<159x128xi32, #tpu.memory_space<vmem>> -> memref<1x128xi32, #tpu.memory_space<vmem>>
          %dma_start3A_103 = tpu.memref_squeeze %dma_start3A_102 : memref<1x128xi32, #tpu.memory_space<vmem>> -> memref<128xi32, #tpu.memory_space<vmem>>
          %dma_start3A_104 = arith.constant 0 : i32
          %dma_start3A_105 = arith.constant 0 : i32
          %dma_start3A_106 = tpu.memref_slice %arg13[%dma_start3A_104, %dma_start3A_105] : memref<10112x64xf32, #tpu.memory_space<vmem_shared>> -> memref<10112x64xf32, #tpu.memory_space<vmem_shared>>
          tpu.enqueue_indirect_dma source(%arg9 : memref<128x64xf32, #tpu.memory_space<vmem>>) target(%dma_start3A_106 : memref<10112x64xf32, #tpu.memory_space<vmem_shared>>) offsets(%dma_start3A_103 : memref<128xi32, #tpu.memory_space<vmem>>) semaphore(%run_scoped3A : memref<!tpu.dma_semaphore, #tpu.memory_space<semaphore_mem>>) {add = true}
          %dma_wait3A_107 = arith.constant 0 : i32
          %dma_wait3A_108 = tpu.memref_slice %arg8[%add3A_48, %dma_wait3A_107] : memref<159x128xi32, #tpu.memory_space<vmem>> -> memref<1x128xi32, #tpu.memory_space<vmem>>
          %dma_wait3A_109 = tpu.memref_squeeze %dma_wait3A_108 : memref<1x128xi32, #tpu.memory_space<vmem>> -> memref<128xi32, #tpu.memory_space<vmem>>
          %dma_wait3A_110 = arith.constant 0 : i32
          %dma_wait3A_111 = arith.constant 0 : i32
          %dma_wait3A_112 = tpu.memref_slice %arg13[%dma_wait3A_110, %dma_wait3A_111] : memref<10112x64xf32, #tpu.memory_space<vmem_shared>> -> memref<10112x64xf32, #tpu.memory_space<vmem_shared>>
          tpu.wait_indirect_dma semaphore(%run_scoped3A : memref<!tpu.dma_semaphore, #tpu.memory_space<semaphore_mem>>) src(%arg9 : memref<128x64xf32, #tpu.memory_space<vmem>>) dst(%dma_wait3A_112 : memref<10112x64xf32, #tpu.memory_space<vmem_shared>>)
          tpu.yield
        }) : () -> ()
        %mul3A_62 = arith.constant 3 : i32
        %mul3A_63 = arith.muli %mul3A_62, %scan3A_44 : i32
        %add3A_64 = arith.constant 1 : i32
        %add3A_65 = arith.addi %mul3A_63, %add3A_64 : i32
        %dma_wait3A_66 = arith.constant 0 : i32
        %dma_wait3A_67 = arith.constant 0 : i32
        %dma_wait3A_68 = tpu.memref_slice %arg7[%dma_wait3A_66, %dma_wait3A_67] : memref<159x128xi32, #tpu.memory_space<vmem>> -> memref<1x128xi32, #tpu.memory_space<vmem>>
        %dma_wait3A_69 = tpu.memref_squeeze %dma_wait3A_68 : memref<1x128xi32, #tpu.memory_space<vmem>> -> memref<128xi32, #tpu.memory_space<vmem>>
        %dma_wait3A_70 = arith.constant 0 : i32
        %dma_wait3A_71 = arith.constant 0 : i32
        %dma_wait3A_72 = tpu.memref_slice %arg4[%dma_wait3A_70, %dma_wait3A_71] : memref<10000x64xf32, #tpu.memory_space<hbm>> -> memref<10000x64xf32, #tpu.memory_space<hbm>>
        tpu.wait_indirect_dma semaphore(%arg15 : memref<!tpu.dma_semaphore, #tpu.memory_space<semaphore_mem>>) src(%dma_wait3A_72 : memref<10000x64xf32, #tpu.memory_space<hbm>>) dst(%arg10 : memref<128x64xf32, #tpu.memory_space<vmem>>)
        %add3A_73 = arith.constant 3 : i32
        %add3A_74 = arith.addi %add3A_65, %add3A_73 : i32
        %sub3A_75 = arith.constant 1 : i32
        %sub3A_76 = arith.subi %add3A_74, %sub3A_75 : i32
        %lt3A_77 = arith.constant 159 : i32
        %lt3A_78 = arith.cmpi slt, %sub3A_76, %lt3A_77 : i32
        %convert_element_type3A_79 = arith.extui %lt3A_78 : i1 to i32
        %cond3A_80 = arith.constant 0 : i32
        %cond3A_81 = arith.cmpi ne, %convert_element_type3A_79, %cond3A_80 : i32
        scf.if %cond3A_81 {
          %add3A_102 = arith.constant 3 : i32
          %add3A_103 = arith.addi %add3A_65, %add3A_102 : i32
          %sub3A_104 = arith.constant 1 : i32
          %sub3A_105 = arith.subi %add3A_103, %sub3A_104 : i32
          %dma_start3A = arith.constant 0 : i32
          %dma_start3A_106 = tpu.memref_slice %arg7[%sub3A_105, %dma_start3A] : memref<159x128xi32, #tpu.memory_space<vmem>> -> memref<1x128xi32, #tpu.memory_space<vmem>>
          %dma_start3A_107 = tpu.memref_squeeze %dma_start3A_106 : memref<1x128xi32, #tpu.memory_space<vmem>> -> memref<128xi32, #tpu.memory_space<vmem>>
          %dma_start3A_108 = arith.constant 0 : i32
          %dma_start3A_109 = arith.constant 0 : i32
          %dma_start3A_110 = tpu.memref_slice %arg4[%dma_start3A_108, %dma_start3A_109] : memref<10000x64xf32, #tpu.memory_space<hbm>> -> memref<10000x64xf32, #tpu.memory_space<hbm>>
          tpu.enqueue_indirect_dma source(%dma_start3A_110 : memref<10000x64xf32, #tpu.memory_space<hbm>>) target(%arg9 : memref<128x64xf32, #tpu.memory_space<vmem>>) offsets(%dma_start3A_107 : memref<128xi32, #tpu.memory_space<vmem>>) semaphore(%arg14 : memref<!tpu.dma_semaphore, #tpu.memory_space<semaphore_mem>>)
        } else {
        }
        "tpu.region"() ({
          %run_scoped3A = tpu.sem_alloc : memref<!tpu.dma_semaphore, #tpu.memory_space<semaphore_mem>>
          %dma_start3A = arith.constant 0 : i32
          %dma_start3A_102 = tpu.memref_slice %arg8[%add3A_65, %dma_start3A] : memref<159x128xi32, #tpu.memory_space<vmem>> -> memref<1x128xi32, #tpu.memory_space<vmem>>
          %dma_start3A_103 = tpu.memref_squeeze %dma_start3A_102 : memref<1x128xi32, #tpu.memory_space<vmem>> -> memref<128xi32, #tpu.memory_space<vmem>>
          %dma_start3A_104 = arith.constant 0 : i32
          %dma_start3A_105 = arith.constant 0 : i32
          %dma_start3A_106 = tpu.memref_slice %arg13[%dma_start3A_104, %dma_start3A_105] : memref<10112x64xf32, #tpu.memory_space<vmem_shared>> -> memref<10112x64xf32, #tpu.memory_space<vmem_shared>>
          tpu.enqueue_indirect_dma source(%arg10 : memref<128x64xf32, #tpu.memory_space<vmem>>) target(%dma_start3A_106 : memref<10112x64xf32, #tpu.memory_space<vmem_shared>>) offsets(%dma_start3A_103 : memref<128xi32, #tpu.memory_space<vmem>>) semaphore(%run_scoped3A : memref<!tpu.dma_semaphore, #tpu.memory_space<semaphore_mem>>) {add = true}
          %dma_wait3A_107 = arith.constant 0 : i32
          %dma_wait3A_108 = tpu.memref_slice %arg8[%add3A_65, %dma_wait3A_107] : memref<159x128xi32, #tpu.memory_space<vmem>> -> memref<1x128xi32, #tpu.memory_space<vmem>>
          %dma_wait3A_109 = tpu.memref_squeeze %dma_wait3A_108 : memref<1x128xi32, #tpu.memory_space<vmem>> -> memref<128xi32, #tpu.memory_space<vmem>>
          %dma_wait3A_110 = arith.constant 0 : i32
          %dma_wait3A_111 = arith.constant 0 : i32
          %dma_wait3A_112 = tpu.memref_slice %arg13[%dma_wait3A_110, %dma_wait3A_111] : memref<10112x64xf32, #tpu.memory_space<vmem_shared>> -> memref<10112x64xf32, #tpu.memory_space<vmem_shared>>
          tpu.wait_indirect_dma semaphore(%run_scoped3A : memref<!tpu.dma_semaphore, #tpu.memory_space<semaphore_mem>>) src(%arg10 : memref<128x64xf32, #tpu.memory_space<vmem>>) dst(%dma_wait3A_112 : memref<10112x64xf32, #tpu.memory_space<vmem_shared>>)
          tpu.yield
        }) : () -> ()
        %mul3A_82 = arith.constant 3 : i32
        %mul3A_83 = arith.muli %mul3A_82, %scan3A_44 : i32
        %add3A_84 = arith.constant 2 : i32
        %add3A_85 = arith.addi %mul3A_83, %add3A_84 : i32
        %dma_wait3A_86 = arith.constant 0 : i32
        %dma_wait3A_87 = arith.constant 0 : i32
        %dma_wait3A_88 = tpu.memref_slice %arg7[%dma_wait3A_86, %dma_wait3A_87] : memref<159x128xi32, #tpu.memory_space<vmem>> -> memref<1x128xi32, #tpu.memory_space<vmem>>
        %dma_wait3A_89 = tpu.memref_squeeze %dma_wait3A_88 : memref<1x128xi32, #tpu.memory_space<vmem>> -> memref<128xi32, #tpu.memory_space<vmem>>
        %dma_wait3A_90 = arith.constant 0 : i32
        %dma_wait3A_91 = arith.constant 0 : i32
        %dma_wait3A_92 = tpu.memref_slice %arg4[%dma_wait3A_90, %dma_wait3A_91] : memref<10000x64xf32, #tpu.memory_space<hbm>> -> memref<10000x64xf32, #tpu.memory_space<hbm>>
        tpu.wait_indirect_dma semaphore(%arg16 : memref<!tpu.dma_semaphore, #tpu.memory_space<semaphore_mem>>) src(%dma_wait3A_92 : memref<10000x64xf32, #tpu.memory_space<hbm>>) dst(%arg11 : memref<128x64xf32, #tpu.memory_space<vmem>>)
        %add3A_93 = arith.constant 3 : i32
        %add3A_94 = arith.addi %add3A_85, %add3A_93 : i32
        %sub3A_95 = arith.constant 1 : i32
        %sub3A_96 = arith.subi %add3A_94, %sub3A_95 : i32
        %lt3A_97 = arith.constant 159 : i32
        %lt3A_98 = arith.cmpi slt, %sub3A_96, %lt3A_97 : i32
        %convert_element_type3A_99 = arith.extui %lt3A_98 : i1 to i32
        %cond3A_100 = arith.constant 0 : i32
        %cond3A_101 = arith.cmpi ne, %convert_element_type3A_99, %cond3A_100 : i32
        scf.if %cond3A_101 {
          %add3A_102 = arith.constant 3 : i32
          %add3A_103 = arith.addi %add3A_85, %add3A_102 : i32
          %sub3A_104 = arith.constant 1 : i32
          %sub3A_105 = arith.subi %add3A_103, %sub3A_104 : i32
          %dma_start3A = arith.constant 0 : i32
          %dma_start3A_106 = tpu.memref_slice %arg7[%sub3A_105, %dma_start3A] : memref<159x128xi32, #tpu.memory_space<vmem>> -> memref<1x128xi32, #tpu.memory_space<vmem>>
          %dma_start3A_107 = tpu.memref_squeeze %dma_start3A_106 : memref<1x128xi32, #tpu.memory_space<vmem>> -> memref<128xi32, #tpu.memory_space<vmem>>
          %dma_start3A_108 = arith.constant 0 : i32
          %dma_start3A_109 = arith.constant 0 : i32
          %dma_start3A_110 = tpu.memref_slice %arg4[%dma_start3A_108, %dma_start3A_109] : memref<10000x64xf32, #tpu.memory_space<hbm>> -> memref<10000x64xf32, #tpu.memory_space<hbm>>
          tpu.enqueue_indirect_dma source(%dma_start3A_110 : memref<10000x64xf32, #tpu.memory_space<hbm>>) target(%arg10 : memref<128x64xf32, #tpu.memory_space<vmem>>) offsets(%dma_start3A_107 : memref<128xi32, #tpu.memory_space<vmem>>) semaphore(%arg15 : memref<!tpu.dma_semaphore, #tpu.memory_space<semaphore_mem>>)
        } else {
        }
        "tpu.region"() ({
          %run_scoped3A = tpu.sem_alloc : memref<!tpu.dma_semaphore, #tpu.memory_space<semaphore_mem>>
          %dma_start3A = arith.constant 0 : i32
          %dma_start3A_102 = tpu.memref_slice %arg8[%add3A_85, %dma_start3A] : memref<159x128xi32, #tpu.memory_space<vmem>> -> memref<1x128xi32, #tpu.memory_space<vmem>>
          %dma_start3A_103 = tpu.memref_squeeze %dma_start3A_102 : memref<1x128xi32, #tpu.memory_space<vmem>> -> memref<128xi32, #tpu.memory_space<vmem>>
          %dma_start3A_104 = arith.constant 0 : i32
          %dma_start3A_105 = arith.constant 0 : i32
          %dma_start3A_106 = tpu.memref_slice %arg13[%dma_start3A_104, %dma_start3A_105] : memref<10112x64xf32, #tpu.memory_space<vmem_shared>> -> memref<10112x64xf32, #tpu.memory_space<vmem_shared>>
          tpu.enqueue_indirect_dma source(%arg11 : memref<128x64xf32, #tpu.memory_space<vmem>>) target(%dma_start3A_106 : memref<10112x64xf32, #tpu.memory_space<vmem_shared>>) offsets(%dma_start3A_103 : memref<128xi32, #tpu.memory_space<vmem>>) semaphore(%run_scoped3A : memref<!tpu.dma_semaphore, #tpu.memory_space<semaphore_mem>>) {add = true}
          %dma_wait3A_107 = arith.constant 0 : i32
          %dma_wait3A_108 = tpu.memref_slice %arg8[%add3A_85, %dma_wait3A_107] : memref<159x128xi32, #tpu.memory_space<vmem>> -> memref<1x128xi32, #tpu.memory_space<vmem>>
          %dma_wait3A_109 = tpu.memref_squeeze %dma_wait3A_108 : memref<1x128xi32, #tpu.memory_space<vmem>> -> memref<128xi32, #tpu.memory_space<vmem>>
          %dma_wait3A_110 = arith.constant 0 : i32
          %dma_wait3A_111 = arith.constant 0 : i32
          %dma_wait3A_112 = tpu.memref_slice %arg13[%dma_wait3A_110, %dma_wait3A_111] : memref<10112x64xf32, #tpu.memory_space<vmem_shared>> -> memref<10112x64xf32, #tpu.memory_space<vmem_shared>>
          tpu.wait_indirect_dma semaphore(%run_scoped3A : memref<!tpu.dma_semaphore, #tpu.memory_space<semaphore_mem>>) src(%arg11 : memref<128x64xf32, #tpu.memory_space<vmem>>) dst(%dma_wait3A_112 : memref<10112x64xf32, #tpu.memory_space<vmem_shared>>)
          tpu.yield
        }) : () -> ()
      }
      %scan3A_43 = arith.constant 53 : i32
    } else {
    }
    %eq3A_31 = arith.constant 1 : i32
    %eq3A_32 = arith.cmpi eq, %arg0, %eq3A_31 : i32
    %convert_element_type3A_33 = arith.extui %eq3A_32 : i1 to i32
    %cond3A_34 = arith.constant 0 : i32
    %cond3A_35 = arith.cmpi ne, %convert_element_type3A_33, %cond3A_34 : i32
    scf.if %cond3A_35 {
      %scan3A_39 = arith.constant 0 : i32
      %scan3A_40 = arith.constant 53 : i32
      %scan3A_41 = arith.addi %scan3A_39, %scan3A_40 : i32
      %scan3A_42 = arith.constant 1 : i32
      scf.for %scan3A_44 = %scan3A_39 to %scan3A_41 step %scan3A_42  : i32 {
        %mul3A_45 = arith.constant 3 : i32
        %mul3A_46 = arith.muli %mul3A_45, %scan3A_44 : i32
        %add3A_47 = arith.constant 0 : i32
        %add3A_48 = arith.addi %mul3A_46, %add3A_47 : i32
        %dma_wait3A = arith.constant 0 : i32
        %dma_wait3A_49 = arith.constant 0 : i32
        %dma_wait3A_50 = tpu.memref_slice %arg7[%dma_wait3A, %dma_wait3A_49] : memref<159x128xi32, #tpu.memory_space<vmem>> -> memref<1x128xi32, #tpu.memory_space<vmem>>
        %dma_wait3A_51 = tpu.memref_squeeze %dma_wait3A_50 : memref<1x128xi32, #tpu.memory_space<vmem>> -> memref<128xi32, #tpu.memory_space<vmem>>
        %dma_wait3A_52 = arith.constant 0 : i32
        %dma_wait3A_53 = arith.constant 0 : i32
        %dma_wait3A_54 = tpu.memref_slice %arg5[%dma_wait3A_52, %dma_wait3A_53] : memref<10000x64xf32, #tpu.memory_space<hbm>> -> memref<10000x64xf32, #tpu.memory_space<hbm>>
        tpu.wait_indirect_dma semaphore(%arg14 : memref<!tpu.dma_semaphore, #tpu.memory_space<semaphore_mem>>) src(%dma_wait3A_54 : memref<10000x64xf32, #tpu.memory_space<hbm>>) dst(%arg9 : memref<128x64xf32, #tpu.memory_space<vmem>>)
        %add3A_55 = arith.constant 3 : i32
        %add3A_56 = arith.addi %add3A_48, %add3A_55 : i32
        %sub3A = arith.constant 1 : i32
        %sub3A_57 = arith.subi %add3A_56, %sub3A : i32
        %lt3A = arith.constant 159 : i32
        %lt3A_58 = arith.cmpi slt, %sub3A_57, %lt3A : i32
        %convert_element_type3A_59 = arith.extui %lt3A_58 : i1 to i32
        %cond3A_60 = arith.constant 0 : i32
        %cond3A_61 = arith.cmpi ne, %convert_element_type3A_59, %cond3A_60 : i32
        scf.if %cond3A_61 {
          %add3A_102 = arith.constant 3 : i32
          %add3A_103 = arith.addi %add3A_48, %add3A_102 : i32
          %sub3A_104 = arith.constant 1 : i32
          %sub3A_105 = arith.subi %add3A_103, %sub3A_104 : i32
          %dma_start3A = arith.constant 0 : i32
          %dma_start3A_106 = tpu.memref_slice %arg7[%sub3A_105, %dma_start3A] : memref<159x128xi32, #tpu.memory_space<vmem>> -> memref<1x128xi32, #tpu.memory_space<vmem>>
          %dma_start3A_107 = tpu.memref_squeeze %dma_start3A_106 : memref<1x128xi32, #tpu.memory_space<vmem>> -> memref<128xi32, #tpu.memory_space<vmem>>
          %dma_start3A_108 = arith.constant 0 : i32
          %dma_start3A_109 = arith.constant 0 : i32
          %dma_start3A_110 = tpu.memref_slice %arg5[%dma_start3A_108, %dma_start3A_109] : memref<10000x64xf32, #tpu.memory_space<hbm>> -> memref<10000x64xf32, #tpu.memory_space<hbm>>
          tpu.enqueue_indirect_dma source(%dma_start3A_110 : memref<10000x64xf32, #tpu.memory_space<hbm>>) target(%arg11 : memref<128x64xf32, #tpu.memory_space<vmem>>) offsets(%dma_start3A_107 : memref<128xi32, #tpu.memory_space<vmem>>) semaphore(%arg16 : memref<!tpu.dma_semaphore, #tpu.memory_space<semaphore_mem>>)
        } else {
        }
        "tpu.region"() ({
          %run_scoped3A = tpu.sem_alloc : memref<!tpu.dma_semaphore, #tpu.memory_space<semaphore_mem>>
          %dma_start3A = arith.constant 0 : i32
          %dma_start3A_102 = tpu.memref_slice %arg8[%add3A_48, %dma_start3A] : memref<159x128xi32, #tpu.memory_space<vmem>> -> memref<1x128xi32, #tpu.memory_space<vmem>>
          %dma_start3A_103 = tpu.memref_squeeze %dma_start3A_102 : memref<1x128xi32, #tpu.memory_space<vmem>> -> memref<128xi32, #tpu.memory_space<vmem>>
          %dma_start3A_104 = arith.constant 0 : i32
          %dma_start3A_105 = arith.constant 0 : i32
          %dma_start3A_106 = tpu.memref_slice %arg13[%dma_start3A_104, %dma_start3A_105] : memref<10112x64xf32, #tpu.memory_space<vmem_shared>> -> memref<10112x64xf32, #tpu.memory_space<vmem_shared>>
          tpu.enqueue_indirect_dma source(%arg9 : memref<128x64xf32, #tpu.memory_space<vmem>>) target(%dma_start3A_106 : memref<10112x64xf32, #tpu.memory_space<vmem_shared>>) offsets(%dma_start3A_103 : memref<128xi32, #tpu.memory_space<vmem>>) semaphore(%run_scoped3A : memref<!tpu.dma_semaphore, #tpu.memory_space<semaphore_mem>>) {add = true}
          %dma_wait3A_107 = arith.constant 0 : i32
          %dma_wait3A_108 = tpu.memref_slice %arg8[%add3A_48, %dma_wait3A_107] : memref<159x128xi32, #tpu.memory_space<vmem>> -> memref<1x128xi32, #tpu.memory_space<vmem>>
          %dma_wait3A_109 = tpu.memref_squeeze %dma_wait3A_108 : memref<1x128xi32, #tpu.memory_space<vmem>> -> memref<128xi32, #tpu.memory_space<vmem>>
          %dma_wait3A_110 = arith.constant 0 : i32
          %dma_wait3A_111 = arith.constant 0 : i32
          %dma_wait3A_112 = tpu.memref_slice %arg13[%dma_wait3A_110, %dma_wait3A_111] : memref<10112x64xf32, #tpu.memory_space<vmem_shared>> -> memref<10112x64xf32, #tpu.memory_space<vmem_shared>>
          tpu.wait_indirect_dma semaphore(%run_scoped3A : memref<!tpu.dma_semaphore, #tpu.memory_space<semaphore_mem>>) src(%arg9 : memref<128x64xf32, #tpu.memory_space<vmem>>) dst(%dma_wait3A_112 : memref<10112x64xf32, #tpu.memory_space<vmem_shared>>)
          tpu.yield
        }) : () -> ()
        %mul3A_62 = arith.constant 3 : i32
        %mul3A_63 = arith.muli %mul3A_62, %scan3A_44 : i32
        %add3A_64 = arith.constant 1 : i32
        %add3A_65 = arith.addi %mul3A_63, %add3A_64 : i32
        %dma_wait3A_66 = arith.constant 0 : i32
        %dma_wait3A_67 = arith.constant 0 : i32
        %dma_wait3A_68 = tpu.memref_slice %arg7[%dma_wait3A_66, %dma_wait3A_67] : memref<159x128xi32, #tpu.memory_space<vmem>> -> memref<1x128xi32, #tpu.memory_space<vmem>>
        %dma_wait3A_69 = tpu.memref_squeeze %dma_wait3A_68 : memref<1x128xi32, #tpu.memory_space<vmem>> -> memref<128xi32, #tpu.memory_space<vmem>>
        %dma_wait3A_70 = arith.constant 0 : i32
        %dma_wait3A_71 = arith.constant 0 : i32
        %dma_wait3A_72 = tpu.memref_slice %arg5[%dma_wait3A_70, %dma_wait3A_71] : memref<10000x64xf32, #tpu.memory_space<hbm>> -> memref<10000x64xf32, #tpu.memory_space<hbm>>
        tpu.wait_indirect_dma semaphore(%arg15 : memref<!tpu.dma_semaphore, #tpu.memory_space<semaphore_mem>>) src(%dma_wait3A_72 : memref<10000x64xf32, #tpu.memory_space<hbm>>) dst(%arg10 : memref<128x64xf32, #tpu.memory_space<vmem>>)
        %add3A_73 = arith.constant 3 : i32
        %add3A_74 = arith.addi %add3A_65, %add3A_73 : i32
        %sub3A_75 = arith.constant 1 : i32
        %sub3A_76 = arith.subi %add3A_74, %sub3A_75 : i32
        %lt3A_77 = arith.constant 159 : i32
        %lt3A_78 = arith.cmpi slt, %sub3A_76, %lt3A_77 : i32
        %convert_element_type3A_79 = arith.extui %lt3A_78 : i1 to i32
        %cond3A_80 = arith.constant 0 : i32
        %cond3A_81 = arith.cmpi ne, %convert_element_type3A_79, %cond3A_80 : i32
        scf.if %cond3A_81 {
          %add3A_102 = arith.constant 3 : i32
          %add3A_103 = arith.addi %add3A_65, %add3A_102 : i32
          %sub3A_104 = arith.constant 1 : i32
          %sub3A_105 = arith.subi %add3A_103, %sub3A_104 : i32
          %dma_start3A = arith.constant 0 : i32
          %dma_start3A_106 = tpu.memref_slice %arg7[%sub3A_105, %dma_start3A] : memref<159x128xi32, #tpu.memory_space<vmem>> -> memref<1x128xi32, #tpu.memory_space<vmem>>
          %dma_start3A_107 = tpu.memref_squeeze %dma_start3A_106 : memref<1x128xi32, #tpu.memory_space<vmem>> -> memref<128xi32, #tpu.memory_space<vmem>>
          %dma_start3A_108 = arith.constant 0 : i32
          %dma_start3A_109 = arith.constant 0 : i32
          %dma_start3A_110 = tpu.memref_slice %arg5[%dma_start3A_108, %dma_start3A_109] : memref<10000x64xf32, #tpu.memory_space<hbm>> -> memref<10000x64xf32, #tpu.memory_space<hbm>>
          tpu.enqueue_indirect_dma source(%dma_start3A_110 : memref<10000x64xf32, #tpu.memory_space<hbm>>) target(%arg9 : memref<128x64xf32, #tpu.memory_space<vmem>>) offsets(%dma_start3A_107 : memref<128xi32, #tpu.memory_space<vmem>>) semaphore(%arg14 : memref<!tpu.dma_semaphore, #tpu.memory_space<semaphore_mem>>)
        } else {
        }
        "tpu.region"() ({
          %run_scoped3A = tpu.sem_alloc : memref<!tpu.dma_semaphore, #tpu.memory_space<semaphore_mem>>
          %dma_start3A = arith.constant 0 : i32
          %dma_start3A_102 = tpu.memref_slice %arg8[%add3A_65, %dma_start3A] : memref<159x128xi32, #tpu.memory_space<vmem>> -> memref<1x128xi32, #tpu.memory_space<vmem>>
          %dma_start3A_103 = tpu.memref_squeeze %dma_start3A_102 : memref<1x128xi32, #tpu.memory_space<vmem>> -> memref<128xi32, #tpu.memory_space<vmem>>
          %dma_start3A_104 = arith.constant 0 : i32
          %dma_start3A_105 = arith.constant 0 : i32
          %dma_start3A_106 = tpu.memref_slice %arg13[%dma_start3A_104, %dma_start3A_105] : memref<10112x64xf32, #tpu.memory_space<vmem_shared>> -> memref<10112x64xf32, #tpu.memory_space<vmem_shared>>
          tpu.enqueue_indirect_dma source(%arg10 : memref<128x64xf32, #tpu.memory_space<vmem>>) target(%dma_start3A_106 : memref<10112x64xf32, #tpu.memory_space<vmem_shared>>) offsets(%dma_start3A_103 : memref<128xi32, #tpu.memory_space<vmem>>) semaphore(%run_scoped3A : memref<!tpu.dma_semaphore, #tpu.memory_space<semaphore_mem>>) {add = true}
          %dma_wait3A_107 = arith.constant 0 : i32
          %dma_wait3A_108 = tpu.memref_slice %arg8[%add3A_65, %dma_wait3A_107] : memref<159x128xi32, #tpu.memory_space<vmem>> -> memref<1x128xi32, #tpu.memory_space<vmem>>
          %dma_wait3A_109 = tpu.memref_squeeze %dma_wait3A_108 : memref<1x128xi32, #tpu.memory_space<vmem>> -> memref<128xi32, #tpu.memory_space<vmem>>
          %dma_wait3A_110 = arith.constant 0 : i32
          %dma_wait3A_111 = arith.constant 0 : i32
          %dma_wait3A_112 = tpu.memref_slice %arg13[%dma_wait3A_110, %dma_wait3A_111] : memref<10112x64xf32, #tpu.memory_space<vmem_shared>> -> memref<10112x64xf32, #tpu.memory_space<vmem_shared>>
          tpu.wait_indirect_dma semaphore(%run_scoped3A : memref<!tpu.dma_semaphore, #tpu.memory_space<semaphore_mem>>) src(%arg10 : memref<128x64xf32, #tpu.memory_space<vmem>>) dst(%dma_wait3A_112 : memref<10112x64xf32, #tpu.memory_space<vmem_shared>>)
          tpu.yield
        }) : () -> ()
        %mul3A_82 = arith.constant 3 : i32
        %mul3A_83 = arith.muli %mul3A_82, %scan3A_44 : i32
        %add3A_84 = arith.constant 2 : i32
        %add3A_85 = arith.addi %mul3A_83, %add3A_84 : i32
        %dma_wait3A_86 = arith.constant 0 : i32
        %dma_wait3A_87 = arith.constant 0 : i32
        %dma_wait3A_88 = tpu.memref_slice %arg7[%dma_wait3A_86, %dma_wait3A_87] : memref<159x128xi32, #tpu.memory_space<vmem>> -> memref<1x128xi32, #tpu.memory_space<vmem>>
        %dma_wait3A_89 = tpu.memref_squeeze %dma_wait3A_88 : memref<1x128xi32, #tpu.memory_space<vmem>> -> memref<128xi32, #tpu.memory_space<vmem>>
        %dma_wait3A_90 = arith.constant 0 : i32
        %dma_wait3A_91 = arith.constant 0 : i32
        %dma_wait3A_92 = tpu.memref_slice %arg5[%dma_wait3A_90, %dma_wait3A_91] : memref<10000x64xf32, #tpu.memory_space<hbm>> -> memref<10000x64xf32, #tpu.memory_space<hbm>>
        tpu.wait_indirect_dma semaphore(%arg16 : memref<!tpu.dma_semaphore, #tpu.memory_space<semaphore_mem>>) src(%dma_wait3A_92 : memref<10000x64xf32, #tpu.memory_space<hbm>>) dst(%arg11 : memref<128x64xf32, #tpu.memory_space<vmem>>)
        %add3A_93 = arith.constant 3 : i32
        %add3A_94 = arith.addi %add3A_85, %add3A_93 : i32
        %sub3A_95 = arith.constant 1 : i32
        %sub3A_96 = arith.subi %add3A_94, %sub3A_95 : i32
        %lt3A_97 = arith.constant 159 : i32
        %lt3A_98 = arith.cmpi slt, %sub3A_96, %lt3A_97 : i32
        %convert_element_type3A_99 = arith.extui %lt3A_98 : i1 to i32
        %cond3A_100 = arith.constant 0 : i32
        %cond3A_101 = arith.cmpi ne, %convert_element_type3A_99, %cond3A_100 : i32
        scf.if %cond3A_101 {
          %add3A_102 = arith.constant 3 : i32
          %add3A_103 = arith.addi %add3A_85, %add3A_102 : i32
          %sub3A_104 = arith.constant 1 : i32
          %sub3A_105 = arith.subi %add3A_103, %sub3A_104 : i32
          %dma_start3A = arith.constant 0 : i32
          %dma_start3A_106 = tpu.memref_slice %arg7[%sub3A_105, %dma_start3A] : memref<159x128xi32, #tpu.memory_space<vmem>> -> memref<1x128xi32, #tpu.memory_space<vmem>>
          %dma_start3A_107 = tpu.memref_squeeze %dma_start3A_106 : memref<1x128xi32, #tpu.memory_space<vmem>> -> memref<128xi32, #tpu.memory_space<vmem>>
          %dma_start3A_108 = arith.constant 0 : i32
          %dma_start3A_109 = arith.constant 0 : i32
          %dma_start3A_110 = tpu.memref_slice %arg5[%dma_start3A_108, %dma_start3A_109] : memref<10000x64xf32, #tpu.memory_space<hbm>> -> memref<10000x64xf32, #tpu.memory_space<hbm>>
          tpu.enqueue_indirect_dma source(%dma_start3A_110 : memref<10000x64xf32, #tpu.memory_space<hbm>>) target(%arg10 : memref<128x64xf32, #tpu.memory_space<vmem>>) offsets(%dma_start3A_107 : memref<128xi32, #tpu.memory_space<vmem>>) semaphore(%arg15 : memref<!tpu.dma_semaphore, #tpu.memory_space<semaphore_mem>>)
        } else {
        }
        "tpu.region"() ({
          %run_scoped3A = tpu.sem_alloc : memref<!tpu.dma_semaphore, #tpu.memory_space<semaphore_mem>>
          %dma_start3A = arith.constant 0 : i32
          %dma_start3A_102 = tpu.memref_slice %arg8[%add3A_85, %dma_start3A] : memref<159x128xi32, #tpu.memory_space<vmem>> -> memref<1x128xi32, #tpu.memory_space<vmem>>
          %dma_start3A_103 = tpu.memref_squeeze %dma_start3A_102 : memref<1x128xi32, #tpu.memory_space<vmem>> -> memref<128xi32, #tpu.memory_space<vmem>>
          %dma_start3A_104 = arith.constant 0 : i32
          %dma_start3A_105 = arith.constant 0 : i32
          %dma_start3A_106 = tpu.memref_slice %arg13[%dma_start3A_104, %dma_start3A_105] : memref<10112x64xf32, #tpu.memory_space<vmem_shared>> -> memref<10112x64xf32, #tpu.memory_space<vmem_shared>>
          tpu.enqueue_indirect_dma source(%arg11 : memref<128x64xf32, #tpu.memory_space<vmem>>) target(%dma_start3A_106 : memref<10112x64xf32, #tpu.memory_space<vmem_shared>>) offsets(%dma_start3A_103 : memref<128xi32, #tpu.memory_space<vmem>>) semaphore(%run_scoped3A : memref<!tpu.dma_semaphore, #tpu.memory_space<semaphore_mem>>) {add = true}
          %dma_wait3A_107 = arith.constant 0 : i32
          %dma_wait3A_108 = tpu.memref_slice %arg8[%add3A_85, %dma_wait3A_107] : memref<159x128xi32, #tpu.memory_space<vmem>> -> memref<1x128xi32, #tpu.memory_space<vmem>>
          %dma_wait3A_109 = tpu.memref_squeeze %dma_wait3A_108 : memref<1x128xi32, #tpu.memory_space<vmem>> -> memref<128xi32, #tpu.memory_space<vmem>>
          %dma_wait3A_110 = arith.constant 0 : i32
          %dma_wait3A_111 = arith.constant 0 : i32
          %dma_wait3A_112 = tpu.memref_slice %arg13[%dma_wait3A_110, %dma_wait3A_111] : memref<10112x64xf32, #tpu.memory_space<vmem_shared>> -> memref<10112x64xf32, #tpu.memory_space<vmem_shared>>
          tpu.wait_indirect_dma semaphore(%run_scoped3A : memref<!tpu.dma_semaphore, #tpu.memory_space<semaphore_mem>>) src(%arg11 : memref<128x64xf32, #tpu.memory_space<vmem>>) dst(%dma_wait3A_112 : memref<10112x64xf32, #tpu.memory_space<vmem_shared>>)
          tpu.yield
        }) : () -> ()
      }
      %scan3A_43 = arith.constant 53 : i32
    } else {
    }
    %barrier3A_36 = arith.constant 0 : index
    tpu.barrier barrier_id(%barrier3A_36)
    %mul3A_37 = arith.constant 632 : i32
    %mul3A_38 = arith.muli %arg1, %mul3A_37 : i32
    "tpu.region"() ({
      %run_scoped3A = tpu.sem_alloc : memref<!tpu.dma_semaphore, #tpu.memory_space<semaphore_mem>>
      %dma_start3A = arith.constant 0 : i32
      %dma_start3A_39 = tpu.memref_slice %arg6[%arg0, %mul3A_38, %dma_start3A] : memref<2x10112x64xf32, #tpu.memory_space<hbm>> -> memref<1x632x64xf32, #tpu.memory_space<hbm>>
      %dma_start3A_40 = tpu.memref_squeeze %dma_start3A_39 : memref<1x632x64xf32, #tpu.memory_space<hbm>> -> memref<632x64xf32, #tpu.memory_space<hbm>>
      %dma_start3A_41 = arith.constant 0 : i32
      %dma_start3A_42 = tpu.memref_slice %arg13[%mul3A_38, %dma_start3A_41] : memref<10112x64xf32, #tpu.memory_space<vmem_shared>> -> memref<632x64xf32, #tpu.memory_space<vmem_shared>>
      tpu.enqueue_dma source(%dma_start3A_42 : memref<632x64xf32, #tpu.memory_space<vmem_shared>>) target(%dma_start3A_40 : memref<632x64xf32, #tpu.memory_space<hbm>>) target_semaphore(%run_scoped3A : memref<!tpu.dma_semaphore, #tpu.memory_space<semaphore_mem>>)
      %dma_wait3A = arith.constant 0 : i32
      %dma_wait3A_43 = tpu.memref_slice %arg6[%arg0, %mul3A_38, %dma_wait3A] : memref<2x10112x64xf32, #tpu.memory_space<hbm>> -> memref<1x632x64xf32, #tpu.memory_space<hbm>>
      %dma_wait3A_44 = tpu.memref_squeeze %dma_wait3A_43 : memref<1x632x64xf32, #tpu.memory_space<hbm>> -> memref<632x64xf32, #tpu.memory_space<hbm>>
      %dma_wait3A_45 = arith.constant 0 : i32
      %dma_wait3A_46 = tpu.memref_slice %arg13[%mul3A_38, %dma_wait3A_45] : memref<10112x64xf32, #tpu.memory_space<vmem_shared>> -> memref<632x64xf32, #tpu.memory_space<vmem_shared>>
      tpu.wait_dma2 semaphore(%run_scoped3A : memref<!tpu.dma_semaphore, #tpu.memory_space<semaphore_mem>>) src(%dma_wait3A_46 : memref<632x64xf32, #tpu.memory_space<vmem_shared>>) dst(%dma_wait3A_44 : memref<632x64xf32, #tpu.memory_space<hbm>>)
      tpu.yield
    }) : () -> ()
    return
  }
}

#map = affine_map<(d0, d1) -> (0, 0, 0)>
#map1 = affine_map<(d0, d1) -> (0, 0)>
module attributes {stable_mosaic.version = 14 : i64} {
  func.func @_sc_scatter(%arg0: i32, %arg1: i32, %arg2: memref<16x159x128xi32, #tpu.memory_space<hbm>>, %arg3: memref<16x159x128xi32, #tpu.memory_space<hbm>>, %arg4: memref<10000x64xf32, #tpu.memory_space<hbm>>, %arg5: memref<10000x64xf32, #tpu.memory_space<hbm>>, %arg6: memref<2x10112x64xf32, #tpu.memory_space<hbm>>, %arg7: memref<159x128xi32, #tpu.memory_space<vmem>>, %arg8: memref<159x128xi32, #tpu.memory_space<vmem>>, %arg9: memref<128x64xf32, #tpu.memory_space<vmem>>, %arg10: memref<128x64xf32, #tpu.memory_space<vmem>>, %arg11: memref<128x64xf32, #tpu.memory_space<vmem>>, %arg12: memref<158x64xf32, #tpu.memory_space<vmem>>, %arg13: memref<10112x64xf32, #tpu.memory_space<vmem_shared>>, %arg14: memref<!tpu.dma_semaphore, #tpu.memory_space<semaphore_mem>>, %arg15: memref<!tpu.dma_semaphore, #tpu.memory_space<semaphore_mem>>, %arg16: memref<!tpu.dma_semaphore, #tpu.memory_space<semaphore_mem>>, %arg17: memref<!tpu.dma_semaphore, #tpu.memory_space<semaphore_mem>>, %arg18: memref<!tpu.dma_semaphore, #tpu.memory_space<semaphore_mem>>, %arg19: memref<!tpu.dma_semaphore, #tpu.memory_space<semaphore_mem>>) attributes {dimension_semantics = [#tpu.dimension_semantics<core_parallel>, #tpu.dimension_semantics<subcore_parallel>], iteration_bounds = array<i64: 2, 16>, scalar_prefetch = 0 : i64, scratch_operands = 13 : i64, tpu.core_type = #tpu.core_type<sc_vector_subcore>, window_params = [{transform_indices = #map}, {transform_indices = #map}, {transform_indices = #map1}, {transform_indices = #map1}, {transform_indices = #map}]} {
    "tpu.region"() ({
      %run_scoped3A = tpu.sem_alloc : memref<!tpu.dma_semaphore, #tpu.memory_space<semaphore_mem>>
      %dma_start3A = arith.constant 0 : i32
      %dma_start3A_39 = arith.constant 0 : i32
      %dma_start3A_40 = tpu.memref_slice %arg2[%arg1, %dma_start3A, %dma_start3A_39] : memref<16x159x128xi32, #tpu.memory_space<hbm>> -> memref<1x159x128xi32, #tpu.memory_space<hbm>>
      %dma_start3A_41 = tpu.memref_squeeze %dma_start3A_40 : memref<1x159x128xi32, #tpu.memory_space<hbm>> -> memref<159x128xi32, #tpu.memory_space<hbm>>
      %dma_start3A_42 = arith.constant 0 : i32
      %dma_start3A_43 = arith.constant 0 : i32
      %dma_start3A_44 = tpu.memref_slice %arg2[%arg1, %dma_start3A_42, %dma_start3A_43] : memref<16x159x128xi32, #tpu.memory_space<hbm>> -> memref<1x159x128xi32, #tpu.memory_space<hbm>>
      %dma_start3A_45 = tpu.memref_squeeze %dma_start3A_44 : memref<1x159x128xi32, #tpu.memory_space<hbm>> -> memref<159x128xi32, #tpu.memory_space<hbm>>
      tpu.enqueue_dma source(%dma_start3A_45 : memref<159x128xi32, #tpu.memory_space<hbm>>) target(%arg7 : memref<159x128xi32, #tpu.memory_space<vmem>>) target_semaphore(%run_scoped3A : memref<!tpu.dma_semaphore, #tpu.memory_space<semaphore_mem>>)
      %dma_wait3A = arith.constant 0 : i32
      %dma_wait3A_46 = arith.constant 0 : i32
      %dma_wait3A_47 = tpu.memref_slice %arg2[%arg1, %dma_wait3A, %dma_wait3A_46] : memref<16x159x128xi32, #tpu.memory_space<hbm>> -> memref<1x159x128xi32, #tpu.memory_space<hbm>>
      %dma_wait3A_48 = tpu.memref_squeeze %dma_wait3A_47 : memref<1x159x128xi32, #tpu.memory_space<hbm>> -> memref<159x128xi32, #tpu.memory_space<hbm>>
      %dma_wait3A_49 = arith.constant 0 : i32
      %dma_wait3A_50 = arith.constant 0 : i32
      %dma_wait3A_51 = tpu.memref_slice %arg2[%arg1, %dma_wait3A_49, %dma_wait3A_50] : memref<16x159x128xi32, #tpu.memory_space<hbm>> -> memref<1x159x128xi32, #tpu.memory_space<hbm>>
      %dma_wait3A_52 = tpu.memref_squeeze %dma_wait3A_51 : memref<1x159x128xi32, #tpu.memory_space<hbm>> -> memref<159x128xi32, #tpu.memory_space<hbm>>
      tpu.wait_dma2 semaphore(%run_scoped3A : memref<!tpu.dma_semaphore, #tpu.memory_space<semaphore_mem>>) src(%dma_wait3A_52 : memref<159x128xi32, #tpu.memory_space<hbm>>) dst(%arg7 : memref<159x128xi32, #tpu.memory_space<vmem>>)
      tpu.yield
    }) : () -> ()
    "tpu.region"() ({
      %run_scoped3A = tpu.sem_alloc : memref<!tpu.dma_semaphore, #tpu.memory_space<semaphore_mem>>
      %dma_start3A = arith.constant 0 : i32
      %dma_start3A_39 = arith.constant 0 : i32
      %dma_start3A_40 = tpu.memref_slice %arg3[%arg1, %dma_start3A, %dma_start3A_39] : memref<16x159x128xi32, #tpu.memory_space<hbm>> -> memref<1x159x128xi32, #tpu.memory_space<hbm>>
      %dma_start3A_41 = tpu.memref_squeeze %dma_start3A_40 : memref<1x159x128xi32, #tpu.memory_space<hbm>> -> memref<159x128xi32, #tpu.memory_space<hbm>>
      %dma_start3A_42 = arith.constant 0 : i32
      %dma_start3A_43 = arith.constant 0 : i32
      %dma_start3A_44 = tpu.memref_slice %arg3[%arg1, %dma_start3A_42, %dma_start3A_43] : memref<16x159x128xi32, #tpu.memory_space<hbm>> -> memref<1x159x128xi32, #tpu.memory_space<hbm>>
      %dma_start3A_45 = tpu.memref_squeeze %dma_start3A_44 : memref<1x159x128xi32, #tpu.memory_space<hbm>> -> memref<159x128xi32, #tpu.memory_space<hbm>>
      tpu.enqueue_dma source(%dma_start3A_45 : memref<159x128xi32, #tpu.memory_space<hbm>>) target(%arg8 : memref<159x128xi32, #tpu.memory_space<vmem>>) target_semaphore(%run_scoped3A : memref<!tpu.dma_semaphore, #tpu.memory_space<semaphore_mem>>)
      %dma_wait3A = arith.constant 0 : i32
      %dma_wait3A_46 = arith.constant 0 : i32
      %dma_wait3A_47 = tpu.memref_slice %arg3[%arg1, %dma_wait3A, %dma_wait3A_46] : memref<16x159x128xi32, #tpu.memory_space<hbm>> -> memref<1x159x128xi32, #tpu.memory_space<hbm>>
      %dma_wait3A_48 = tpu.memref_squeeze %dma_wait3A_47 : memref<1x159x128xi32, #tpu.memory_space<hbm>> -> memref<159x128xi32, #tpu.memory_space<hbm>>
      %dma_wait3A_49 = arith.constant 0 : i32
      %dma_wait3A_50 = arith.constant 0 : i32
      %dma_wait3A_51 = tpu.memref_slice %arg3[%arg1, %dma_wait3A_49, %dma_wait3A_50] : memref<16x159x128xi32, #tpu.memory_space<hbm>> -> memref<1x159x128xi32, #tpu.memory_space<hbm>>
      %dma_wait3A_52 = tpu.memref_squeeze %dma_wait3A_51 : memref<1x159x128xi32, #tpu.memory_space<hbm>> -> memref<159x128xi32, #tpu.memory_space<hbm>>
      tpu.wait_dma2 semaphore(%run_scoped3A : memref<!tpu.dma_semaphore, #tpu.memory_space<semaphore_mem>>) src(%dma_wait3A_52 : memref<159x128xi32, #tpu.memory_space<hbm>>) dst(%arg8 : memref<159x128xi32, #tpu.memory_space<vmem>>)
      tpu.yield
    }) : () -> ()
    %eq3A = arith.constant 0 : i32
    %eq3A_0 = arith.cmpi eq, %arg0, %eq3A : i32
    %convert_element_type3A = arith.extui %eq3A_0 : i1 to i32
    %cond3A = arith.constant 0 : i32
    %cond3A_1 = arith.cmpi ne, %convert_element_type3A, %cond3A : i32
    scf.if %cond3A_1 {
      %dma_start3A = arith.constant 0 : i32
      %dma_start3A_39 = arith.constant 0 : i32
      %dma_start3A_40 = tpu.memref_slice %arg7[%dma_start3A, %dma_start3A_39] : memref<159x128xi32, #tpu.memory_space<vmem>> -> memref<1x128xi32, #tpu.memory_space<vmem>>
      %dma_start3A_41 = tpu.memref_squeeze %dma_start3A_40 : memref<1x128xi32, #tpu.memory_space<vmem>> -> memref<128xi32, #tpu.memory_space<vmem>>
      %dma_start3A_42 = arith.constant 0 : i32
      %dma_start3A_43 = arith.constant 0 : i32
      %dma_start3A_44 = tpu.memref_slice %arg4[%dma_start3A_42, %dma_start3A_43] : memref<10000x64xf32, #tpu.memory_space<hbm>> -> memref<10000x64xf32, #tpu.memory_space<hbm>>
      tpu.enqueue_indirect_dma source(%dma_start3A_44 : memref<10000x64xf32, #tpu.memory_space<hbm>>) target(%arg9 : memref<128x64xf32, #tpu.memory_space<vmem>>) offsets(%dma_start3A_41 : memref<128xi32, #tpu.memory_space<vmem>>) semaphore(%arg14 : memref<!tpu.dma_semaphore, #tpu.memory_space<semaphore_mem>>)
      %dma_start3A_45 = arith.constant 1 : i32
      %dma_start3A_46 = arith.constant 0 : i32
      %dma_start3A_47 = tpu.memref_slice %arg7[%dma_start3A_45, %dma_start3A_46] : memref<159x128xi32, #tpu.memory_space<vmem>> -> memref<1x128xi32, #tpu.memory_space<vmem>>
      %dma_start3A_48 = tpu.memref_squeeze %dma_start3A_47 : memref<1x128xi32, #tpu.memory_space<vmem>> -> memref<128xi32, #tpu.memory_space<vmem>>
      %dma_start3A_49 = arith.constant 0 : i32
      %dma_start3A_50 = arith.constant 0 : i32
      %dma_start3A_51 = tpu.memref_slice %arg4[%dma_start3A_49, %dma_start3A_50] : memref<10000x64xf32, #tpu.memory_space<hbm>> -> memref<10000x64xf32, #tpu.memory_space<hbm>>
      tpu.enqueue_indirect_dma source(%dma_start3A_51 : memref<10000x64xf32, #tpu.memory_space<hbm>>) target(%arg10 : memref<128x64xf32, #tpu.memory_space<vmem>>) offsets(%dma_start3A_48 : memref<128xi32, #tpu.memory_space<vmem>>) semaphore(%arg15 : memref<!tpu.dma_semaphore, #tpu.memory_space<semaphore_mem>>)
    } else {
    }
    %eq3A_2 = arith.constant 1 : i32
    %eq3A_3 = arith.cmpi eq, %arg0, %eq3A_2 : i32
    %convert_element_type3A_4 = arith.extui %eq3A_3 : i1 to i32
    %cond3A_5 = arith.constant 0 : i32
    %cond3A_6 = arith.cmpi ne, %convert_element_type3A_4, %cond3A_5 : i32
    scf.if %cond3A_6 {
      %dma_start3A = arith.constant 0 : i32
      %dma_start3A_39 = arith.constant 0 : i32
      %dma_start3A_40 = tpu.memref_slice %arg7[%dma_start3A, %dma_start3A_39] : memref<159x128xi32, #tpu.memory_space<vmem>> -> memref<1x128xi32, #tpu.memory_space<vmem>>
      %dma_start3A_41 = tpu.memref_squeeze %dma_start3A_40 : memref<1x128xi32, #tpu.memory_space<vmem>> -> memref<128xi32, #tpu.memory_space<vmem>>
      %dma_start3A_42 = arith.constant 0 : i32
      %dma_start3A_43 = arith.constant 0 : i32
      %dma_start3A_44 = tpu.memref_slice %arg5[%dma_start3A_42, %dma_start3A_43] : memref<10000x64xf32, #tpu.memory_space<hbm>> -> memref<10000x64xf32, #tpu.memory_space<hbm>>
      tpu.enqueue_indirect_dma source(%dma_start3A_44 : memref<10000x64xf32, #tpu.memory_space<hbm>>) target(%arg9 : memref<128x64xf32, #tpu.memory_space<vmem>>) offsets(%dma_start3A_41 : memref<128xi32, #tpu.memory_space<vmem>>) semaphore(%arg14 : memref<!tpu.dma_semaphore, #tpu.memory_space<semaphore_mem>>)
      %dma_start3A_45 = arith.constant 1 : i32
      %dma_start3A_46 = arith.constant 0 : i32
      %dma_start3A_47 = tpu.memref_slice %arg7[%dma_start3A_45, %dma_start3A_46] : memref<159x128xi32, #tpu.memory_space<vmem>> -> memref<1x128xi32, #tpu.memory_space<vmem>>
      %dma_start3A_48 = tpu.memref_squeeze %dma_start3A_47 : memref<1x128xi32, #tpu.memory_space<vmem>> -> memref<128xi32, #tpu.memory_space<vmem>>
      %dma_start3A_49 = arith.constant 0 : i32
      %dma_start3A_50 = arith.constant 0 : i32
      %dma_start3A_51 = tpu.memref_slice %arg5[%dma_start3A_49, %dma_start3A_50] : memref<10000x64xf32, #tpu.memory_space<hbm>> -> memref<10000x64xf32, #tpu.memory_space<hbm>>
      tpu.enqueue_indirect_dma source(%dma_start3A_51 : memref<10000x64xf32, #tpu.memory_space<hbm>>) target(%arg10 : memref<128x64xf32, #tpu.memory_space<vmem>>) offsets(%dma_start3A_48 : memref<128xi32, #tpu.memory_space<vmem>>) semaphore(%arg15 : memref<!tpu.dma_semaphore, #tpu.memory_space<semaphore_mem>>)
    } else {
    }
    %broadcast_in_dim3A = arith.constant 0.000000e+00 : f32
    %broadcast_in_dim3A_7 = vector.broadcast %broadcast_in_dim3A : f32 to vector<16xf32>
    %scan3A = arith.constant 0 : i32
    %scan3A_8 = arith.constant 632 : i32
    %scan3A_9 = arith.addi %scan3A, %scan3A_8 : i32
    %scan3A_10 = arith.constant 1 : i32
    scf.for %scan3A_39 = %scan3A to %scan3A_9 step %scan3A_10  : i32 {
      %jit3A = arith.constant 4 : i32
      %div3A = arith.divsi %scan3A_39, %jit3A : i32
      %sign3A = arith.constant 0 : i32
      %sign3A_40 = arith.cmpi sgt, %scan3A_39, %sign3A : i32
      %sign3A_41 = arith.extui %sign3A_40 : i1 to i32
      %sign3A_42 = arith.constant 0 : i32
      %sign3A_43 = arith.cmpi slt, %scan3A_39, %sign3A_42 : i32
      %sign3A_44 = arith.extui %sign3A_43 : i1 to i32
      %sign3A_45 = arith.subi %sign3A_41, %sign3A_44 : i32
      %sign3A_46 = arith.constant 0 : i32
      %sign3A_47 = arith.cmpi sgt, %jit3A, %sign3A_46 : i32
      %sign3A_48 = arith.extui %sign3A_47 : i1 to i32
      %sign3A_49 = arith.constant 0 : i32
      %sign3A_50 = arith.cmpi slt, %jit3A, %sign3A_49 : i32
      %sign3A_51 = arith.extui %sign3A_50 : i1 to i32
      %sign3A_52 = arith.subi %sign3A_48, %sign3A_51 : i32
      %ne3A = arith.cmpi ne, %sign3A_45, %sign3A_52 : i32
      %rem3A = arith.remsi %scan3A_39, %jit3A : i32
      %ne3A_53 = arith.constant 0 : i32
      %ne3A_54 = arith.cmpi ne, %rem3A, %ne3A_53 : i32
      %and3A = arith.andi %ne3A, %ne3A_54 : i1
      %sub3A = arith.constant 1 : i32
      %sub3A_55 = arith.subi %div3A, %sub3A : i32
      %select_n3A = arith.select %and3A, %sub3A_55, %div3A : i32
      %mul3A_56 = arith.constant 4 : i32
      %mul3A_57 = arith.muli %select_n3A, %mul3A_56 : i32
      %sub3A_58 = arith.subi %scan3A_39, %mul3A_57 : i32
      %mul3A_59 = arith.constant 16 : i32
      %mul3A_60 = arith.muli %sub3A_58, %mul3A_59 : i32
      %swap3A = arith.index_cast %select_n3A : i32 to index
      %swap3A_61 = arith.index_cast %mul3A_60 : i32 to index
      %swap3A_62 = tpu.vector_load %arg12[%swap3A, %swap3A_61] {strides = array<i32>} : memref<158x64xf32, #tpu.memory_space<vmem>>, vector<16xf32>,
      tpu.vector_store %arg12[%swap3A, %swap3A_61], %broadcast_in_dim3A_7 {strides = array<i32>} : memref<158x64xf32, #tpu.memory_space<vmem>>, vector<16xf32>,
    }
    %scan3A_11 = arith.constant 632 : i32
    %mul3A = arith.constant 632 : i32
    %mul3A_12 = arith.muli %arg1, %mul3A : i32
    %add3A = arith.constant 0 : i32
    %add3A_13 = arith.addi %mul3A_12, %add3A : i32
    "tpu.region"() ({
      %run_scoped3A = tpu.sem_alloc : memref<!tpu.dma_semaphore, #tpu.memory_space<semaphore_mem>>
      %dma_start3A = arith.constant 0 : i32
      %dma_start3A_39 = tpu.memref_slice %arg13[%add3A_13, %dma_start3A] : memref<10112x64xf32, #tpu.memory_space<vmem_shared>> -> memref<158x64xf32, #tpu.memory_space<vmem_shared>>
      %dma_start3A_40 = arith.constant 0 : i32
      %dma_start3A_41 = tpu.memref_slice %arg13[%add3A_13, %dma_start3A_40] : memref<10112x64xf32, #tpu.memory_space<vmem_shared>> -> memref<158x64xf32, #tpu.memory_space<vmem_shared>>
      tpu.enqueue_dma source(%arg12 : memref<158x64xf32, #tpu.memory_space<vmem>>) target(%dma_start3A_41 : memref<158x64xf32, #tpu.memory_space<vmem_shared>>) target_semaphore(%run_scoped3A : memref<!tpu.dma_semaphore, #tpu.memory_space<semaphore_mem>>)
      %dma_wait3A = arith.constant 0 : i32
      %dma_wait3A_42 = tpu.memref_slice %arg13[%add3A_13, %dma_wait3A] : memref<10112x64xf32, #tpu.memory_space<vmem_shared>> -> memref<158x64xf32, #tpu.memory_space<vmem_shared>>
      %dma_wait3A_43 = arith.constant 0 : i32
      %dma_wait3A_44 = tpu.memref_slice %arg13[%add3A_13, %dma_wait3A_43] : memref<10112x64xf32, #tpu.memory_space<vmem_shared>> -> memref<158x64xf32, #tpu.memory_space<vmem_shared>>
      tpu.wait_dma2 semaphore(%run_scoped3A : memref<!tpu.dma_semaphore, #tpu.memory_space<semaphore_mem>>) src(%arg12 : memref<158x64xf32, #tpu.memory_space<vmem>>) dst(%dma_wait3A_44 : memref<158x64xf32, #tpu.memory_space<vmem_shared>>)
      tpu.yield
    }) : () -> ()
    %mul3A_14 = arith.constant 632 : i32
    %mul3A_15 = arith.muli %arg1, %mul3A_14 : i32
    %add3A_16 = arith.constant 158 : i32
    %add3A_17 = arith.addi %mul3A_15, %add3A_16 : i32
    "tpu.region"() ({
      %run_scoped3A = tpu.sem_alloc : memref<!tpu.dma_semaphore, #tpu.memory_space<semaphore_mem>>
      %dma_start3A = arith.constant 0 : i32
      %dma_start3A_39 = tpu.memref_slice %arg13[%add3A_17, %dma_start3A] : memref<10112x64xf32, #tpu.memory_space<vmem_shared>> -> memref<158x64xf32, #tpu.memory_space<vmem_shared>>
      %dma_start3A_40 = arith.constant 0 : i32
      %dma_start3A_41 = tpu.memref_slice %arg13[%add3A_17, %dma_start3A_40] : memref<10112x64xf32, #tpu.memory_space<vmem_shared>> -> memref<158x64xf32, #tpu.memory_space<vmem_shared>>
      tpu.enqueue_dma source(%arg12 : memref<158x64xf32, #tpu.memory_space<vmem>>) target(%dma_start3A_41 : memref<158x64xf32, #tpu.memory_space<vmem_shared>>) target_semaphore(%run_scoped3A : memref<!tpu.dma_semaphore, #tpu.memory_space<semaphore_mem>>)
      %dma_wait3A = arith.constant 0 : i32
      %dma_wait3A_42 = tpu.memref_slice %arg13[%add3A_17, %dma_wait3A] : memref<10112x64xf32, #tpu.memory_space<vmem_shared>> -> memref<158x64xf32, #tpu.memory_space<vmem_shared>>
      %dma_wait3A_43 = arith.constant 0 : i32
      %dma_wait3A_44 = tpu.memref_slice %arg13[%add3A_17, %dma_wait3A_43] : memref<10112x64xf32, #tpu.memory_space<vmem_shared>> -> memref<158x64xf32, #tpu.memory_space<vmem_shared>>
      tpu.wait_dma2 semaphore(%run_scoped3A : memref<!tpu.dma_semaphore, #tpu.memory_space<semaphore_mem>>) src(%arg12 : memref<158x64xf32, #tpu.memory_space<vmem>>) dst(%dma_wait3A_44 : memref<158x64xf32, #tpu.memory_space<vmem_shared>>)
      tpu.yield
    }) : () -> ()
    %mul3A_18 = arith.constant 632 : i32
    %mul3A_19 = arith.muli %arg1, %mul3A_18 : i32
    %add3A_20 = arith.constant 316 : i32
    %add3A_21 = arith.addi %mul3A_19, %add3A_20 : i32
    "tpu.region"() ({
      %run_scoped3A = tpu.sem_alloc : memref<!tpu.dma_semaphore, #tpu.memory_space<semaphore_mem>>
      %dma_start3A = arith.constant 0 : i32
      %dma_start3A_39 = tpu.memref_slice %arg13[%add3A_21, %dma_start3A] : memref<10112x64xf32, #tpu.memory_space<vmem_shared>> -> memref<158x64xf32, #tpu.memory_space<vmem_shared>>
      %dma_start3A_40 = arith.constant 0 : i32
      %dma_start3A_41 = tpu.memref_slice %arg13[%add3A_21, %dma_start3A_40] : memref<10112x64xf32, #tpu.memory_space<vmem_shared>> -> memref<158x64xf32, #tpu.memory_space<vmem_shared>>
      tpu.enqueue_dma source(%arg12 : memref<158x64xf32, #tpu.memory_space<vmem>>) target(%dma_start3A_41 : memref<158x64xf32, #tpu.memory_space<vmem_shared>>) target_semaphore(%run_scoped3A : memref<!tpu.dma_semaphore, #tpu.memory_space<semaphore_mem>>)
      %dma_wait3A = arith.constant 0 : i32
      %dma_wait3A_42 = tpu.memref_slice %arg13[%add3A_21, %dma_wait3A] : memref<10112x64xf32, #tpu.memory_space<vmem_shared>> -> memref<158x64xf32, #tpu.memory_space<vmem_shared>>
      %dma_wait3A_43 = arith.constant 0 : i32
      %dma_wait3A_44 = tpu.memref_slice %arg13[%add3A_21, %dma_wait3A_43] : memref<10112x64xf32, #tpu.memory_space<vmem_shared>> -> memref<158x64xf32, #tpu.memory_space<vmem_shared>>
      tpu.wait_dma2 semaphore(%run_scoped3A : memref<!tpu.dma_semaphore, #tpu.memory_space<semaphore_mem>>) src(%arg12 : memref<158x64xf32, #tpu.memory_space<vmem>>) dst(%dma_wait3A_44 : memref<158x64xf32, #tpu.memory_space<vmem_shared>>)
      tpu.yield
    }) : () -> ()
    %mul3A_22 = arith.constant 632 : i32
    %mul3A_23 = arith.muli %arg1, %mul3A_22 : i32
    %add3A_24 = arith.constant 474 : i32
    %add3A_25 = arith.addi %mul3A_23, %add3A_24 : i32
    "tpu.region"() ({
      %run_scoped3A = tpu.sem_alloc : memref<!tpu.dma_semaphore, #tpu.memory_space<semaphore_mem>>
      %dma_start3A = arith.constant 0 : i32
      %dma_start3A_39 = tpu.memref_slice %arg13[%add3A_25, %dma_start3A] : memref<10112x64xf32, #tpu.memory_space<vmem_shared>> -> memref<158x64xf32, #tpu.memory_space<vmem_shared>>
      %dma_start3A_40 = arith.constant 0 : i32
      %dma_start3A_41 = tpu.memref_slice %arg13[%add3A_25, %dma_start3A_40] : memref<10112x64xf32, #tpu.memory_space<vmem_shared>> -> memref<158x64xf32, #tpu.memory_space<vmem_shared>>
      tpu.enqueue_dma source(%arg12 : memref<158x64xf32, #tpu.memory_space<vmem>>) target(%dma_start3A_41 : memref<158x64xf32, #tpu.memory_space<vmem_shared>>) target_semaphore(%run_scoped3A : memref<!tpu.dma_semaphore, #tpu.memory_space<semaphore_mem>>)
      %dma_wait3A = arith.constant 0 : i32
      %dma_wait3A_42 = tpu.memref_slice %arg13[%add3A_25, %dma_wait3A] : memref<10112x64xf32, #tpu.memory_space<vmem_shared>> -> memref<158x64xf32, #tpu.memory_space<vmem_shared>>
      %dma_wait3A_43 = arith.constant 0 : i32
      %dma_wait3A_44 = tpu.memref_slice %arg13[%add3A_25, %dma_wait3A_43] : memref<10112x64xf32, #tpu.memory_space<vmem_shared>> -> memref<158x64xf32, #tpu.memory_space<vmem_shared>>
      tpu.wait_dma2 semaphore(%run_scoped3A : memref<!tpu.dma_semaphore, #tpu.memory_space<semaphore_mem>>) src(%arg12 : memref<158x64xf32, #tpu.memory_space<vmem>>) dst(%dma_wait3A_44 : memref<158x64xf32, #tpu.memory_space<vmem_shared>>)
      tpu.yield
    }) : () -> ()
    %barrier3A = arith.constant 0 : index
    tpu.barrier barrier_id(%barrier3A)
    %eq3A_26 = arith.constant 0 : i32
    %eq3A_27 = arith.cmpi eq, %arg0, %eq3A_26 : i32
    %convert_element_type3A_28 = arith.extui %eq3A_27 : i1 to i32
    %cond3A_29 = arith.constant 0 : i32
    %cond3A_30 = arith.cmpi ne, %convert_element_type3A_28, %cond3A_29 : i32
    scf.if %cond3A_30 {
      %scan3A_39 = arith.constant 0 : i32
      %scan3A_40 = arith.constant 53 : i32
      %scan3A_41 = arith.addi %scan3A_39, %scan3A_40 : i32
      %scan3A_42 = arith.constant 1 : i32
      scf.for %scan3A_44 = %scan3A_39 to %scan3A_41 step %scan3A_42  : i32 {
        %mul3A_45 = arith.constant 3 : i32
        %mul3A_46 = arith.muli %mul3A_45, %scan3A_44 : i32
        %add3A_47 = arith.constant 0 : i32
        %add3A_48 = arith.addi %mul3A_46, %add3A_47 : i32
        %dma_wait3A = arith.constant 0 : i32
        %dma_wait3A_49 = arith.constant 0 : i32
        %dma_wait3A_50 = tpu.memref_slice %arg7[%dma_wait3A, %dma_wait3A_49] : memref<159x128xi32, #tpu.memory_space<vmem>> -> memref<1x128xi32, #tpu.memory_space<vmem>>
        %dma_wait3A_51 = tpu.memref_squeeze %dma_wait3A_50 : memref<1x128xi32, #tpu.memory_space<vmem>> -> memref<128xi32, #tpu.memory_space<vmem>>
        %dma_wait3A_52 = arith.constant 0 : i32
        %dma_wait3A_53 = arith.constant 0 : i32
        %dma_wait3A_54 = tpu.memref_slice %arg4[%dma_wait3A_52, %dma_wait3A_53] : memref<10000x64xf32, #tpu.memory_space<hbm>> -> memref<10000x64xf32, #tpu.memory_space<hbm>>
        tpu.wait_indirect_dma semaphore(%arg14 : memref<!tpu.dma_semaphore, #tpu.memory_space<semaphore_mem>>) src(%dma_wait3A_54 : memref<10000x64xf32, #tpu.memory_space<hbm>>) dst(%arg9 : memref<128x64xf32, #tpu.memory_space<vmem>>)
        %add3A_55 = arith.constant 3 : i32
        %add3A_56 = arith.addi %add3A_48, %add3A_55 : i32
        %sub3A = arith.constant 1 : i32
        %sub3A_57 = arith.subi %add3A_56, %sub3A : i32
        %lt3A = arith.constant 159 : i32
        %lt3A_58 = arith.cmpi slt, %sub3A_57, %lt3A : i32
        %convert_element_type3A_59 = arith.extui %lt3A_58 : i1 to i32
        %cond3A_60 = arith.constant 0 : i32
        %cond3A_61 = arith.cmpi ne, %convert_element_type3A_59, %cond3A_60 : i32
        scf.if %cond3A_61 {
          %add3A_102 = arith.constant 3 : i32
          %add3A_103 = arith.addi %add3A_48, %add3A_102 : i32
          %sub3A_104 = arith.constant 1 : i32
          %sub3A_105 = arith.subi %add3A_103, %sub3A_104 : i32
          %dma_start3A = arith.constant 0 : i32
          %dma_start3A_106 = tpu.memref_slice %arg7[%sub3A_105, %dma_start3A] : memref<159x128xi32, #tpu.memory_space<vmem>> -> memref<1x128xi32, #tpu.memory_space<vmem>>
          %dma_start3A_107 = tpu.memref_squeeze %dma_start3A_106 : memref<1x128xi32, #tpu.memory_space<vmem>> -> memref<128xi32, #tpu.memory_space<vmem>>
          %dma_start3A_108 = arith.constant 0 : i32
          %dma_start3A_109 = arith.constant 0 : i32
          %dma_start3A_110 = tpu.memref_slice %arg4[%dma_start3A_108, %dma_start3A_109] : memref<10000x64xf32, #tpu.memory_space<hbm>> -> memref<10000x64xf32, #tpu.memory_space<hbm>>
          tpu.enqueue_indirect_dma source(%dma_start3A_110 : memref<10000x64xf32, #tpu.memory_space<hbm>>) target(%arg11 : memref<128x64xf32, #tpu.memory_space<vmem>>) offsets(%dma_start3A_107 : memref<128xi32, #tpu.memory_space<vmem>>) semaphore(%arg16 : memref<!tpu.dma_semaphore, #tpu.memory_space<semaphore_mem>>)
        } else {
        }
        "tpu.region"() ({
          %run_scoped3A = tpu.sem_alloc : memref<!tpu.dma_semaphore, #tpu.memory_space<semaphore_mem>>
          %dma_start3A = arith.constant 0 : i32
          %dma_start3A_102 = tpu.memref_slice %arg8[%add3A_48, %dma_start3A] : memref<159x128xi32, #tpu.memory_space<vmem>> -> memref<1x128xi32, #tpu.memory_space<vmem>>
          %dma_start3A_103 = tpu.memref_squeeze %dma_start3A_102 : memref<1x128xi32, #tpu.memory_space<vmem>> -> memref<128xi32, #tpu.memory_space<vmem>>
          %dma_start3A_104 = arith.constant 0 : i32
          %dma_start3A_105 = arith.constant 0 : i32
          %dma_start3A_106 = tpu.memref_slice %arg13[%dma_start3A_104, %dma_start3A_105] : memref<10112x64xf32, #tpu.memory_space<vmem_shared>> -> memref<10112x64xf32, #tpu.memory_space<vmem_shared>>
          tpu.enqueue_indirect_dma source(%arg9 : memref<128x64xf32, #tpu.memory_space<vmem>>) target(%dma_start3A_106 : memref<10112x64xf32, #tpu.memory_space<vmem_shared>>) offsets(%dma_start3A_103 : memref<128xi32, #tpu.memory_space<vmem>>) semaphore(%run_scoped3A : memref<!tpu.dma_semaphore, #tpu.memory_space<semaphore_mem>>) {add = true}
          %dma_wait3A_107 = arith.constant 0 : i32
          %dma_wait3A_108 = tpu.memref_slice %arg8[%add3A_48, %dma_wait3A_107] : memref<159x128xi32, #tpu.memory_space<vmem>> -> memref<1x128xi32, #tpu.memory_space<vmem>>
          %dma_wait3A_109 = tpu.memref_squeeze %dma_wait3A_108 : memref<1x128xi32, #tpu.memory_space<vmem>> -> memref<128xi32, #tpu.memory_space<vmem>>
          %dma_wait3A_110 = arith.constant 0 : i32
          %dma_wait3A_111 = arith.constant 0 : i32
          %dma_wait3A_112 = tpu.memref_slice %arg13[%dma_wait3A_110, %dma_wait3A_111] : memref<10112x64xf32, #tpu.memory_space<vmem_shared>> -> memref<10112x64xf32, #tpu.memory_space<vmem_shared>>
          tpu.wait_indirect_dma semaphore(%run_scoped3A : memref<!tpu.dma_semaphore, #tpu.memory_space<semaphore_mem>>) src(%arg9 : memref<128x64xf32, #tpu.memory_space<vmem>>) dst(%dma_wait3A_112 : memref<10112x64xf32, #tpu.memory_space<vmem_shared>>)
          tpu.yield
        }) : () -> ()
        %mul3A_62 = arith.constant 3 : i32
        %mul3A_63 = arith.muli %mul3A_62, %scan3A_44 : i32
        %add3A_64 = arith.constant 1 : i32
        %add3A_65 = arith.addi %mul3A_63, %add3A_64 : i32
        %dma_wait3A_66 = arith.constant 0 : i32
        %dma_wait3A_67 = arith.constant 0 : i32
        %dma_wait3A_68 = tpu.memref_slice %arg7[%dma_wait3A_66, %dma_wait3A_67] : memref<159x128xi32, #tpu.memory_space<vmem>> -> memref<1x128xi32, #tpu.memory_space<vmem>>
        %dma_wait3A_69 = tpu.memref_squeeze %dma_wait3A_68 : memref<1x128xi32, #tpu.memory_space<vmem>> -> memref<128xi32, #tpu.memory_space<vmem>>
        %dma_wait3A_70 = arith.constant 0 : i32
        %dma_wait3A_71 = arith.constant 0 : i32
        %dma_wait3A_72 = tpu.memref_slice %arg4[%dma_wait3A_70, %dma_wait3A_71] : memref<10000x64xf32, #tpu.memory_space<hbm>> -> memref<10000x64xf32, #tpu.memory_space<hbm>>
        tpu.wait_indirect_dma semaphore(%arg15 : memref<!tpu.dma_semaphore, #tpu.memory_space<semaphore_mem>>) src(%dma_wait3A_72 : memref<10000x64xf32, #tpu.memory_space<hbm>>) dst(%arg10 : memref<128x64xf32, #tpu.memory_space<vmem>>)
        %add3A_73 = arith.constant 3 : i32
        %add3A_74 = arith.addi %add3A_65, %add3A_73 : i32
        %sub3A_75 = arith.constant 1 : i32
        %sub3A_76 = arith.subi %add3A_74, %sub3A_75 : i32
        %lt3A_77 = arith.constant 159 : i32
        %lt3A_78 = arith.cmpi slt, %sub3A_76, %lt3A_77 : i32
        %convert_element_type3A_79 = arith.extui %lt3A_78 : i1 to i32
        %cond3A_80 = arith.constant 0 : i32
        %cond3A_81 = arith.cmpi ne, %convert_element_type3A_79, %cond3A_80 : i32
        scf.if %cond3A_81 {
          %add3A_102 = arith.constant 3 : i32
          %add3A_103 = arith.addi %add3A_65, %add3A_102 : i32
          %sub3A_104 = arith.constant 1 : i32
          %sub3A_105 = arith.subi %add3A_103, %sub3A_104 : i32
          %dma_start3A = arith.constant 0 : i32
          %dma_start3A_106 = tpu.memref_slice %arg7[%sub3A_105, %dma_start3A] : memref<159x128xi32, #tpu.memory_space<vmem>> -> memref<1x128xi32, #tpu.memory_space<vmem>>
          %dma_start3A_107 = tpu.memref_squeeze %dma_start3A_106 : memref<1x128xi32, #tpu.memory_space<vmem>> -> memref<128xi32, #tpu.memory_space<vmem>>
          %dma_start3A_108 = arith.constant 0 : i32
          %dma_start3A_109 = arith.constant 0 : i32
          %dma_start3A_110 = tpu.memref_slice %arg4[%dma_start3A_108, %dma_start3A_109] : memref<10000x64xf32, #tpu.memory_space<hbm>> -> memref<10000x64xf32, #tpu.memory_space<hbm>>
          tpu.enqueue_indirect_dma source(%dma_start3A_110 : memref<10000x64xf32, #tpu.memory_space<hbm>>) target(%arg9 : memref<128x64xf32, #tpu.memory_space<vmem>>) offsets(%dma_start3A_107 : memref<128xi32, #tpu.memory_space<vmem>>) semaphore(%arg14 : memref<!tpu.dma_semaphore, #tpu.memory_space<semaphore_mem>>)
        } else {
        }
        "tpu.region"() ({
          %run_scoped3A = tpu.sem_alloc : memref<!tpu.dma_semaphore, #tpu.memory_space<semaphore_mem>>
          %dma_start3A = arith.constant 0 : i32
          %dma_start3A_102 = tpu.memref_slice %arg8[%add3A_65, %dma_start3A] : memref<159x128xi32, #tpu.memory_space<vmem>> -> memref<1x128xi32, #tpu.memory_space<vmem>>
          %dma_start3A_103 = tpu.memref_squeeze %dma_start3A_102 : memref<1x128xi32, #tpu.memory_space<vmem>> -> memref<128xi32, #tpu.memory_space<vmem>>
          %dma_start3A_104 = arith.constant 0 : i32
          %dma_start3A_105 = arith.constant 0 : i32
          %dma_start3A_106 = tpu.memref_slice %arg13[%dma_start3A_104, %dma_start3A_105] : memref<10112x64xf32, #tpu.memory_space<vmem_shared>> -> memref<10112x64xf32, #tpu.memory_space<vmem_shared>>
          tpu.enqueue_indirect_dma source(%arg10 : memref<128x64xf32, #tpu.memory_space<vmem>>) target(%dma_start3A_106 : memref<10112x64xf32, #tpu.memory_space<vmem_shared>>) offsets(%dma_start3A_103 : memref<128xi32, #tpu.memory_space<vmem>>) semaphore(%run_scoped3A : memref<!tpu.dma_semaphore, #tpu.memory_space<semaphore_mem>>) {add = true}
          %dma_wait3A_107 = arith.constant 0 : i32
          %dma_wait3A_108 = tpu.memref_slice %arg8[%add3A_65, %dma_wait3A_107] : memref<159x128xi32, #tpu.memory_space<vmem>> -> memref<1x128xi32, #tpu.memory_space<vmem>>
          %dma_wait3A_109 = tpu.memref_squeeze %dma_wait3A_108 : memref<1x128xi32, #tpu.memory_space<vmem>> -> memref<128xi32, #tpu.memory_space<vmem>>
          %dma_wait3A_110 = arith.constant 0 : i32
          %dma_wait3A_111 = arith.constant 0 : i32
          %dma_wait3A_112 = tpu.memref_slice %arg13[%dma_wait3A_110, %dma_wait3A_111] : memref<10112x64xf32, #tpu.memory_space<vmem_shared>> -> memref<10112x64xf32, #tpu.memory_space<vmem_shared>>
          tpu.wait_indirect_dma semaphore(%run_scoped3A : memref<!tpu.dma_semaphore, #tpu.memory_space<semaphore_mem>>) src(%arg10 : memref<128x64xf32, #tpu.memory_space<vmem>>) dst(%dma_wait3A_112 : memref<10112x64xf32, #tpu.memory_space<vmem_shared>>)
          tpu.yield
        }) : () -> ()
        %mul3A_82 = arith.constant 3 : i32
        %mul3A_83 = arith.muli %mul3A_82, %scan3A_44 : i32
        %add3A_84 = arith.constant 2 : i32
        %add3A_85 = arith.addi %mul3A_83, %add3A_84 : i32
        %dma_wait3A_86 = arith.constant 0 : i32
        %dma_wait3A_87 = arith.constant 0 : i32
        %dma_wait3A_88 = tpu.memref_slice %arg7[%dma_wait3A_86, %dma_wait3A_87] : memref<159x128xi32, #tpu.memory_space<vmem>> -> memref<1x128xi32, #tpu.memory_space<vmem>>
        %dma_wait3A_89 = tpu.memref_squeeze %dma_wait3A_88 : memref<1x128xi32, #tpu.memory_space<vmem>> -> memref<128xi32, #tpu.memory_space<vmem>>
        %dma_wait3A_90 = arith.constant 0 : i32
        %dma_wait3A_91 = arith.constant 0 : i32
        %dma_wait3A_92 = tpu.memref_slice %arg4[%dma_wait3A_90, %dma_wait3A_91] : memref<10000x64xf32, #tpu.memory_space<hbm>> -> memref<10000x64xf32, #tpu.memory_space<hbm>>
        tpu.wait_indirect_dma semaphore(%arg16 : memref<!tpu.dma_semaphore, #tpu.memory_space<semaphore_mem>>) src(%dma_wait3A_92 : memref<10000x64xf32, #tpu.memory_space<hbm>>) dst(%arg11 : memref<128x64xf32, #tpu.memory_space<vmem>>)
        %add3A_93 = arith.constant 3 : i32
        %add3A_94 = arith.addi %add3A_85, %add3A_93 : i32
        %sub3A_95 = arith.constant 1 : i32
        %sub3A_96 = arith.subi %add3A_94, %sub3A_95 : i32
        %lt3A_97 = arith.constant 159 : i32
        %lt3A_98 = arith.cmpi slt, %sub3A_96, %lt3A_97 : i32
        %convert_element_type3A_99 = arith.extui %lt3A_98 : i1 to i32
        %cond3A_100 = arith.constant 0 : i32
        %cond3A_101 = arith.cmpi ne, %convert_element_type3A_99, %cond3A_100 : i32
        scf.if %cond3A_101 {
          %add3A_102 = arith.constant 3 : i32
          %add3A_103 = arith.addi %add3A_85, %add3A_102 : i32
          %sub3A_104 = arith.constant 1 : i32
          %sub3A_105 = arith.subi %add3A_103, %sub3A_104 : i32
          %dma_start3A = arith.constant 0 : i32
          %dma_start3A_106 = tpu.memref_slice %arg7[%sub3A_105, %dma_start3A] : memref<159x128xi32, #tpu.memory_space<vmem>> -> memref<1x128xi32, #tpu.memory_space<vmem>>
          %dma_start3A_107 = tpu.memref_squeeze %dma_start3A_106 : memref<1x128xi32, #tpu.memory_space<vmem>> -> memref<128xi32, #tpu.memory_space<vmem>>
          %dma_start3A_108 = arith.constant 0 : i32
          %dma_start3A_109 = arith.constant 0 : i32
          %dma_start3A_110 = tpu.memref_slice %arg4[%dma_start3A_108, %dma_start3A_109] : memref<10000x64xf32, #tpu.memory_space<hbm>> -> memref<10000x64xf32, #tpu.memory_space<hbm>>
          tpu.enqueue_indirect_dma source(%dma_start3A_110 : memref<10000x64xf32, #tpu.memory_space<hbm>>) target(%arg10 : memref<128x64xf32, #tpu.memory_space<vmem>>) offsets(%dma_start3A_107 : memref<128xi32, #tpu.memory_space<vmem>>) semaphore(%arg15 : memref<!tpu.dma_semaphore, #tpu.memory_space<semaphore_mem>>)
        } else {
        }
        "tpu.region"() ({
          %run_scoped3A = tpu.sem_alloc : memref<!tpu.dma_semaphore, #tpu.memory_space<semaphore_mem>>
          %dma_start3A = arith.constant 0 : i32
          %dma_start3A_102 = tpu.memref_slice %arg8[%add3A_85, %dma_start3A] : memref<159x128xi32, #tpu.memory_space<vmem>> -> memref<1x128xi32, #tpu.memory_space<vmem>>
          %dma_start3A_103 = tpu.memref_squeeze %dma_start3A_102 : memref<1x128xi32, #tpu.memory_space<vmem>> -> memref<128xi32, #tpu.memory_space<vmem>>
          %dma_start3A_104 = arith.constant 0 : i32
          %dma_start3A_105 = arith.constant 0 : i32
          %dma_start3A_106 = tpu.memref_slice %arg13[%dma_start3A_104, %dma_start3A_105] : memref<10112x64xf32, #tpu.memory_space<vmem_shared>> -> memref<10112x64xf32, #tpu.memory_space<vmem_shared>>
          tpu.enqueue_indirect_dma source(%arg11 : memref<128x64xf32, #tpu.memory_space<vmem>>) target(%dma_start3A_106 : memref<10112x64xf32, #tpu.memory_space<vmem_shared>>) offsets(%dma_start3A_103 : memref<128xi32, #tpu.memory_space<vmem>>) semaphore(%run_scoped3A : memref<!tpu.dma_semaphore, #tpu.memory_space<semaphore_mem>>) {add = true}
          %dma_wait3A_107 = arith.constant 0 : i32
          %dma_wait3A_108 = tpu.memref_slice %arg8[%add3A_85, %dma_wait3A_107] : memref<159x128xi32, #tpu.memory_space<vmem>> -> memref<1x128xi32, #tpu.memory_space<vmem>>
          %dma_wait3A_109 = tpu.memref_squeeze %dma_wait3A_108 : memref<1x128xi32, #tpu.memory_space<vmem>> -> memref<128xi32, #tpu.memory_space<vmem>>
          %dma_wait3A_110 = arith.constant 0 : i32
          %dma_wait3A_111 = arith.constant 0 : i32
          %dma_wait3A_112 = tpu.memref_slice %arg13[%dma_wait3A_110, %dma_wait3A_111] : memref<10112x64xf32, #tpu.memory_space<vmem_shared>> -> memref<10112x64xf32, #tpu.memory_space<vmem_shared>>
          tpu.wait_indirect_dma semaphore(%run_scoped3A : memref<!tpu.dma_semaphore, #tpu.memory_space<semaphore_mem>>) src(%arg11 : memref<128x64xf32, #tpu.memory_space<vmem>>) dst(%dma_wait3A_112 : memref<10112x64xf32, #tpu.memory_space<vmem_shared>>)
          tpu.yield
        }) : () -> ()
      }
      %scan3A_43 = arith.constant 53 : i32
    } else {
    }
    %eq3A_31 = arith.constant 1 : i32
    %eq3A_32 = arith.cmpi eq, %arg0, %eq3A_31 : i32
    %convert_element_type3A_33 = arith.extui %eq3A_32 : i1 to i32
    %cond3A_34 = arith.constant 0 : i32
    %cond3A_35 = arith.cmpi ne, %convert_element_type3A_33, %cond3A_34 : i32
    scf.if %cond3A_35 {
      %scan3A_39 = arith.constant 0 : i32
      %scan3A_40 = arith.constant 53 : i32
      %scan3A_41 = arith.addi %scan3A_39, %scan3A_40 : i32
      %scan3A_42 = arith.constant 1 : i32
      scf.for %scan3A_44 = %scan3A_39 to %scan3A_41 step %scan3A_42  : i32 {
        %mul3A_45 = arith.constant 3 : i32
        %mul3A_46 = arith.muli %mul3A_45, %scan3A_44 : i32
        %add3A_47 = arith.constant 0 : i32
        %add3A_48 = arith.addi %mul3A_46, %add3A_47 : i32
        %dma_wait3A = arith.constant 0 : i32
        %dma_wait3A_49 = arith.constant 0 : i32
        %dma_wait3A_50 = tpu.memref_slice %arg7[%dma_wait3A, %dma_wait3A_49] : memref<159x128xi32, #tpu.memory_space<vmem>> -> memref<1x128xi32, #tpu.memory_space<vmem>>
        %dma_wait3A_51 = tpu.memref_squeeze %dma_wait3A_50 : memref<1x128xi32, #tpu.memory_space<vmem>> -> memref<128xi32, #tpu.memory_space<vmem>>
        %dma_wait3A_52 = arith.constant 0 : i32
        %dma_wait3A_53 = arith.constant 0 : i32
        %dma_wait3A_54 = tpu.memref_slice %arg5[%dma_wait3A_52, %dma_wait3A_53] : memref<10000x64xf32, #tpu.memory_space<hbm>> -> memref<10000x64xf32, #tpu.memory_space<hbm>>
        tpu.wait_indirect_dma semaphore(%arg14 : memref<!tpu.dma_semaphore, #tpu.memory_space<semaphore_mem>>) src(%dma_wait3A_54 : memref<10000x64xf32, #tpu.memory_space<hbm>>) dst(%arg9 : memref<128x64xf32, #tpu.memory_space<vmem>>)
        %add3A_55 = arith.constant 3 : i32
        %add3A_56 = arith.addi %add3A_48, %add3A_55 : i32
        %sub3A = arith.constant 1 : i32
        %sub3A_57 = arith.subi %add3A_56, %sub3A : i32
        %lt3A = arith.constant 159 : i32
        %lt3A_58 = arith.cmpi slt, %sub3A_57, %lt3A : i32
        %convert_element_type3A_59 = arith.extui %lt3A_58 : i1 to i32
        %cond3A_60 = arith.constant 0 : i32
        %cond3A_61 = arith.cmpi ne, %convert_element_type3A_59, %cond3A_60 : i32
        scf.if %cond3A_61 {
          %add3A_102 = arith.constant 3 : i32
          %add3A_103 = arith.addi %add3A_48, %add3A_102 : i32
          %sub3A_104 = arith.constant 1 : i32
          %sub3A_105 = arith.subi %add3A_103, %sub3A_104 : i32
          %dma_start3A = arith.constant 0 : i32
          %dma_start3A_106 = tpu.memref_slice %arg7[%sub3A_105, %dma_start3A] : memref<159x128xi32, #tpu.memory_space<vmem>> -> memref<1x128xi32, #tpu.memory_space<vmem>>
          %dma_start3A_107 = tpu.memref_squeeze %dma_start3A_106 : memref<1x128xi32, #tpu.memory_space<vmem>> -> memref<128xi32, #tpu.memory_space<vmem>>
          %dma_start3A_108 = arith.constant 0 : i32
          %dma_start3A_109 = arith.constant 0 : i32
          %dma_start3A_110 = tpu.memref_slice %arg5[%dma_start3A_108, %dma_start3A_109] : memref<10000x64xf32, #tpu.memory_space<hbm>> -> memref<10000x64xf32, #tpu.memory_space<hbm>>
          tpu.enqueue_indirect_dma source(%dma_start3A_110 : memref<10000x64xf32, #tpu.memory_space<hbm>>) target(%arg11 : memref<128x64xf32, #tpu.memory_space<vmem>>) offsets(%dma_start3A_107 : memref<128xi32, #tpu.memory_space<vmem>>) semaphore(%arg16 : memref<!tpu.dma_semaphore, #tpu.memory_space<semaphore_mem>>)
        } else {
        }
        "tpu.region"() ({
          %run_scoped3A = tpu.sem_alloc : memref<!tpu.dma_semaphore, #tpu.memory_space<semaphore_mem>>
          %dma_start3A = arith.constant 0 : i32
          %dma_start3A_102 = tpu.memref_slice %arg8[%add3A_48, %dma_start3A] : memref<159x128xi32, #tpu.memory_space<vmem>> -> memref<1x128xi32, #tpu.memory_space<vmem>>
          %dma_start3A_103 = tpu.memref_squeeze %dma_start3A_102 : memref<1x128xi32, #tpu.memory_space<vmem>> -> memref<128xi32, #tpu.memory_space<vmem>>
          %dma_start3A_104 = arith.constant 0 : i32
          %dma_start3A_105 = arith.constant 0 : i32
          %dma_start3A_106 = tpu.memref_slice %arg13[%dma_start3A_104, %dma_start3A_105] : memref<10112x64xf32, #tpu.memory_space<vmem_shared>> -> memref<10112x64xf32, #tpu.memory_space<vmem_shared>>
          tpu.enqueue_indirect_dma source(%arg9 : memref<128x64xf32, #tpu.memory_space<vmem>>) target(%dma_start3A_106 : memref<10112x64xf32, #tpu.memory_space<vmem_shared>>) offsets(%dma_start3A_103 : memref<128xi32, #tpu.memory_space<vmem>>) semaphore(%run_scoped3A : memref<!tpu.dma_semaphore, #tpu.memory_space<semaphore_mem>>) {add = true}
          %dma_wait3A_107 = arith.constant 0 : i32
          %dma_wait3A_108 = tpu.memref_slice %arg8[%add3A_48, %dma_wait3A_107] : memref<159x128xi32, #tpu.memory_space<vmem>> -> memref<1x128xi32, #tpu.memory_space<vmem>>
          %dma_wait3A_109 = tpu.memref_squeeze %dma_wait3A_108 : memref<1x128xi32, #tpu.memory_space<vmem>> -> memref<128xi32, #tpu.memory_space<vmem>>
          %dma_wait3A_110 = arith.constant 0 : i32
          %dma_wait3A_111 = arith.constant 0 : i32
          %dma_wait3A_112 = tpu.memref_slice %arg13[%dma_wait3A_110, %dma_wait3A_111] : memref<10112x64xf32, #tpu.memory_space<vmem_shared>> -> memref<10112x64xf32, #tpu.memory_space<vmem_shared>>
          tpu.wait_indirect_dma semaphore(%run_scoped3A : memref<!tpu.dma_semaphore, #tpu.memory_space<semaphore_mem>>) src(%arg9 : memref<128x64xf32, #tpu.memory_space<vmem>>) dst(%dma_wait3A_112 : memref<10112x64xf32, #tpu.memory_space<vmem_shared>>)
          tpu.yield
        }) : () -> ()
        %mul3A_62 = arith.constant 3 : i32
        %mul3A_63 = arith.muli %mul3A_62, %scan3A_44 : i32
        %add3A_64 = arith.constant 1 : i32
        %add3A_65 = arith.addi %mul3A_63, %add3A_64 : i32
        %dma_wait3A_66 = arith.constant 0 : i32
        %dma_wait3A_67 = arith.constant 0 : i32
        %dma_wait3A_68 = tpu.memref_slice %arg7[%dma_wait3A_66, %dma_wait3A_67] : memref<159x128xi32, #tpu.memory_space<vmem>> -> memref<1x128xi32, #tpu.memory_space<vmem>>
        %dma_wait3A_69 = tpu.memref_squeeze %dma_wait3A_68 : memref<1x128xi32, #tpu.memory_space<vmem>> -> memref<128xi32, #tpu.memory_space<vmem>>
        %dma_wait3A_70 = arith.constant 0 : i32
        %dma_wait3A_71 = arith.constant 0 : i32
        %dma_wait3A_72 = tpu.memref_slice %arg5[%dma_wait3A_70, %dma_wait3A_71] : memref<10000x64xf32, #tpu.memory_space<hbm>> -> memref<10000x64xf32, #tpu.memory_space<hbm>>
        tpu.wait_indirect_dma semaphore(%arg15 : memref<!tpu.dma_semaphore, #tpu.memory_space<semaphore_mem>>) src(%dma_wait3A_72 : memref<10000x64xf32, #tpu.memory_space<hbm>>) dst(%arg10 : memref<128x64xf32, #tpu.memory_space<vmem>>)
        %add3A_73 = arith.constant 3 : i32
        %add3A_74 = arith.addi %add3A_65, %add3A_73 : i32
        %sub3A_75 = arith.constant 1 : i32
        %sub3A_76 = arith.subi %add3A_74, %sub3A_75 : i32
        %lt3A_77 = arith.constant 159 : i32
        %lt3A_78 = arith.cmpi slt, %sub3A_76, %lt3A_77 : i32
        %convert_element_type3A_79 = arith.extui %lt3A_78 : i1 to i32
        %cond3A_80 = arith.constant 0 : i32
        %cond3A_81 = arith.cmpi ne, %convert_element_type3A_79, %cond3A_80 : i32
        scf.if %cond3A_81 {
          %add3A_102 = arith.constant 3 : i32
          %add3A_103 = arith.addi %add3A_65, %add3A_102 : i32
          %sub3A_104 = arith.constant 1 : i32
          %sub3A_105 = arith.subi %add3A_103, %sub3A_104 : i32
          %dma_start3A = arith.constant 0 : i32
          %dma_start3A_106 = tpu.memref_slice %arg7[%sub3A_105, %dma_start3A] : memref<159x128xi32, #tpu.memory_space<vmem>> -> memref<1x128xi32, #tpu.memory_space<vmem>>
          %dma_start3A_107 = tpu.memref_squeeze %dma_start3A_106 : memref<1x128xi32, #tpu.memory_space<vmem>> -> memref<128xi32, #tpu.memory_space<vmem>>
          %dma_start3A_108 = arith.constant 0 : i32
          %dma_start3A_109 = arith.constant 0 : i32
          %dma_start3A_110 = tpu.memref_slice %arg5[%dma_start3A_108, %dma_start3A_109] : memref<10000x64xf32, #tpu.memory_space<hbm>> -> memref<10000x64xf32, #tpu.memory_space<hbm>>
          tpu.enqueue_indirect_dma source(%dma_start3A_110 : memref<10000x64xf32, #tpu.memory_space<hbm>>) target(%arg9 : memref<128x64xf32, #tpu.memory_space<vmem>>) offsets(%dma_start3A_107 : memref<128xi32, #tpu.memory_space<vmem>>) semaphore(%arg14 : memref<!tpu.dma_semaphore, #tpu.memory_space<semaphore_mem>>)
        } else {
        }
        "tpu.region"() ({
          %run_scoped3A = tpu.sem_alloc : memref<!tpu.dma_semaphore, #tpu.memory_space<semaphore_mem>>
          %dma_start3A = arith.constant 0 : i32
          %dma_start3A_102 = tpu.memref_slice %arg8[%add3A_65, %dma_start3A] : memref<159x128xi32, #tpu.memory_space<vmem>> -> memref<1x128xi32, #tpu.memory_space<vmem>>
          %dma_start3A_103 = tpu.memref_squeeze %dma_start3A_102 : memref<1x128xi32, #tpu.memory_space<vmem>> -> memref<128xi32, #tpu.memory_space<vmem>>
          %dma_start3A_104 = arith.constant 0 : i32
          %dma_start3A_105 = arith.constant 0 : i32
          %dma_start3A_106 = tpu.memref_slice %arg13[%dma_start3A_104, %dma_start3A_105] : memref<10112x64xf32, #tpu.memory_space<vmem_shared>> -> memref<10112x64xf32, #tpu.memory_space<vmem_shared>>
          tpu.enqueue_indirect_dma source(%arg10 : memref<128x64xf32, #tpu.memory_space<vmem>>) target(%dma_start3A_106 : memref<10112x64xf32, #tpu.memory_space<vmem_shared>>) offsets(%dma_start3A_103 : memref<128xi32, #tpu.memory_space<vmem>>) semaphore(%run_scoped3A : memref<!tpu.dma_semaphore, #tpu.memory_space<semaphore_mem>>) {add = true}
          %dma_wait3A_107 = arith.constant 0 : i32
          %dma_wait3A_108 = tpu.memref_slice %arg8[%add3A_65, %dma_wait3A_107] : memref<159x128xi32, #tpu.memory_space<vmem>> -> memref<1x128xi32, #tpu.memory_space<vmem>>
          %dma_wait3A_109 = tpu.memref_squeeze %dma_wait3A_108 : memref<1x128xi32, #tpu.memory_space<vmem>> -> memref<128xi32, #tpu.memory_space<vmem>>
          %dma_wait3A_110 = arith.constant 0 : i32
          %dma_wait3A_111 = arith.constant 0 : i32
          %dma_wait3A_112 = tpu.memref_slice %arg13[%dma_wait3A_110, %dma_wait3A_111] : memref<10112x64xf32, #tpu.memory_space<vmem_shared>> -> memref<10112x64xf32, #tpu.memory_space<vmem_shared>>
          tpu.wait_indirect_dma semaphore(%run_scoped3A : memref<!tpu.dma_semaphore, #tpu.memory_space<semaphore_mem>>) src(%arg10 : memref<128x64xf32, #tpu.memory_space<vmem>>) dst(%dma_wait3A_112 : memref<10112x64xf32, #tpu.memory_space<vmem_shared>>)
          tpu.yield
        }) : () -> ()
        %mul3A_82 = arith.constant 3 : i32
        %mul3A_83 = arith.muli %mul3A_82, %scan3A_44 : i32
        %add3A_84 = arith.constant 2 : i32
        %add3A_85 = arith.addi %mul3A_83, %add3A_84 : i32
        %dma_wait3A_86 = arith.constant 0 : i32
        %dma_wait3A_87 = arith.constant 0 : i32
        %dma_wait3A_88 = tpu.memref_slice %arg7[%dma_wait3A_86, %dma_wait3A_87] : memref<159x128xi32, #tpu.memory_space<vmem>> -> memref<1x128xi32, #tpu.memory_space<vmem>>
        %dma_wait3A_89 = tpu.memref_squeeze %dma_wait3A_88 : memref<1x128xi32, #tpu.memory_space<vmem>> -> memref<128xi32, #tpu.memory_space<vmem>>
        %dma_wait3A_90 = arith.constant 0 : i32
        %dma_wait3A_91 = arith.constant 0 : i32
        %dma_wait3A_92 = tpu.memref_slice %arg5[%dma_wait3A_90, %dma_wait3A_91] : memref<10000x64xf32, #tpu.memory_space<hbm>> -> memref<10000x64xf32, #tpu.memory_space<hbm>>
        tpu.wait_indirect_dma semaphore(%arg16 : memref<!tpu.dma_semaphore, #tpu.memory_space<semaphore_mem>>) src(%dma_wait3A_92 : memref<10000x64xf32, #tpu.memory_space<hbm>>) dst(%arg11 : memref<128x64xf32, #tpu.memory_space<vmem>>)
        %add3A_93 = arith.constant 3 : i32
        %add3A_94 = arith.addi %add3A_85, %add3A_93 : i32
        %sub3A_95 = arith.constant 1 : i32
        %sub3A_96 = arith.subi %add3A_94, %sub3A_95 : i32
        %lt3A_97 = arith.constant 159 : i32
        %lt3A_98 = arith.cmpi slt, %sub3A_96, %lt3A_97 : i32
        %convert_element_type3A_99 = arith.extui %lt3A_98 : i1 to i32
        %cond3A_100 = arith.constant 0 : i32
        %cond3A_101 = arith.cmpi ne, %convert_element_type3A_99, %cond3A_100 : i32
        scf.if %cond3A_101 {
          %add3A_102 = arith.constant 3 : i32
          %add3A_103 = arith.addi %add3A_85, %add3A_102 : i32
          %sub3A_104 = arith.constant 1 : i32
          %sub3A_105 = arith.subi %add3A_103, %sub3A_104 : i32
          %dma_start3A = arith.constant 0 : i32
          %dma_start3A_106 = tpu.memref_slice %arg7[%sub3A_105, %dma_start3A] : memref<159x128xi32, #tpu.memory_space<vmem>> -> memref<1x128xi32, #tpu.memory_space<vmem>>
          %dma_start3A_107 = tpu.memref_squeeze %dma_start3A_106 : memref<1x128xi32, #tpu.memory_space<vmem>> -> memref<128xi32, #tpu.memory_space<vmem>>
          %dma_start3A_108 = arith.constant 0 : i32
          %dma_start3A_109 = arith.constant 0 : i32
          %dma_start3A_110 = tpu.memref_slice %arg5[%dma_start3A_108, %dma_start3A_109] : memref<10000x64xf32, #tpu.memory_space<hbm>> -> memref<10000x64xf32, #tpu.memory_space<hbm>>
          tpu.enqueue_indirect_dma source(%dma_start3A_110 : memref<10000x64xf32, #tpu.memory_space<hbm>>) target(%arg10 : memref<128x64xf32, #tpu.memory_space<vmem>>) offsets(%dma_start3A_107 : memref<128xi32, #tpu.memory_space<vmem>>) semaphore(%arg15 : memref<!tpu.dma_semaphore, #tpu.memory_space<semaphore_mem>>)
        } else {
        }
        "tpu.region"() ({
          %run_scoped3A = tpu.sem_alloc : memref<!tpu.dma_semaphore, #tpu.memory_space<semaphore_mem>>
          %dma_start3A = arith.constant 0 : i32
          %dma_start3A_102 = tpu.memref_slice %arg8[%add3A_85, %dma_start3A] : memref<159x128xi32, #tpu.memory_space<vmem>> -> memref<1x128xi32, #tpu.memory_space<vmem>>
          %dma_start3A_103 = tpu.memref_squeeze %dma_start3A_102 : memref<1x128xi32, #tpu.memory_space<vmem>> -> memref<128xi32, #tpu.memory_space<vmem>>
          %dma_start3A_104 = arith.constant 0 : i32
          %dma_start3A_105 = arith.constant 0 : i32
          %dma_start3A_106 = tpu.memref_slice %arg13[%dma_start3A_104, %dma_start3A_105] : memref<10112x64xf32, #tpu.memory_space<vmem_shared>> -> memref<10112x64xf32, #tpu.memory_space<vmem_shared>>
          tpu.enqueue_indirect_dma source(%arg11 : memref<128x64xf32, #tpu.memory_space<vmem>>) target(%dma_start3A_106 : memref<10112x64xf32, #tpu.memory_space<vmem_shared>>) offsets(%dma_start3A_103 : memref<128xi32, #tpu.memory_space<vmem>>) semaphore(%run_scoped3A : memref<!tpu.dma_semaphore, #tpu.memory_space<semaphore_mem>>) {add = true}
          %dma_wait3A_107 = arith.constant 0 : i32
          %dma_wait3A_108 = tpu.memref_slice %arg8[%add3A_85, %dma_wait3A_107] : memref<159x128xi32, #tpu.memory_space<vmem>> -> memref<1x128xi32, #tpu.memory_space<vmem>>
          %dma_wait3A_109 = tpu.memref_squeeze %dma_wait3A_108 : memref<1x128xi32, #tpu.memory_space<vmem>> -> memref<128xi32, #tpu.memory_space<vmem>>
          %dma_wait3A_110 = arith.constant 0 : i32
          %dma_wait3A_111 = arith.constant 0 : i32
          %dma_wait3A_112 = tpu.memref_slice %arg13[%dma_wait3A_110, %dma_wait3A_111] : memref<10112x64xf32, #tpu.memory_space<vmem_shared>> -> memref<10112x64xf32, #tpu.memory_space<vmem_shared>>
          tpu.wait_indirect_dma semaphore(%run_scoped3A : memref<!tpu.dma_semaphore, #tpu.memory_space<semaphore_mem>>) src(%arg11 : memref<128x64xf32, #tpu.memory_space<vmem>>) dst(%dma_wait3A_112 : memref<10112x64xf32, #tpu.memory_space<vmem_shared>>)
          tpu.yield
        }) : () -> ()
      }
      %scan3A_43 = arith.constant 53 : i32
    } else {
    }
    %barrier3A_36 = arith.constant 0 : index
    tpu.barrier barrier_id(%barrier3A_36)
    %mul3A_37 = arith.constant 632 : i32
    %mul3A_38 = arith.muli %arg1, %mul3A_37 : i32
    "tpu.region"() ({
      %run_scoped3A = tpu.sem_alloc : memref<!tpu.dma_semaphore, #tpu.memory_space<semaphore_mem>>
      %dma_start3A = arith.constant 0 : i32
      %dma_start3A_39 = tpu.memref_slice %arg6[%arg0, %mul3A_38, %dma_start3A] : memref<2x10112x64xf32, #tpu.memory_space<hbm>> -> memref<1x632x64xf32, #tpu.memory_space<hbm>>
      %dma_start3A_40 = tpu.memref_squeeze %dma_start3A_39 : memref<1x632x64xf32, #tpu.memory_space<hbm>> -> memref<632x64xf32, #tpu.memory_space<hbm>>
      %dma_start3A_41 = arith.constant 0 : i32
      %dma_start3A_42 = tpu.memref_slice %arg13[%mul3A_38, %dma_start3A_41] : memref<10112x64xf32, #tpu.memory_space<vmem_shared>> -> memref<632x64xf32, #tpu.memory_space<vmem_shared>>
      tpu.enqueue_dma source(%dma_start3A_42 : memref<632x64xf32, #tpu.memory_space<vmem_shared>>) target(%dma_start3A_40 : memref<632x64xf32, #tpu.memory_space<hbm>>) target_semaphore(%run_scoped3A : memref<!tpu.dma_semaphore, #tpu.memory_space<semaphore_mem>>)
      %dma_wait3A = arith.constant 0 : i32
      %dma_wait3A_43 = tpu.memref_slice %arg6[%arg0, %mul3A_38, %dma_wait3A] : memref<2x10112x64xf32, #tpu.memory_space<hbm>> -> memref<1x632x64xf32, #tpu.memory_space<hbm>>
      %dma_wait3A_44 = tpu.memref_squeeze %dma_wait3A_43 : memref<1x632x64xf32, #tpu.memory_space<hbm>> -> memref<632x64xf32, #tpu.memory_space<hbm>>
      %dma_wait3A_45 = arith.constant 0 : i32
      %dma_wait3A_46 = tpu.memref_slice %arg13[%mul3A_38, %dma_wait3A_45] : memref<10112x64xf32, #tpu.memory_space<vmem_shared>> -> memref<632x64xf32, #tpu.memory_space<vmem_shared>>
      tpu.wait_dma2 semaphore(%run_scoped3A : memref<!tpu.dma_semaphore, #tpu.memory_space<semaphore_mem>>) src(%dma_wait3A_46 : memref<632x64xf32, #tpu.memory_space<vmem_shared>>) dst(%dma_wait3A_44 : memref<632x64xf32, #tpu.memory_space<hbm>>)
      tpu.yield
    }) : () -> ()
    return
  }
}

module attributes {stable_mosaic.version = 14 : i64} {
  func.func @_tc1m_body(%arg0: i32, %arg1: memref<2000x128xf32, #tpu.memory_space<vmem>>, %arg2: memref<128x64xf32, #tpu.memory_space<vmem>>, %arg3: memref<128x64xf32, #tpu.memory_space<vmem>>, %arg4: memref<2000x64xf32, #tpu.memory_space<vmem>>, %arg5: memref<2000x64xf32, #tpu.memory_space<vmem>>) attributes {dimension_semantics = [#tpu.dimension_semantics<arbitrary>], iteration_bounds = array<i64: 5>, scalar_prefetch = 0 : i64, scratch_operands = 0 : i64, tpu.core_type = #tpu.core_type<tc>, window_params = [{transform_indices = @transform_0, window_bounds = array<i64: 2000, 128>}, {pipeline_mode = #tpu.pipeline_mode<synchronous>, transform_indices = @transform_1, window_bounds = array<i64: 128, 64>}, {pipeline_mode = #tpu.pipeline_mode<synchronous>, transform_indices = @transform_2, window_bounds = array<i64: 128, 64>}, {transform_indices = @transform_3, window_bounds = array<i64: 2000, 64>}, {transform_indices = @transform_4, window_bounds = array<i64: 2000, 64>}]} {
    %get3A = arith.constant 0 : index
    %get3A_0 = arith.constant 0 : index
    %get3A_1 = vector.load %arg1[%get3A, %get3A_0] : memref<2000x128xf32, #tpu.memory_space<vmem>>, vector<2000x128xf32>
    %get3A_2 = arith.constant 0 : index
    %get3A_3 = arith.constant 0 : index
    %get3A_4 = vector.load %arg2[%get3A_2, %get3A_3] : memref<128x64xf32, #tpu.memory_space<vmem>>, vector<128x64xf32>
    %dot_general3A = arith.constant dense<0.000000e+00> : vector<2000x64xf32>
    %dot_general3A_5 = tpu.matmul %get3A_1, %get3A_4, %dot_general3A {dimension_numbers = #tpu.dot_dimension_numbers<[1], [0], [0], [1], [0, 0, 1, 1], [], []>, transpose_lhs_hint = false} : vector<2000x128xf32>, vector<128x64xf32>, vector<2000x64xf32> -> vector<2000x64xf32>
    %swap3A = arith.constant 0 : index
    %swap3A_6 = arith.constant 0 : index
    %swap3A_7 = vector.load %arg4[%swap3A, %swap3A_6] : memref<2000x64xf32, #tpu.memory_space<vmem>>, vector<2000x64xf32>
    tpu.vector_store %arg4[%swap3A, %swap3A_6], %dot_general3A_5 {strides = array<i32>} : memref<2000x64xf32, #tpu.memory_space<vmem>>, vector<2000x64xf32>,
    %get3A_8 = arith.constant 0 : index
    %get3A_9 = arith.constant 0 : index
    %get3A_10 = vector.load %arg3[%get3A_8, %get3A_9] : memref<128x64xf32, #tpu.memory_space<vmem>>, vector<128x64xf32>
    %dot_general3A_11 = arith.constant dense<0.000000e+00> : vector<2000x64xf32>
    %dot_general3A_12 = tpu.matmul %get3A_1, %get3A_10, %dot_general3A_11 {dimension_numbers = #tpu.dot_dimension_numbers<[1], [0], [0], [1], [0, 0, 1, 1], [], []>, transpose_lhs_hint = false} : vector<2000x128xf32>, vector<128x64xf32>, vector<2000x64xf32> -> vector<2000x64xf32>
    %swap3A_13 = arith.constant 0 : index
    %swap3A_14 = arith.constant 0 : index
    %swap3A_15 = vector.load %arg5[%swap3A_13, %swap3A_14] : memref<2000x64xf32, #tpu.memory_space<vmem>>, vector<2000x64xf32>
    tpu.vector_store %arg5[%swap3A_13, %swap3A_14], %dot_general3A_12 {strides = array<i32>} : memref<2000x64xf32, #tpu.memory_space<vmem>>, vector<2000x64xf32>,
    return
  }
  func.func @transform_0(%arg0: i32) -> (i32, i32) {
    %c0_i32 = arith.constant 0 : i32
    %c0_i32_0 = arith.constant 0 : i32
    return %arg0, %c0_i32 : i32, i32
  }
  func.func @transform_1(%arg0: i32) -> (i32, i32) {
    %c0_i32 = arith.constant 0 : i32
    %c0_i32_0 = arith.constant 0 : i32
    %c0_i32_1 = arith.constant 0 : i32
    return %c0_i32, %c0_i32_0 : i32, i32
  }
  func.func @transform_2(%arg0: i32) -> (i32, i32) {
    %c0_i32 = arith.constant 0 : i32
    %c0_i32_0 = arith.constant 0 : i32
    %c0_i32_1 = arith.constant 0 : i32
    return %c0_i32, %c0_i32_0 : i32, i32
  }
  func.func @transform_3(%arg0: i32) -> (i32, i32) {
    %c0_i32 = arith.constant 0 : i32
    %c0_i32_0 = arith.constant 0 : i32
    return %arg0, %c0_i32 : i32, i32
  }
  func.func @transform_4(%arg0: i32) -> (i32, i32) {
    %c0_i32 = arith.constant 0 : i32
    %c0_i32_0 = arith.constant 0 : i32
    return %arg0, %c0_i32 : i32, i32
  }
}

module attributes {stable_mosaic.version = 14 : i64} {
  func.func @_tc1s_body(%arg0: i32, %arg1: memref<2000x32xf32, #tpu.memory_space<vmem>>, %arg2: memref<2000x64xf32, #tpu.memory_space<vmem>>, %arg3: memref<2000x64xf32, #tpu.memory_space<vmem>>, %arg4: memref<2000x64xf32, #tpu.memory_space<vmem>>, %arg5: memref<2000x64xf32, #tpu.memory_space<vmem>>) attributes {dimension_semantics = [#tpu.dimension_semantics<arbitrary>], iteration_bounds = array<i64: 5>, scalar_prefetch = 0 : i64, scratch_operands = 0 : i64, tpu.core_type = #tpu.core_type<tc>, window_params = [{transform_indices = @transform_0, window_bounds = array<i64: 2000, 32>}, {transform_indices = @transform_1, window_bounds = array<i64: 2000, 64>}, {transform_indices = @transform_2, window_bounds = array<i64: 2000, 64>}, {transform_indices = @transform_3, window_bounds = array<i64: 2000, 64>}, {transform_indices = @transform_4, window_bounds = array<i64: 2000, 64>}]} {
    %get3A = arith.constant 0 : index
    %get3A_0 = arith.constant 0 : index
    %get3A_1 = vector.load %arg1[%get3A, %get3A_0] : memref<2000x32xf32, #tpu.memory_space<vmem>>, vector<2000x32xf32>
    %reduce_sum3A = arith.constant dense<0.000000e+00> : vector<2000xf32>
    %reduce_sum3A_2 = vector.multi_reduction <add>, %get3A_1, %reduce_sum3A [1] : vector<2000x32xf32> to vector<2000xf32>
    %broadcast_in_dim3A = vector.shape_cast %reduce_sum3A_2 : vector<2000xf32> to vector<2000x1xf32>
    %add3A = arith.constant 1.000000e+00 : f32
    %add3A_3 = vector.broadcast %add3A : f32 to vector<2000x1xf32>
    %add3A_4 = arith.addf %broadcast_in_dim3A, %add3A_3 : vector<2000x1xf32>
    %rsqrt3A = math.rsqrt %add3A_4 : vector<2000x1xf32>
    %get3A_5 = arith.constant 0 : index
    %get3A_6 = arith.constant 0 : index
    %get3A_7 = vector.load %arg2[%get3A_5, %get3A_6] : memref<2000x64xf32, #tpu.memory_space<vmem>>, vector<2000x64xf32>
    %mul3A = vector.broadcast %rsqrt3A : vector<2000x1xf32> to vector<2000x64xf32>
    %mul3A_8 = arith.mulf %get3A_7, %mul3A : vector<2000x64xf32>
    %swap3A = arith.constant 0 : index
    %swap3A_9 = arith.constant 0 : index
    %swap3A_10 = vector.load %arg4[%swap3A, %swap3A_9] : memref<2000x64xf32, #tpu.memory_space<vmem>>, vector<2000x64xf32>
    tpu.vector_store %arg4[%swap3A, %swap3A_9], %mul3A_8 {strides = array<i32>} : memref<2000x64xf32, #tpu.memory_space<vmem>>, vector<2000x64xf32>,
    %get3A_11 = arith.constant 0 : index
    %get3A_12 = arith.constant 0 : index
    %get3A_13 = vector.load %arg3[%get3A_11, %get3A_12] : memref<2000x64xf32, #tpu.memory_space<vmem>>, vector<2000x64xf32>
    %mul3A_14 = vector.broadcast %rsqrt3A : vector<2000x1xf32> to vector<2000x64xf32>
    %mul3A_15 = arith.mulf %get3A_13, %mul3A_14 : vector<2000x64xf32>
    %swap3A_16 = arith.constant 0 : index
    %swap3A_17 = arith.constant 0 : index
    %swap3A_18 = vector.load %arg5[%swap3A_16, %swap3A_17] : memref<2000x64xf32, #tpu.memory_space<vmem>>, vector<2000x64xf32>
    tpu.vector_store %arg5[%swap3A_16, %swap3A_17], %mul3A_15 {strides = array<i32>} : memref<2000x64xf32, #tpu.memory_space<vmem>>, vector<2000x64xf32>,
    return
  }
  func.func @transform_0(%arg0: i32) -> (i32, i32) {
    %c0_i32 = arith.constant 0 : i32
    %c0_i32_0 = arith.constant 0 : i32
    return %arg0, %c0_i32 : i32, i32
  }
  func.func @transform_1(%arg0: i32) -> (i32, i32) {
    %c0_i32 = arith.constant 0 : i32
    %c0_i32_0 = arith.constant 0 : i32
    return %arg0, %c0_i32 : i32, i32
  }
  func.func @transform_2(%arg0: i32) -> (i32, i32) {
    %c0_i32 = arith.constant 0 : i32
    %c0_i32_0 = arith.constant 0 : i32
    return %arg0, %c0_i32 : i32, i32
  }
  func.func @transform_3(%arg0: i32) -> (i32, i32) {
    %c0_i32 = arith.constant 0 : i32
    %c0_i32_0 = arith.constant 0 : i32
    return %arg0, %c0_i32 : i32, i32
  }
  func.func @transform_4(%arg0: i32) -> (i32, i32) {
    %c0_i32 = arith.constant 0 : i32
    %c0_i32_0 = arith.constant 0 : i32
    return %arg0, %c0_i32 : i32, i32
  }
}

module attributes {stable_mosaic.version = 14 : i64} {
  func.func @_tc2_body(%arg0: i32, %arg1: memref<2000x32xf32, #tpu.memory_space<vmem>>, %arg2: memref<2x2000x64xf32, #tpu.memory_space<vmem>>, %arg3: memref<2000x64xf32, #tpu.memory_space<vmem>>, %arg4: memref<2000x64xf32, #tpu.memory_space<vmem>>, %arg5: memref<1x128xf32, #tpu.memory_space<vmem>>, %arg6: memref<128x64xf32, #tpu.memory_space<vmem>>, %arg7: memref<128x64xf32, #tpu.memory_space<vmem>>, %arg8: memref<2000x64xf32, #tpu.memory_space<vmem>>, %arg9: memref<2000x64xf32, #tpu.memory_space<vmem>>, %arg10: memref<2000x64xf32, #tpu.memory_space<vmem>>, %arg11: memref<2000x64xf32, #tpu.memory_space<vmem>>) attributes {dimension_semantics = [#tpu.dimension_semantics<arbitrary>], iteration_bounds = array<i64: 5>, scalar_prefetch = 0 : i64, scratch_operands = 0 : i64, tpu.core_type = #tpu.core_type<tc>, window_params = [{transform_indices = @transform_0, window_bounds = array<i64: 2000, 32>}, {transform_indices = @transform_1, window_bounds = array<i64: 2, 2000, 64>}, {transform_indices = @transform_2, window_bounds = array<i64: 2000, 64>}, {transform_indices = @transform_3, window_bounds = array<i64: 2000, 64>}, {pipeline_mode = #tpu.pipeline_mode<synchronous>, transform_indices = @transform_4, window_bounds = array<i64: 1, 128>}, {pipeline_mode = #tpu.pipeline_mode<synchronous>, transform_indices = @transform_5, window_bounds = array<i64: 128, 64>}, {pipeline_mode = #tpu.pipeline_mode<synchronous>, transform_indices = @transform_6, window_bounds = array<i64: 128, 64>}, {transform_indices = @transform_7, window_bounds = array<i64: 2000, 64>}, {transform_indices = @transform_8, window_bounds = array<i64: 2000, 64>}, {transform_indices = @transform_9, window_bounds = array<i64: 2000, 64>}, {transform_indices = @transform_10, window_bounds = array<i64: 2000, 64>}]} {
    %get3A = arith.constant 0 : index
    %get3A_0 = arith.constant 0 : index
    %get3A_1 = vector.load %arg1[%get3A, %get3A_0] : memref<2000x32xf32, #tpu.memory_space<vmem>>, vector<2000x32xf32>
    %reduce_sum3A = arith.constant dense<0.000000e+00> : vector<2000xf32>
    %reduce_sum3A_2 = vector.multi_reduction <add>, %get3A_1, %reduce_sum3A [1] : vector<2000x32xf32> to vector<2000xf32>
    %broadcast_in_dim3A = vector.shape_cast %reduce_sum3A_2 : vector<2000xf32> to vector<2000x1xf32>
    %add3A = arith.constant 1.000000e+00 : f32
    %add3A_3 = vector.broadcast %add3A : f32 to vector<2000x1xf32>
    %add3A_4 = arith.addf %broadcast_in_dim3A, %add3A_3 : vector<2000x1xf32>
    %rsqrt3A = math.rsqrt %add3A_4 : vector<2000x1xf32>
    %div3A = arith.constant 1.000000e+00 : f32
    %div3A_5 = vector.broadcast %div3A : f32 to vector<2000x1xf32>
    %div3A_6 = arith.divf %div3A_5, %add3A_4 : vector<2000x1xf32>
    %get3A_7 = arith.constant 0 : index
    %get3A_8 = arith.constant 0 : index
    %get3A_9 = vector.load %arg3[%get3A_7, %get3A_8] : memref<2000x64xf32, #tpu.memory_space<vmem>>, vector<2000x64xf32>
    %get3A_10 = arith.constant 0 : index
    %get3A_11 = arith.constant 0 : index
    %get3A_12 = vector.load %arg4[%get3A_10, %get3A_11] : memref<2000x64xf32, #tpu.memory_space<vmem>>, vector<2000x64xf32>
    %concatenate3A = tpu.concatenate %get3A_9, %get3A_12 in 1 : vector<2000x64xf32>, vector<2000x64xf32> -> vector<2000x128xf32>
    %get3A_13 = arith.constant 0 : index
    %get3A_14 = arith.constant 0 : index
    %get3A_15 = arith.constant 0 : index
    %get3A_16 = vector.load %arg2[%get3A_13, %get3A_14, %get3A_15] : memref<2x2000x64xf32, #tpu.memory_space<vmem>>, vector<1x2000x64xf32>
    %get3A_17 = vector.shape_cast %get3A_16 : vector<1x2000x64xf32> to vector<2000x64xf32>
    %get3A_18 = arith.constant 1 : index
    %get3A_19 = arith.constant 0 : index
    %get3A_20 = arith.constant 0 : index
    %get3A_21 = vector.load %arg2[%get3A_18, %get3A_19, %get3A_20] : memref<2x2000x64xf32, #tpu.memory_space<vmem>>, vector<1x2000x64xf32>
    %get3A_22 = vector.shape_cast %get3A_21 : vector<1x2000x64xf32> to vector<2000x64xf32>
    %concatenate3A_23 = tpu.concatenate %get3A_17, %get3A_22 in 1 : vector<2000x64xf32>, vector<2000x64xf32> -> vector<2000x128xf32>
    %mul3A = vector.broadcast %rsqrt3A : vector<2000x1xf32> to vector<2000x128xf32>
    %mul3A_24 = arith.mulf %mul3A, %concatenate3A_23 : vector<2000x128xf32>
    %mul3A_25 = vector.broadcast %div3A_6 : vector<2000x1xf32> to vector<2000x128xf32>
    %mul3A_26 = arith.mulf %mul3A_25, %concatenate3A : vector<2000x128xf32>
    %add3A_27 = arith.addf %mul3A_24, %mul3A_26 : vector<2000x128xf32>
    %get3A_28 = arith.constant 0 : index
    %get3A_29 = arith.constant 0 : index
    %get3A_30 = vector.load %arg5[%get3A_28, %get3A_29] : memref<1x128xf32, #tpu.memory_space<vmem>>, vector<1x128xf32>
    %add3A_31 = vector.broadcast %get3A_30 : vector<1x128xf32> to vector<2000x128xf32>
    %add3A_32 = arith.addf %add3A_27, %add3A_31 : vector<2000x128xf32>
    %max3A = arith.constant 0.000000e+00 : f32
    %max3A_33 = vector.broadcast %max3A : f32 to vector<2000x128xf32>
    %max3A_34 = arith.maximumf %add3A_32, %max3A_33 : vector<2000x128xf32>
    %get3A_35 = arith.constant 0 : index
    %get3A_36 = arith.constant 0 : index
    %get3A_37 = vector.load %arg6[%get3A_35, %get3A_36] : memref<128x64xf32, #tpu.memory_space<vmem>>, vector<128x64xf32>
    %dot_general3A = arith.constant dense<0.000000e+00> : vector<2000x64xf32>
    %dot_general3A_38 = tpu.matmul %max3A_34, %get3A_37, %dot_general3A {dimension_numbers = #tpu.dot_dimension_numbers<[1], [0], [0], [1], [0, 0, 1, 1], [], []>, transpose_lhs_hint = false} : vector<2000x128xf32>, vector<128x64xf32>, vector<2000x64xf32> -> vector<2000x64xf32>
    %get3A_39 = arith.constant 0 : index
    %get3A_40 = arith.constant 0 : index
    %get3A_41 = vector.load %arg7[%get3A_39, %get3A_40] : memref<128x64xf32, #tpu.memory_space<vmem>>, vector<128x64xf32>
    %dot_general3A_42 = arith.constant dense<0.000000e+00> : vector<2000x64xf32>
    %dot_general3A_43 = tpu.matmul %max3A_34, %get3A_41, %dot_general3A_42 {dimension_numbers = #tpu.dot_dimension_numbers<[1], [0], [0], [1], [0, 0, 1, 1], [], []>, transpose_lhs_hint = false} : vector<2000x128xf32>, vector<128x64xf32>, vector<2000x64xf32> -> vector<2000x64xf32>
    %swap3A = arith.constant 0 : index
    %swap3A_44 = arith.constant 0 : index
    %swap3A_45 = vector.load %arg8[%swap3A, %swap3A_44] : memref<2000x64xf32, #tpu.memory_space<vmem>>, vector<2000x64xf32>
    tpu.vector_store %arg8[%swap3A, %swap3A_44], %dot_general3A_38 {strides = array<i32>} : memref<2000x64xf32, #tpu.memory_space<vmem>>, vector<2000x64xf32>,
    %swap3A_46 = arith.constant 0 : index
    %swap3A_47 = arith.constant 0 : index
    %swap3A_48 = vector.load %arg9[%swap3A_46, %swap3A_47] : memref<2000x64xf32, #tpu.memory_space<vmem>>, vector<2000x64xf32>
    tpu.vector_store %arg9[%swap3A_46, %swap3A_47], %dot_general3A_43 {strides = array<i32>} : memref<2000x64xf32, #tpu.memory_space<vmem>>, vector<2000x64xf32>,
    %mul3A_49 = vector.broadcast %rsqrt3A : vector<2000x1xf32> to vector<2000x64xf32>
    %mul3A_50 = arith.mulf %dot_general3A_38, %mul3A_49 : vector<2000x64xf32>
    %swap3A_51 = arith.constant 0 : index
    %swap3A_52 = arith.constant 0 : index
    %swap3A_53 = vector.load %arg10[%swap3A_51, %swap3A_52] : memref<2000x64xf32, #tpu.memory_space<vmem>>, vector<2000x64xf32>
    tpu.vector_store %arg10[%swap3A_51, %swap3A_52], %mul3A_50 {strides = array<i32>} : memref<2000x64xf32, #tpu.memory_space<vmem>>, vector<2000x64xf32>,
    %mul3A_54 = vector.broadcast %rsqrt3A : vector<2000x1xf32> to vector<2000x64xf32>
    %mul3A_55 = arith.mulf %dot_general3A_43, %mul3A_54 : vector<2000x64xf32>
    %swap3A_56 = arith.constant 0 : index
    %swap3A_57 = arith.constant 0 : index
    %swap3A_58 = vector.load %arg11[%swap3A_56, %swap3A_57] : memref<2000x64xf32, #tpu.memory_space<vmem>>, vector<2000x64xf32>
    tpu.vector_store %arg11[%swap3A_56, %swap3A_57], %mul3A_55 {strides = array<i32>} : memref<2000x64xf32, #tpu.memory_space<vmem>>, vector<2000x64xf32>,
    return
  }
  func.func @transform_0(%arg0: i32) -> (i32, i32) {
    %c0_i32 = arith.constant 0 : i32
    %c0_i32_0 = arith.constant 0 : i32
    return %arg0, %c0_i32 : i32, i32
  }
  func.func @transform_1(%arg0: i32) -> (i32, i32, i32) {
    %c0_i32 = arith.constant 0 : i32
    %c0_i32_0 = arith.constant 0 : i32
    %c0_i32_1 = arith.constant 0 : i32
    return %c0_i32, %arg0, %c0_i32_0 : i32, i32, i32
  }
  func.func @transform_2(%arg0: i32) -> (i32, i32) {
    %c0_i32 = arith.constant 0 : i32
    %c0_i32_0 = arith.constant 0 : i32
    return %arg0, %c0_i32 : i32, i32
  }
  func.func @transform_3(%arg0: i32) -> (i32, i32) {
    %c0_i32 = arith.constant 0 : i32
    %c0_i32_0 = arith.constant 0 : i32
    return %arg0, %c0_i32 : i32, i32
  }
  func.func @transform_4(%arg0: i32) -> (i32, i32) {
    %c0_i32 = arith.constant 0 : i32
    %c0_i32_0 = arith.constant 0 : i32
    %c0_i32_1 = arith.constant 0 : i32
    return %c0_i32, %c0_i32_0 : i32, i32
  }
  func.func @transform_5(%arg0: i32) -> (i32, i32) {
    %c0_i32 = arith.constant 0 : i32
    %c0_i32_0 = arith.constant 0 : i32
    %c0_i32_1 = arith.constant 0 : i32
    return %c0_i32, %c0_i32_0 : i32, i32
  }
  func.func @transform_6(%arg0: i32) -> (i32, i32) {
    %c0_i32 = arith.constant 0 : i32
    %c0_i32_0 = arith.constant 0 : i32
    %c0_i32_1 = arith.constant 0 : i32
    return %c0_i32, %c0_i32_0 : i32, i32
  }
  func.func @transform_7(%arg0: i32) -> (i32, i32) {
    %c0_i32 = arith.constant 0 : i32
    %c0_i32_0 = arith.constant 0 : i32
    return %arg0, %c0_i32 : i32, i32
  }
  func.func @transform_8(%arg0: i32) -> (i32, i32) {
    %c0_i32 = arith.constant 0 : i32
    %c0_i32_0 = arith.constant 0 : i32
    return %arg0, %c0_i32 : i32, i32
  }
  func.func @transform_9(%arg0: i32) -> (i32, i32) {
    %c0_i32 = arith.constant 0 : i32
    %c0_i32_0 = arith.constant 0 : i32
    return %arg0, %c0_i32 : i32, i32
  }
  func.func @transform_10(%arg0: i32) -> (i32, i32) {
    %c0_i32 = arith.constant 0 : i32
    %c0_i32_0 = arith.constant 0 : i32
    return %arg0, %c0_i32 : i32, i32
  }
}

module attributes {stable_mosaic.version = 14 : i64} {
  func.func @_tc3_body(%arg0: i32, %arg1: memref<2000x32xf32, #tpu.memory_space<vmem>>, %arg2: memref<2x2000x64xf32, #tpu.memory_space<vmem>>, %arg3: memref<2000x64xf32, #tpu.memory_space<vmem>>, %arg4: memref<2000x64xf32, #tpu.memory_space<vmem>>, %arg5: memref<1x64xf32, #tpu.memory_space<vmem>>, %arg6: memref<1x64xf32, #tpu.memory_space<vmem>>, %arg7: memref<2000x64xf32, #tpu.memory_space<vmem>>, %arg8: memref<2000x64xf32, #tpu.memory_space<vmem>>) attributes {dimension_semantics = [#tpu.dimension_semantics<arbitrary>], iteration_bounds = array<i64: 5>, scalar_prefetch = 0 : i64, scratch_operands = 0 : i64, tpu.core_type = #tpu.core_type<tc>, window_params = [{transform_indices = @transform_0, window_bounds = array<i64: 2000, 32>}, {transform_indices = @transform_1, window_bounds = array<i64: 2, 2000, 64>}, {transform_indices = @transform_2, window_bounds = array<i64: 2000, 64>}, {transform_indices = @transform_3, window_bounds = array<i64: 2000, 64>}, {pipeline_mode = #tpu.pipeline_mode<synchronous>, transform_indices = @transform_4, window_bounds = array<i64: 1, 64>}, {pipeline_mode = #tpu.pipeline_mode<synchronous>, transform_indices = @transform_5, window_bounds = array<i64: 1, 64>}, {transform_indices = @transform_6, window_bounds = array<i64: 2000, 64>}, {transform_indices = @transform_7, window_bounds = array<i64: 2000, 64>}]} {
    %get3A = arith.constant 0 : index
    %get3A_0 = arith.constant 0 : index
    %get3A_1 = vector.load %arg1[%get3A, %get3A_0] : memref<2000x32xf32, #tpu.memory_space<vmem>>, vector<2000x32xf32>
    %reduce_sum3A = arith.constant dense<0.000000e+00> : vector<2000xf32>
    %reduce_sum3A_2 = vector.multi_reduction <add>, %get3A_1, %reduce_sum3A [1] : vector<2000x32xf32> to vector<2000xf32>
    %broadcast_in_dim3A = vector.shape_cast %reduce_sum3A_2 : vector<2000xf32> to vector<2000x1xf32>
    %add3A = arith.constant 1.000000e+00 : f32
    %add3A_3 = vector.broadcast %add3A : f32 to vector<2000x1xf32>
    %add3A_4 = arith.addf %broadcast_in_dim3A, %add3A_3 : vector<2000x1xf32>
    %rsqrt3A = math.rsqrt %add3A_4 : vector<2000x1xf32>
    %div3A = arith.constant 1.000000e+00 : f32
    %div3A_5 = vector.broadcast %div3A : f32 to vector<2000x1xf32>
    %div3A_6 = arith.divf %div3A_5, %add3A_4 : vector<2000x1xf32>
    %get3A_7 = arith.constant 0 : index
    %get3A_8 = arith.constant 0 : index
    %get3A_9 = arith.constant 0 : index
    %get3A_10 = vector.load %arg2[%get3A_7, %get3A_8, %get3A_9] : memref<2x2000x64xf32, #tpu.memory_space<vmem>>, vector<1x2000x64xf32>
    %get3A_11 = vector.shape_cast %get3A_10 : vector<1x2000x64xf32> to vector<2000x64xf32>
    %mul3A = vector.broadcast %rsqrt3A : vector<2000x1xf32> to vector<2000x64xf32>
    %mul3A_12 = arith.mulf %mul3A, %get3A_11 : vector<2000x64xf32>
    %get3A_13 = arith.constant 0 : index
    %get3A_14 = arith.constant 0 : index
    %get3A_15 = vector.load %arg3[%get3A_13, %get3A_14] : memref<2000x64xf32, #tpu.memory_space<vmem>>, vector<2000x64xf32>
    %mul3A_16 = vector.broadcast %div3A_6 : vector<2000x1xf32> to vector<2000x64xf32>
    %mul3A_17 = arith.mulf %mul3A_16, %get3A_15 : vector<2000x64xf32>
    %add3A_18 = arith.addf %mul3A_12, %mul3A_17 : vector<2000x64xf32>
    %get3A_19 = arith.constant 0 : index
    %get3A_20 = arith.constant 0 : index
    %get3A_21 = vector.load %arg5[%get3A_19, %get3A_20] : memref<1x64xf32, #tpu.memory_space<vmem>>, vector<1x64xf32>
    %add3A_22 = vector.broadcast %get3A_21 : vector<1x64xf32> to vector<2000x64xf32>
    %add3A_23 = arith.addf %add3A_18, %add3A_22 : vector<2000x64xf32>
    %swap3A = arith.constant 0 : index
    %swap3A_24 = arith.constant 0 : index
    %swap3A_25 = vector.load %arg7[%swap3A, %swap3A_24] : memref<2000x64xf32, #tpu.memory_space<vmem>>, vector<2000x64xf32>
    tpu.vector_store %arg7[%swap3A, %swap3A_24], %add3A_23 {strides = array<i32>} : memref<2000x64xf32, #tpu.memory_space<vmem>>, vector<2000x64xf32>,
    %get3A_26 = arith.constant 1 : index
    %get3A_27 = arith.constant 0 : index
    %get3A_28 = arith.constant 0 : index
    %get3A_29 = vector.load %arg2[%get3A_26, %get3A_27, %get3A_28] : memref<2x2000x64xf32, #tpu.memory_space<vmem>>, vector<1x2000x64xf32>
    %get3A_30 = vector.shape_cast %get3A_29 : vector<1x2000x64xf32> to vector<2000x64xf32>
    %mul3A_31 = vector.broadcast %rsqrt3A : vector<2000x1xf32> to vector<2000x64xf32>
    %mul3A_32 = arith.mulf %mul3A_31, %get3A_30 : vector<2000x64xf32>
    %get3A_33 = arith.constant 0 : index
    %get3A_34 = arith.constant 0 : index
    %get3A_35 = vector.load %arg4[%get3A_33, %get3A_34] : memref<2000x64xf32, #tpu.memory_space<vmem>>, vector<2000x64xf32>
    %mul3A_36 = vector.broadcast %div3A_6 : vector<2000x1xf32> to vector<2000x64xf32>
    %mul3A_37 = arith.mulf %mul3A_36, %get3A_35 : vector<2000x64xf32>
    %add3A_38 = arith.addf %mul3A_32, %mul3A_37 : vector<2000x64xf32>
    %get3A_39 = arith.constant 0 : index
    %get3A_40 = arith.constant 0 : index
    %get3A_41 = vector.load %arg6[%get3A_39, %get3A_40] : memref<1x64xf32, #tpu.memory_space<vmem>>, vector<1x64xf32>
    %add3A_42 = vector.broadcast %get3A_41 : vector<1x64xf32> to vector<2000x64xf32>
    %add3A_43 = arith.addf %add3A_38, %add3A_42 : vector<2000x64xf32>
    %swap3A_44 = arith.constant 0 : index
    %swap3A_45 = arith.constant 0 : index
    %swap3A_46 = vector.load %arg8[%swap3A_44, %swap3A_45] : memref<2000x64xf32, #tpu.memory_space<vmem>>, vector<2000x64xf32>
    tpu.vector_store %arg8[%swap3A_44, %swap3A_45], %add3A_43 {strides = array<i32>} : memref<2000x64xf32, #tpu.memory_space<vmem>>, vector<2000x64xf32>,
    return
  }
  func.func @transform_0(%arg0: i32) -> (i32, i32) {
    %c0_i32 = arith.constant 0 : i32
    %c0_i32_0 = arith.constant 0 : i32
    return %arg0, %c0_i32 : i32, i32
  }
  func.func @transform_1(%arg0: i32) -> (i32, i32, i32) {
    %c0_i32 = arith.constant 0 : i32
    %c0_i32_0 = arith.constant 0 : i32
    %c0_i32_1 = arith.constant 0 : i32
    return %c0_i32, %arg0, %c0_i32_0 : i32, i32, i32
  }
  func.func @transform_2(%arg0: i32) -> (i32, i32) {
    %c0_i32 = arith.constant 0 : i32
    %c0_i32_0 = arith.constant 0 : i32
    return %arg0, %c0_i32 : i32, i32
  }
  func.func @transform_3(%arg0: i32) -> (i32, i32) {
    %c0_i32 = arith.constant 0 : i32
    %c0_i32_0 = arith.constant 0 : i32
    return %arg0, %c0_i32 : i32, i32
  }
  func.func @transform_4(%arg0: i32) -> (i32, i32) {
    %c0_i32 = arith.constant 0 : i32
    %c0_i32_0 = arith.constant 0 : i32
    %c0_i32_1 = arith.constant 0 : i32
    return %c0_i32, %c0_i32_0 : i32, i32
  }
  func.func @transform_5(%arg0: i32) -> (i32, i32) {
    %c0_i32 = arith.constant 0 : i32
    %c0_i32_0 = arith.constant 0 : i32
    %c0_i32_1 = arith.constant 0 : i32
    return %c0_i32, %c0_i32_0 : i32, i32
  }
  func.func @transform_6(%arg0: i32) -> (i32, i32) {
    %c0_i32 = arith.constant 0 : i32
    %c0_i32_0 = arith.constant 0 : i32
    return %arg0, %c0_i32 : i32, i32
  }
  func.func @transform_7(%arg0: i32) -> (i32, i32) {
    %c0_i32 = arith.constant 0 : i32
    %c0_i32_0 = arith.constant 0 : i32
    return %arg0, %c0_i32 : i32, i32
  }
}

</mosaic_0001>

<sc_bundles>
// kernel: kernel.12.cloned.1.call-start
scs
__scs_entry_jumppad:
0x0: {  	(pc) =	sbr.rel $0x88, $3  }
0x1: {  	(tag) =	ssettag $0x0;
	lr =	simm.s32 $0x1  }
0x2: {  	[smem:$0x3F99] =	sst lr;
	_ =	strace $0xD0000000  }
0x3: {  	_ = 	snop  }
0x4: {  	_ = 	snop  }
0x5: {  	_ = 	snop  }
0x6: {  	_ = 	snop  }
0x7: {  	_ = 	snop  }
__scs_overlays_trampoline_lowered:
0x8: {  	[smem:$0x3FA8] =	sst s0  }
0x9: {  	[smem:$0x3FA9] =	sst s1  }
0xa: {  	[smem:$0x3FAA] =	sst s2  }
0xb: {  	[smem:$0x3FAB] =	sst s3  }
0xc: {  	[smem:$0x3FAC] =	sst s4  }
0xd: {  	[smem:$0x3FAD] =	sst s5  }
0xe: {  	[smem:$0x3FAE] =	sst s6  }
0xf: {  	[smem:$0x3FAF] =	sst s7  }
0x10: {  	[smem:$0x3FB0] =	sst s8  }
0x11: {  	[smem:$0x3FB1] =	sst s9;
	s0 =	simm.s32 @!p0 $0x0  }
0x12: {  	s1 =	sld [smem:$0x3F97];
	s0 =	simm.s32 @p0 $0x1  }
0x13: {  	[smem:$0x3FB2] =	sst s0;
	s0 =	simm.s32 @!p1 $0x0  }
0x14: {  	s2 =	sld [smem:$0x3F96];
	s0 =	simm.s32 @p1 $0x1  }
0x15: {  	[smem:$0x3FB3] =	sst s0;
	s0 =	simm.s32 @!p2 $0x0  }
0x16: {  	s3 =	sld [smem:$0x3FDB];
	s0 =	simm.s32 @p2 $0x1  }
0x17: {  	s4 =	simm.s32 $0x1BF5;
	[smem:$0x3FB5] =	sst s0  }
0x18: {  	s0 =	sld [smem:$0x3F98];
	_ =	swait.ge [sflag:s4], $0x0  }
0x19: {  	s7 =	sld [smem:$0x3F99]  }
0x1a: {  	s8 =	sadd.s32 $0xFFFFE003, lr  }
0x1b: {  	s9 =	sadd.s32 $0xFFFFFEF7, lr;
	s5 =	simm.s32 $0xFFFFFFFF;
	p2 =	slt.u32 s8, $0xFFFFF086  }
0x1c: {  	p1 =	slt.u32 s9, $0xF7A;
	s5 =	simm.s32 @!p2 $0x0  }
0x1d: {  	s5 =	simm.s32 @p1 $0x1;
	p0 =	seq.s32 s7, s2  }
0x1e: {  	s7 =	smul.u32 @!p0 $0xF7A, s2;
	p2 =	seq.s32 @!p0 s5, $0x0  }
0x1f: {  	s9 =	smul.u32 $0xF7A, s1;
	s8 =	simm.s32 @!p0 $0x1BF5;
	p2 =	por !p2, p0  }
0x20: {  	[sflag:s8] =	ssyncset.s32 @!p0 $0xFFFFF086;
	s6 =	sadd.s32 @!p0 s3, s7;
	s7 =	simm.s32 @!p0 $0x108  }
0x21: {  	s3 =	sadd.s32 s3, s9;
	s6 =	sadd.s32 @!p0 $0x88, s6;
	s7 =	simm.s32 @p2 $0x1082  }
0x22: {  	[simem:s7], [sflag:s8] =	dma.local @!p0 [hbm:s6], $0xF7A  }
0x23: {  	s9 =	sor.u32 $0xD0000000, s2;
	s6 =	simm.s32 $0x108;
	_ =	swait.ge @!p0 [sflag:s8], $0x0  }
0x24: {  	s3 =	sadd.s32 $0x88, s3;
	s6 =	simm.s32 @!p1 $0x1082;
	[sflag:s4] =	ssyncset.s32 $0xFFFFF086  }
0x25: {  	[simem:s6], [sflag:s4] =	dma.local [hbm:s3], $0xF7A  }
0x26: {  	[smem:$0x3F99] =	sst s1;
	(tag) =	ssettag s2;
	_ =	strace s9  }
0x27: {  	s1 =	sld [smem:$0x3FA9]  }
0x28: {  	s2 =	sld [smem:$0x3FAA]  }
0x29: {  	s4 =	sld [smem:$0x3FAC]  }
0x2a: {  	p0 =	seq.s32 s5, $0x0;
	s5 =	sld [smem:$0x3FAD]  }
0x2b: {  	s6 =	sld [smem:$0x3FAE]  }
0x2c: {  	s7 =	sld [smem:$0x3FAF]  }
0x2d: {  	s3 =	simm.s32 $0x108;
	s8 =	sld [smem:$0x3FB0]  }
0x2e: {  	s3 =	simm.s32 @!p0 $0x1082;
	s9 =	sld [smem:$0x3FB1]  }
0x2f: {  	lr =	sadd.s32 s0, s3;
	s0 =	sld [smem:$0x3FA8]  }
0x30: {  	s3 =	sld [smem:$0x3FAB]  }
0x31: {  	[smem:$0x3FB4] =	sst s10  }
0x32: {  	s10 =	sld [smem:$0x3FB2];
	_ =	sdelay $0x3  }
0x33: {  	p0 =	seq.s32 s10, $0x1;
	s10 =	sld [smem:$0x3FB4];
	_ =	sdelay $0x3  }
0x34: {  	[smem:$0x3FB4] =	sst s10  }
0x35: {  	s10 =	sld [smem:$0x3FB3];
	_ =	sdelay $0x3  }
0x36: {  	p1 =	seq.s32 s10, $0x1;
	s10 =	sld [smem:$0x3FB4];
	_ =	sdelay $0x3  }
0x37: {  	[smem:$0x3FB4] =	sst s10  }
0x38: {  	s10 =	sld [smem:$0x3FB5]  }
0x39: {  	_ = 	snop;
	(pc) =	sbr.ind lr, $3  }
0x3a: {  	_ = 	snop  }
0x3b: {  	_ = 	snop  }
0x3c: {  	p2 =	seq.s32 s10, $0x1;
	s10 =	sld [smem:$0x3FB4]  }
0x3d: {  	_ =	shalt  }
0x3e: {  	_ =	shalt  }
0x3f: {  	_ =	shalt  }
0x40: {  	_ =	shalt  }
0x41: {  	_ =	shalt  }
0x42: {  	_ =	shalt  }
0x43: {  	_ =	shalt  }
0x44: {  	_ =	shalt  }
0x45: {  	_ =	shalt  }
0x46: {  	_ =	shalt  }
0x47: {  	_ =	shalt  }
0x48: {  	_ =	shalt  }
0x49: {  	_ =	shalt  }
0x4a: {  	_ =	shalt  }
0x4b: {  	_ =	shalt  }
0x4c: {  	_ =	shalt  }
0x4d: {  	_ =	shalt  }
0x4e: {  	_ =	shalt  }
0x4f: {  	_ =	shalt  }
0x50: {  	_ =	shalt  }
0x51: {  	_ =	shalt  }
0x52: {  	_ =	shalt  }
0x53: {  	_ =	shalt  }
0x54: {  	_ =	shalt  }
0x55: {  	_ =	shalt  }
0x56: {  	_ =	shalt  }
0x57: {  	_ =	shalt  }
0x58: {  	_ =	shalt  }
0x59: {  	_ =	shalt  }
0x5a: {  	_ =	shalt  }
0x5b: {  	_ =	shalt  }
0x5c: {  	_ =	shalt  }
0x5d: {  	_ =	shalt  }
0x5e: {  	_ =	shalt  }
0x5f: {  	_ =	shalt  }
0x60: {  	_ =	shalt  }
0x61: {  	_ =	shalt  }
0x62: {  	_ =	shalt  }
0x63: {  	_ =	shalt  }
0x64: {  	_ =	shalt  }
0x65: {  	_ =	shalt  }
0x66: {  	_ =	shalt  }
0x67: {  	_ =	shalt  }
0x68: {  	_ =	shalt  }
0x69: {  	_ =	shalt  }
0x6a: {  	_ =	shalt  }
0x6b: {  	_ =	shalt  }
0x6c: {  	_ =	shalt  }
0x6d: {  	_ =	shalt  }
0x6e: {  	_ =	shalt  }
0x6f: {  	_ =	shalt  }
0x70: {  	_ =	shalt  }
0x71: {  	_ =	shalt  }
0x72: {  	_ =	shalt  }
0x73: {  	_ =	shalt  }
0x74: {  	_ =	shalt  }
0x75: {  	_ =	shalt  }
0x76: {  	_ =	shalt  }
0x77: {  	_ =	shalt  }
0x78: {  	_ =	shalt  }
0x79: {  	_ =	shalt  }
0x7a: {  	_ =	shalt  }
0x7b: {  	_ =	shalt  }
0x7c: {  	_ =	shalt  }
0x7d: {  	_ =	shalt  }
0x7e: {  	_ =	shalt  }
0x7f: {  	_ =	shalt  }
0x80: {  	_ =	shalt  }
0x81: {  	_ =	shalt  }
0x82: {  	_ =	shalt  }
0x83: {  	_ =	shalt  }
0x84: {  	_ =	shalt  }
0x85: {  	_ =	shalt  }
0x86: {  	_ =	shalt  }
0x87: {  	_ =	shalt  }
.Lfunc_end0:
.L_simem_size_0:
called_computation.1_lowered:
.L_overlay_start_0:
0x88: {  	s2 =	sld [smem:$0x3FD9]  }
0x89: {  	s3 =	sld [smem:$0x3FFE];
	_ =	sdelay $0x1  }
0x8a: {  	s1 =	srdreg.scid  }
0x8b: {  	s0 =	sand.u32 $0x1, s1  }
0x8c: {  	s14 =	sshll.u32 s0, $0xA;
	s2 =	sadd.s32 s3, s2  }
0x8d: {  	s2 =	sadd.s32 s2, s14  }
0x8e: {  	[smem:$0x3FC0] =	sst s2  }
0x8f: {  	_ = 	snop  }
0x90: {  	s2 =	sld [smem:$0x3FD0];
	_ =	sdelay $0x2  }
0x91: {  	s15 =	simm.s32 $0xA;
	s4 =	simm.s32 $0x10  }
0x92: {  	[smem:s4], [sflag:s15] =	dma.local [hbm:s2], $0x1  }
0x93: {  	_ =	swait.eq [sflag:s15], $0x1  }
0x94: {  	[sflag:s15] =	ssyncset.done $0x0  }
0x95: {  	s16 =	sld [smem:$0x10];
	[sflag:s15] =	ssyncadd.s32 $0xFFFFFFFF  }
0x96: {  	s17 =	sld [smem:$0x11];
	(tm) =	ssettm $0x1  }
0x97: {  	s18 =	sld [smem:$0x3FFB];
	_ =	sdelay $0x3  }
0x98: {  	_ =	strace s18  }
0x99: {  	s4 =	sld [smem:$0x3FFC];
	_ =	sdelay $0x3  }
0x9a: {  	_ =	strace s4  }
0x9b: {  	s4 =	sld [smem:$0x3FFD];
	_ =	sdelay $0x3  }
0x9c: {  	_ =	strace s4  }
0x9d: {  	_ =	strace $0x8FFFFFFF  }
0x9e: {  	s19 =	sld [smem:$0x3FDB];
	_ =	sdelay $0x1  }
0x9f: {  	s5 =	simm.s32 $_scs_section_size  }
0xa0: {  	s6 =	simm.s32 $_size__tile_overlayer_lowered;
	s7 =	simm.s32 $_tile_overlayer_lowered  }
0xa1: {  	s22 =	simm.s32 $0x1BFF;
	s21 =	sshll.u32 s7, $0x1;
	s4 =	sadd.s32 s5, s19  }
0xa2: {  	s8 =	simm.s32 $0x0;
	s20 =	sshll.u32 s6, $0x1;
	s6 =	sadd.s32 s21, s4  }
0xa3: {  	[timem:s8], [sflag:s22] =	dma.local [hbm:s6], s20  }
0xa4: {  	_ =	swait.ge [sflag:s22], s20  }
0xa5: {  	s5 =	ssub.s32 $0x0, s20;
	[sflag:s22] =	ssyncset.done $0x0  }
0xa6: {  	[sflag:s22] =	ssyncadd.s32 s5;
	_ =	sdelay $0x1  }
0xa7: {  	s23 =	simm.s32 $0x1B8B  }
0xa8: {  	_ =	swait.ge [sflag:s23], $0x1  }
0xa9: {  	[sflag:s23] =	ssyncset.done $0x0  }
0xaa: {  	s25 =	simm.s32 $0x1B8E;
	s24 =	sld [smem:$0x3FFE];
	[sflag:s23] =	ssyncadd.s32 $0xFFFFFFFF  }
0xab: {  	s26 =	simm.s32 $execute0_lowered;
	[smem:$0x3FD2] =	sst s25  }
0xac: {  	s6 =	sshll.u32 s26, $0x1;
	_ =	strace $0x80000049;
	[dreg:$0x1] =	wrdreg $0xFFFFFFFF  }
0xad: {  	s28 =	simm.s32 $_size_execute0_lowered;
	s4 =	sadd.s32 s4, s6;
	[dreg:$0x0] =	wrdreg $0x0  }
0xae: {  	s6 =	sshll.u32 s28, $0x1;
	[dreg:$0x2] =	wrdreg s4  }
0xaf: {  	[dreg:$0x3] =	wrdreg s6  }
0xb0: {  	[dreg:$0x4] =	wrdreg $0xC0  }
0xb1: {  	_ =	task [dreg:s8], $0x5FFFF  }
0xb2: {  	[dreg:$0x1] =	wrdreg $0xFFFFFFFF  }
0xb3: {  	[dreg:$0x0] =	wrdreg $0x60  }
0xb4: {  	[dreg:$0x2] =	wrdreg s24  }
0xb5: {  	[dreg:$0x3] =	wrdreg s17  }
0xb6: {  	[dreg:$0x4] =	wrdreg s16  }
0xb7: {  	[dreg:$0x5] =	wrdreg $0x126800  }
0xb8: {  	[dreg:$0x6] =	wrdreg $0x9  }
0xb9: {  	_ =	task.clear_ibuf [dreg:s8], $0x7FFFF;
	_ =	strace $0x90000049  }
0xba: {  	s29 =	simm.s32 $0x9;
	_ =	strace $0x8000004B  }
0xbb: {  	_ =	swait.ge [sflag:s29], $0x1  }
0xbc: {  	[sflag:s29] =	ssyncadd.s32 $0xFFFFFFFF  }
0xbd: {  	_ =	strace $0x9000004B  }
0xbe: {  	_ =	sfence  }
0xbf: {  	s30 =	sld [smem:$0x0];
	_ =	sdelay $0x2  }
0xc0: {  	s31 =	sshll.u32 s1, $0xD;
	s1 =	sshrl.u32 s1, $0x2  }
0xc1: {  	s3 =	sand.u32 $0x4000, s31;
	s1 =	sadd.s32 s1, s30  }
0xc2: {  	s0 =	sor.u32 s3, s0;
	s1 =	sshll.u32 s1, $0x11  }
0xc3: {  	s0 =	sor.u32 s1, s0  }
0xc4: {  	s0 =	sadd.s32 $0x8F2B, s0  }
0xc5: {  	[sflag:s0] =	ssyncadd.remote.s32 $0x1  }
0xc6: {  	_ =	sfence.sel $0xFFFF  }
0xc7: {  	[dreg:$0x0] =	wrdreg $0xFFFFFFFF;
	(pc) =	sbr.abs _section_cstart, $3  }
0xc8: {  	[dreg:$0x1] =	wrdreg $0xFFFFFFFF  }
0xc9: {  	_ =	task.clear_ibuf [dreg:s8], $0x2FFFF;
	_ =	strace $0x9FFFFFFF  }
0xca: {  	(tm) =	ssettm $0x7FFFFFFF  }
0xcb: {  	_ =	shalt  }
tec
execute0_lowered:
.L_overlay_start_1:
0x0: {  	(tag) =	ssettag $0x1  }
0x1: {  	s0 =	rddreg [dreg:$0x0]  }
0x2: {  	s2 =	rddreg [dreg:$0x1]  }
0x3: {  	s3 =	rddreg [dreg:$0x2]  }
0x4: {  	s4 =	rddreg [dreg:$0x3];
	s1 =	stileid.u32  }
0x5: {  	s6 =	srdreg.scid;
	s5 =	simm.s32 $0x0;
	s15 =	simm.s32 $0x4  }
0x6: {  	s17 =	simm.s32 $0x80;
	s18 =	simm.s32 $0x9F00;
	s19 =	simm.s32 $0xBF00  }
0x7: {  	s21 =	simm.s32 $0x1;
	s22 =	simm.s32 $0xDF00;
	s23 =	simm.s32 $0x2  }
0x8: {  	s24 =	simm.s32 $0x3;
	s25 =	simm.s32 $0x4F00;
	s8 =	smul.u32 $0x9E00, s1  }
0x9: {  	s28 =	simm.s32 $0x9E00;
	s29 =	simm.s32 $0x9E80;
	s7 =	smul.u32 $0x9F0, s1  }
0xa: {  	s30 =	simm.s32 $0x0;
	s20 =	sand.u32 $0x1, s6;
	s10 =	smul.u32 $0x27800, s1  }
0xb: {  	[smem:$0x7FF] =	sst s5;
	s13 =	smov.u32 s3;
	s6 =	smul.u32 $0x9E000, s20  }
0xc: {  	_ =	strace $0x8000004A;
	s9 =	ssub.s32 $0x2, s20;
	p0 =	seq.s32 s20, $0x0  }
0xd: {  	s7 =	sadd.s32 s7, s0;
	s11 =	sshrl.u32 s9, $0x1;
	s26 =	sshrl.u32 s10, $0x2  }
0xe: {  	s13 =	smov.u32 @p0 s2;
	p0 =	sne.s32 s20, $0x0;
	s20 =	simm.s32 $0xFF00  }
.Ltmp0:
0xf: {  	s6 =	sadd.s32 s8, s6;
	s14 =	ssub.s32 s9, s11;
	(pc) =	sbr.rel .LBB2_1-.Ltmp0, $4  }
0x10: {  	s31 =	sadd.s32 s26, s4;
	s8 =	sadd.s32 s8, s4;
	s26 =	simm.s32 $0x9D80  }
0x11: {  	s6 =	sshrl.u32 s6, $0x3;
	s9 =	sadd.s32 $0x2780, s31;
	s10 =	sadd.s32 $0x4F00, s31  }
0x12: {  	s11 =	sadd.s32 $0x7680, s31;
	s14 =	smax.u32 s14, $0x1;
	s0 =	sadd.s32 s6, s0  }
0x13: {  	v0 =	vimm.f32 $0.0e+00;
	s6 =	sadd.s32 $0xC800, s7;
	s7 =	sadd.s32 $0x2800, s7;
	s12 =	sadd.s32 $0x8C400, s0  }
.LBB2_9:
0x14: {  	[sflag:s15] =	ssyncadd.s32 $0xFFFFE000  }
0x15: {  	_ =	swait.ge [sflag:s21], $0x2000  }
0x16: {  	[sflag:s21] =	ssyncset.done $0x0  }
0x17: {  	[sflag:s21] =	ssyncadd.s32 $0xFFFFE000  }
0x18: {  	[tilespmem:s22], [sflag:$0x3] =	stream.indirect.gather [hbm4b:s3+s17], $0x40, s25, s17, $0xb8;
	[tilespmem:$0x1C480] =	vst v63  }
.LBB2_10:
0x19: {  	[spmem:s4] =	stream.indirect.scatter.add.f32 [tilespmem:s18], [sflag:$0x4], $0x40, s26, s17, $0xb8;
	[tilespmem:$0x1C480] =	vst v63  }
0x1a: {  	_ =	swait.ge [sflag:s15], $0x2000  }
0x1b: {  	[sflag:s15] =	ssyncset.done $0x0  }
0x1c: {  	[sflag:s15] =	ssyncadd.s32 $0xFFFFE000  }
0x1d: {  	_ =	swait.ge [sflag:s23], $0x2000  }
0x1e: {  	[sflag:s23] =	ssyncset.done $0x0  }
0x1f: {  	[sflag:s23] =	ssyncadd.s32 $0xFFFFE000  }
0x20: {  	[spmem:s4] =	stream.indirect.scatter.add.f32 [tilespmem:s19], [sflag:$0x4], $0x40, s28, s17, $0xb8;
	[tilespmem:$0x1C480] =	vst v63  }
0x21: {  	_ =	swait.ge [sflag:s15], $0x2000  }
0x22: {  	[sflag:s15] =	ssyncset.done $0x0  }
0x23: {  	[sflag:s15] =	ssyncadd.s32 $0xFFFFE000  }
0x24: {  	_ =	swait.ge [sflag:s24], $0x2000  }
0x25: {  	[sflag:s24] =	ssyncset.done $0x0  }
0x26: {  	[sflag:s24] =	ssyncadd.s32 $0xFFFFE000  }
0x27: {  	[spmem:s4] =	stream.indirect.scatter.add.f32 [tilespmem:s22], [sflag:$0x4], $0x40, s29, s17, $0xb8;
	[tilespmem:$0x1C480] =	vst v63  }
0x28: {  	_ =	swait.ge [sflag:s15], $0x2000  }
0x29: {  	s0 =	sshll.u32 s1, $0x6;
	s30 =	sadd.s32 $0x1, s30;
	[sflag:s15] =	ssyncset.done $0x0  }
0x2a: {  	s16 =	sshrl.u32 s8, $0x3;
	p1 =	sne.s32 s30, s14;
	[sflag:s15] =	ssyncadd.s32 $0xFFFFE000  }
.Ltmp1:
0x2b: {  	s0 =	sor.u32 $0x1C04, s0;
	[bflag:$0x0] =	sbarrier.arrive $0xFFFF;
	(pc) =	sbr.rel @!p1 .LBB2_11-.Ltmp1, $4  }
0x2c: {  	[hbm:s12], [sflag:s0] =	dma.local [spmem:s16], $0x13C0  }
0x2d: {  	_ =	swait.ge [sflag:s15], $0x13C0  }
0x2e: {  	[sflag:s15] =	ssyncset.done $0x0  }
0x2f: {  	[sflag:s15] =	ssyncadd.s32 $0xFFFFEC40  }
.LBB2_1:
0x30: {  	[tilespmem:s5], [sflag:$0x4] =	stream.linear.gather [hbm4b:s6+s5], $0x4F80, $0x38;
	[tilespmem:$0x1C480] =	vst v63  }
0x31: {  	_ =	swait.ge [sflag:s15], $0x4F80  }
0x32: {  	[sflag:s15] =	ssyncset.done $0x0  }
0x33: {  	s0 =	simm.s32 $0x4F80;
	[sflag:s15] =	ssyncadd.s32 $0xFFFFB080  }
0x34: {  	[tilespmem:s0], [sflag:$0x4] =	stream.linear.gather [hbm4b:s7+s5], $0x4F80, $0x38;
	[tilespmem:$0x1C480] =	vst v63  }
0x35: {  	_ =	swait.ge [sflag:s15], $0x4F80  }
0x36: {  	[sflag:s15] =	ssyncset.done $0x0  }
0x37: {  	[sflag:s15] =	ssyncadd.s32 $0xFFFFB080  }
0x38: {  	[tilespmem:s18], [sflag:$0x1] =	stream.indirect.gather [hbm4b:s13+s17], $0x40, s5, s17, $0xb8;
	[tilespmem:$0x1C480] =	vst v63  }
0x39: {  	_ = 	snop  }
0x3a: {  	[tilespmem:s19], [sflag:$0x2] =	stream.indirect.gather [hbm4b:s13+s17], $0x40, s17, s17, $0xb8;
	[tilespmem:$0x1C480] =	vst v63  }
0x3b: {  	s31 =	simm.s32 $0x1;
	s0 =	simm.s32 $0xFF00;
	[tilespmem:s20+$0x0] =	vst v0  }
.LBB2_2:
0x3c: {  	p1 =	sne.s32 s31, $0x277  }
.Ltmp2:
0x3d: {  	_ = 	snop;
	(pc) =	sbr.rel @p1 .LBB2_2-.Ltmp2, $3  }
0x3e: {  	_ =	sdelay $0x1  }
0x3f: {  	s31 =	sadd.s32 $0x1, s31;
	s0 =	sadd.s32 $0x10, s0  }
0x40: {  	[tilespmem:s0+$0x0] =	vst v0  }
0x41: {  	[spmem:s8] =	stream.linear.scatter [tilespmem:s20], [sflag:$0x4], $0x2780, $0x38;
	[tilespmem:$0x1C480] =	vst v63  }
0x42: {  	_ =	swait.ge [sflag:s15], $0x2780  }
0x43: {  	[sflag:s15] =	ssyncset.done $0x0  }
0x44: {  	[sflag:s15] =	ssyncadd.s32 $0xFFFFD880  }
0x45: {  	[spmem:s9] =	stream.linear.scatter [tilespmem:s20], [sflag:$0x4], $0x2780, $0x38;
	[tilespmem:$0x1C480] =	vst v63  }
0x46: {  	_ =	swait.ge [sflag:s15], $0x2780  }
0x47: {  	[sflag:s15] =	ssyncset.done $0x0  }
0x48: {  	[sflag:s15] =	ssyncadd.s32 $0xFFFFD880  }
0x49: {  	[spmem:s10] =	stream.linear.scatter [tilespmem:s20], [sflag:$0x4], $0x2780, $0x38;
	[tilespmem:$0x1C480] =	vst v63  }
0x4a: {  	_ =	swait.ge [sflag:s15], $0x2780  }
0x4b: {  	[sflag:s15] =	ssyncset.done $0x0  }
0x4c: {  	[sflag:s15] =	ssyncadd.s32 $0xFFFFD880  }
0x4d: {  	[spmem:s11] =	stream.linear.scatter [tilespmem:s20], [sflag:$0x4], $0x2780, $0x38;
	[tilespmem:$0x1C480] =	vst v63  }
.Ltmp3:
0x4e: {  	_ =	swait.ge [sflag:s15], $0x2780;
	(pc) =	sbr.rel @p0 .LBB2_7-.Ltmp3, $3  }
0x4f: {  	[sflag:s15] =	ssyncset.done $0x0  }
0x50: {  	[sflag:s15] =	ssyncadd.s32 $0xFFFFD880  }
0x51: {  	[bflag:$0x0] =	sbarrier.arrive $0xFFFF;
	_ =	sdelay $0x1  }
0x52: {  	_ =	swait.ge [sflag:s21], $0x2000  }
0x53: {  	[sflag:s21] =	ssyncset.done $0x0  }
0x54: {  	s0 =	simm.s32 $0x100;
	[sflag:s21] =	ssyncadd.s32 $0xFFFFE000  }
0x55: {  	[tilespmem:s22], [sflag:$0x3] =	stream.indirect.gather [hbm4b:s2+s17], $0x40, s0, s17, $0xb8;
	[tilespmem:$0x1C480] =	vst v63  }
0x56: {  	s16 =	simm.s32 $0x4F80  }
0x57: {  	[spmem:s4] =	stream.indirect.scatter.add.f32 [tilespmem:s18], [sflag:$0x4], $0x40, s16, s17, $0xb8;
	[tilespmem:$0x1C480] =	vst v63  }
0x58: {  	_ =	swait.ge [sflag:s15], $0x2000  }
0x59: {  	[sflag:s15] =	ssyncset.done $0x0  }
0x5a: {  	[sflag:s15] =	ssyncadd.s32 $0xFFFFE000  }
0x5b: {  	_ =	swait.ge [sflag:s23], $0x2000  }
0x5c: {  	[sflag:s23] =	ssyncset.done $0x0  }
0x5d: {  	s16 =	simm.s32 $0x180;
	[sflag:s23] =	ssyncadd.s32 $0xFFFFE000  }
0x5e: {  	[tilespmem:s18], [sflag:$0x1] =	stream.indirect.gather [hbm4b:s2+s17], $0x40, s16, s17, $0xb8;
	[tilespmem:$0x1C480] =	vst v63  }
0x5f: {  	s16 =	simm.s32 $0x5000  }
0x60: {  	[spmem:s4] =	stream.indirect.scatter.add.f32 [tilespmem:s19], [sflag:$0x4], $0x40, s16, s17, $0xb8;
	[tilespmem:$0x1C480] =	vst v63  }
0x61: {  	_ =	swait.ge [sflag:s15], $0x2000  }
0x62: {  	[sflag:s15] =	ssyncset.done $0x0  }
0x63: {  	[sflag:s15] =	ssyncadd.s32 $0xFFFFE000  }
0x64: {  	_ =	swait.ge [sflag:s24], $0x2000  }
0x65: {  	[sflag:s24] =	ssyncset.done $0x0  }
0x66: {  	s16 =	simm.s32 $0x200;
	[sflag:s24] =	ssyncadd.s32 $0xFFFFE000  }
0x67: {  	[tilespmem:s19], [sflag:$0x2] =	stream.indirect.gather [hbm4b:s2+s17], $0x40, s16, s17, $0xb8;
	[tilespmem:$0x1C480] =	vst v63  }
0x68: {  	s16 =	simm.s32 $0x5080  }
0x69: {  	[spmem:s4] =	stream.indirect.scatter.add.f32 [tilespmem:s22], [sflag:$0x4], $0x40, s16, s17, $0xb8;
	[tilespmem:$0x1C480] =	vst v63  }
0x6a: {  	_ =	swait.ge [sflag:s15], $0x2000  }
0x6b: {  	s31 =	simm.s32 $0x600;
	[sflag:s15] =	ssyncset.done $0x0  }
.LBB2_5:
0x6c: {  	p1 =	seq.s32 s31, $0x13200  }
0x6d: {  	[sflag:s15] =	ssyncadd.s32 $0xFFFFE000;
	s0 =	smov.u32 s31;
	s31 =	sadd.s32 $0x600, s31  }
0x6e: {  	_ = 	snop  }
0x6f: {  	_ =	swait.ge [sflag:s21], $0x2000  }
0x70: {  	s0 =	sshra.s32 s0, $0x2;
	[sflag:s21] =	ssyncset.done $0x0  }
0x71: {  	s16 =	sadd.s32 $0x100, s0;
	[sflag:s21] =	ssyncadd.s32 $0xFFFFE000  }
0x72: {  	[tilespmem:s22], [sflag:$0x3] =	stream.indirect.gather [hbm4b:s2+s17], $0x40, s16, s17, $0xb8;
	[tilespmem:$0x1C480] =	vst v63  }
0x73: {  	s16 =	sadd.s32 $0x4F80, s0  }
0x74: {  	[spmem:s4] =	stream.indirect.scatter.add.f32 [tilespmem:s18], [sflag:$0x4], $0x40, s16, s17, $0xb8;
	[tilespmem:$0x1C480] =	vst v63  }
0x75: {  	_ =	swait.ge [sflag:s15], $0x2000  }
0x76: {  	[sflag:s15] =	ssyncset.done $0x0  }
0x77: {  	[sflag:s15] =	ssyncadd.s32 $0xFFFFE000  }
0x78: {  	_ =	swait.ge [sflag:s23], $0x2000  }
0x79: {  	[sflag:s23] =	ssyncset.done $0x0  }
0x7a: {  	s16 =	sadd.s32 $0x180, s0;
	[sflag:s23] =	ssyncadd.s32 $0xFFFFE000  }
0x7b: {  	[tilespmem:s18], [sflag:$0x1] =	stream.indirect.gather [hbm4b:s2+s17], $0x40, s16, s17, $0xb8;
	[tilespmem:$0x1C480] =	vst v63  }
0x7c: {  	s16 =	sadd.s32 $0x5000, s0  }
0x7d: {  	[spmem:s4] =	stream.indirect.scatter.add.f32 [tilespmem:s19], [sflag:$0x4], $0x40, s16, s17, $0xb8;
	[tilespmem:$0x1C480] =	vst v63  }
0x7e: {  	_ =	swait.ge [sflag:s15], $0x2000  }
0x7f: {  	[sflag:s15] =	ssyncset.done $0x0  }
0x80: {  	[sflag:s15] =	ssyncadd.s32 $0xFFFFE000  }
0x81: {  	_ =	swait.ge [sflag:s24], $0x2000  }
0x82: {  	[sflag:s24] =	ssyncset.done $0x0  }
0x83: {  	s16 =	sadd.s32 $0x200, s0;
	[sflag:s24] =	ssyncadd.s32 $0xFFFFE000  }
0x84: {  	[tilespmem:s19], [sflag:$0x2] =	stream.indirect.gather [hbm4b:s2+s17], $0x40, s16, s17, $0xb8;
	[tilespmem:$0x1C480] =	vst v63  }
.Ltmp4:
0x85: {  	_ = 	snop;
	(pc) =	sbr.rel @!p1 .LBB2_5-.Ltmp4, $4  }
0x86: {  	s0 =	sadd.s32 $0x5080, s0  }
0x87: {  	[spmem:s4] =	stream.indirect.scatter.add.f32 [tilespmem:s22], [sflag:$0x4], $0x40, s0, s17, $0xb8;
	[tilespmem:$0x1C480] =	vst v63  }
0x88: {  	_ =	swait.ge [sflag:s15], $0x2000  }
0x89: {  	[sflag:s15] =	ssyncset.done $0x0  }
.Ltmp5:
0x8a: {  	[sflag:s15] =	ssyncadd.s32 $0xFFFFE000;
	(pc) =	sbr.rel .LBB2_10-.Ltmp5, $4  }
0x8b: {  	_ =	swait.ge [sflag:s21], $0x2000  }
0x8c: {  	[sflag:s21] =	ssyncset.done $0x0  }
0x8d: {  	[sflag:s21] =	ssyncadd.s32 $0xFFFFE000  }
0x8e: {  	[tilespmem:s22], [sflag:$0x3] =	stream.indirect.gather [hbm4b:s2+s17], $0x40, s25, s17, $0xb8;
	[tilespmem:$0x1C480] =	vst v63  }
.LBB2_7:
0x8f: {  	_ =	swait.ge [sflag:s21], $0x2000  }
0x90: {  	[sflag:s21] =	ssyncset.done $0x0  }
0x91: {  	s0 =	simm.s32 $0x100;
	[sflag:s21] =	ssyncadd.s32 $0xFFFFE000  }
0x92: {  	[tilespmem:s22], [sflag:$0x3] =	stream.indirect.gather [hbm4b:s3+s17], $0x40, s0, s17, $0xb8;
	[tilespmem:$0x1C480] =	vst v63  }
0x93: {  	s16 =	simm.s32 $0x4F80  }
0x94: {  	[spmem:s4] =	stream.indirect.scatter.add.f32 [tilespmem:s18], [sflag:$0x4], $0x40, s16, s17, $0xb8;
	[tilespmem:$0x1C480] =	vst v63  }
0x95: {  	_ =	swait.ge [sflag:s15], $0x2000  }
0x96: {  	[sflag:s15] =	ssyncset.done $0x0  }
0x97: {  	[sflag:s15] =	ssyncadd.s32 $0xFFFFE000  }
0x98: {  	_ =	swait.ge [sflag:s23], $0x2000  }
0x99: {  	[sflag:s23] =	ssyncset.done $0x0  }
0x9a: {  	s16 =	simm.s32 $0x180;
	[sflag:s23] =	ssyncadd.s32 $0xFFFFE000  }
0x9b: {  	[tilespmem:s18], [sflag:$0x1] =	stream.indirect.gather [hbm4b:s3+s17], $0x40, s16, s17, $0xb8;
	[tilespmem:$0x1C480] =	vst v63  }
0x9c: {  	s16 =	simm.s32 $0x5000  }
0x9d: {  	[spmem:s4] =	stream.indirect.scatter.add.f32 [tilespmem:s19], [sflag:$0x4], $0x40, s16, s17, $0xb8;
	[tilespmem:$0x1C480] =	vst v63  }
0x9e: {  	_ =	swait.ge [sflag:s15], $0x2000  }
0x9f: {  	[sflag:s15] =	ssyncset.done $0x0  }
0xa0: {  	[sflag:s15] =	ssyncadd.s32 $0xFFFFE000  }
0xa1: {  	_ =	swait.ge [sflag:s24], $0x2000  }
0xa2: {  	[sflag:s24] =	ssyncset.done $0x0  }
0xa3: {  	s16 =	simm.s32 $0x200;
	[sflag:s24] =	ssyncadd.s32 $0xFFFFE000  }
0xa4: {  	[tilespmem:s19], [sflag:$0x2] =	stream.indirect.gather [hbm4b:s3+s17], $0x40, s16, s17, $0xb8;
	[tilespmem:$0x1C480] =	vst v63  }
0xa5: {  	s16 =	simm.s32 $0x5080  }
0xa6: {  	[spmem:s4] =	stream.indirect.scatter.add.f32 [tilespmem:s22], [sflag:$0x4], $0x40, s16, s17, $0xb8;
	[tilespmem:$0x1C480] =	vst v63  }
0xa7: {  	_ =	swait.ge [sflag:s15], $0x2000  }
0xa8: {  	s31 =	simm.s32 $0x600;
	[sflag:s15] =	ssyncset.done $0x0  }
.LBB2_8:
0xa9: {  	p1 =	seq.s32 s31, $0x13200  }
0xaa: {  	[sflag:s15] =	ssyncadd.s32 $0xFFFFE000;
	s0 =	smov.u32 s31;
	s31 =	sadd.s32 $0x600, s31  }
0xab: {  	_ = 	snop  }
0xac: {  	_ =	swait.ge [sflag:s21], $0x2000  }
0xad: {  	s0 =	sshra.s32 s0, $0x2;
	[sflag:s21] =	ssyncset.done $0x0  }
0xae: {  	s16 =	sadd.s32 $0x100, s0;
	[sflag:s21] =	ssyncadd.s32 $0xFFFFE000  }
0xaf: {  	[tilespmem:s22], [sflag:$0x3] =	stream.indirect.gather [hbm4b:s3+s17], $0x40, s16, s17, $0xb8;
	[tilespmem:$0x1C480] =	vst v63  }
0xb0: {  	s16 =	sadd.s32 $0x4F80, s0  }
0xb1: {  	[spmem:s4] =	stream.indirect.scatter.add.f32 [tilespmem:s18], [sflag:$0x4], $0x40, s16, s17, $0xb8;
	[tilespmem:$0x1C480] =	vst v63  }
0xb2: {  	_ =	swait.ge [sflag:s15], $0x2000  }
0xb3: {  	[sflag:s15] =	ssyncset.done $0x0  }
0xb4: {  	[sflag:s15] =	ssyncadd.s32 $0xFFFFE000  }
0xb5: {  	_ =	swait.ge [sflag:s23], $0x2000  }
0xb6: {  	[sflag:s23] =	ssyncset.done $0x0  }
0xb7: {  	s16 =	sadd.s32 $0x180, s0;
	[sflag:s23] =	ssyncadd.s32 $0xFFFFE000  }
0xb8: {  	[tilespmem:s18], [sflag:$0x1] =	stream.indirect.gather [hbm4b:s3+s17], $0x40, s16, s17, $0xb8;
	[tilespmem:$0x1C480] =	vst v63  }
0xb9: {  	s16 =	sadd.s32 $0x5000, s0  }
0xba: {  	[spmem:s4] =	stream.indirect.scatter.add.f32 [tilespmem:s19], [sflag:$0x4], $0x40, s16, s17, $0xb8;
	[tilespmem:$0x1C480] =	vst v63  }
0xbb: {  	_ =	swait.ge [sflag:s15], $0x2000  }
0xbc: {  	[sflag:s15] =	ssyncset.done $0x0  }
0xbd: {  	[sflag:s15] =	ssyncadd.s32 $0xFFFFE000  }
0xbe: {  	_ =	swait.ge [sflag:s24], $0x2000  }
0xbf: {  	[sflag:s24] =	ssyncset.done $0x0  }
0xc0: {  	s16 =	sadd.s32 $0x200, s0;
	[sflag:s24] =	ssyncadd.s32 $0xFFFFE000  }
0xc1: {  	[tilespmem:s19], [sflag:$0x2] =	stream.indirect.gather [hbm4b:s3+s17], $0x40, s16, s17, $0xb8;
	[tilespmem:$0x1C480] =	vst v63  }
.Ltmp6:
0xc2: {  	_ = 	snop;
	(pc) =	sbr.rel @!p1 .LBB2_8-.Ltmp6, $4  }
0xc3: {  	s0 =	sadd.s32 $0x5080, s0  }
0xc4: {  	[spmem:s4] =	stream.indirect.scatter.add.f32 [tilespmem:s22], [sflag:$0x4], $0x40, s0, s17, $0xb8;
	[tilespmem:$0x1C480] =	vst v63  }
0xc5: {  	_ =	swait.ge [sflag:s15], $0x2000  }
0xc6: {  	[sflag:s15] =	ssyncset.done $0x0  }
.Ltmp7:
0xc7: {  	_ = 	snop;
	(pc) =	sbr.rel .LBB2_9-.Ltmp7, $1  }
0xc8: {  	_ =	sdelay $0x3  }
.LBB2_11:
0xc9: {  	_ =	sfence.sel $0x180000  }
0xca: {  	[bflag:$0x0] =	sbarrier.arrive $0xFFFF  }
0xcb: {  	_ =	strace $0x9000004A  }
0xcc: {  	[bflag:$0x2] =	sbarrier.arrive $0xFFFF  }
0xcd: {  	p0 =	sne.s32 s1, $0x0;
	s0 =	rddreg [dreg:$0x4]  }
0xce: {  	s0 =	sadd.s32 @!p0 $0x100000, s0  }
0xcf: {  	[sflag:s0] =	ssyncadd.tile.s32 @!p0 $0x1;
	_ =	shalt  }
.Lfunc_end2:
_tile_overlayer_lowered:
.L_overlay_start_2:
0xd0: {  	(tag) =	ssettag $0x2  }
0xd1: {  	s0 =	rddreg [dreg:$0x0];
	s2 =	stileid.u32  }
0xd2: {  	s1 =	rddreg [dreg:$0x1];
	p0 =	sne.s32 s2, $0x0  }
0xd3: {  	s3 =	rddreg [dreg:$0x2];
	[bflag:$0x3] =	sbarrier.arrive $0xFFFF;
	s2 =	simm.s32 @!p0 $0x1C04  }
0xd4: {  	[timem:s3], [sflag:s2] =	dma.local @!p0 [hbm:s0], s1  }
0xd5: {  	s0 =	simm.s32 @!p0 $0x4  }
0xd6: {  	_ =	swait.ge @!p0 [sflag:s0], s1  }
0xd7: {  	s1 =	ssub.s32 @!p0 $0x0, s1;
	[sflag:s0] =	ssyncset.done @!p0 $0x0  }
0xd8: {  	[sflag:s0] =	ssyncadd.s32 @!p0 s1  }
0xd9: {  	[bflag:$0x3] =	sbarrier.arrive $0xFFFF  }
0xda: {  	_ =	shalt  }

// kernel: kernel.15.cloned.1.call-start
scs
__scs_entry_jumppad:
0x0: {  	(pc) =	sbr.rel $0x88, $3  }
0x1: {  	(tag) =	ssettag $0x0;
	lr =	simm.s32 $0x1  }
0x2: {  	[smem:$0x3F99] =	sst lr;
	_ =	strace $0xD0000000  }
0x3: {  	_ = 	snop  }
0x4: {  	_ = 	snop  }
0x5: {  	_ = 	snop  }
0x6: {  	_ = 	snop  }
0x7: {  	_ = 	snop  }
__scs_overlays_trampoline_lowered:
0x8: {  	[smem:$0x3FA8] =	sst s0  }
0x9: {  	[smem:$0x3FA9] =	sst s1  }
0xa: {  	[smem:$0x3FAA] =	sst s2  }
0xb: {  	[smem:$0x3FAB] =	sst s3  }
0xc: {  	[smem:$0x3FAC] =	sst s4  }
0xd: {  	[smem:$0x3FAD] =	sst s5  }
0xe: {  	[smem:$0x3FAE] =	sst s6  }
0xf: {  	[smem:$0x3FAF] =	sst s7  }
0x10: {  	[smem:$0x3FB0] =	sst s8  }
0x11: {  	[smem:$0x3FB1] =	sst s9;
	s0 =	simm.s32 @!p0 $0x0  }
0x12: {  	s1 =	sld [smem:$0x3F97];
	s0 =	simm.s32 @p0 $0x1  }
0x13: {  	[smem:$0x3FB2] =	sst s0;
	s0 =	simm.s32 @!p1 $0x0  }
0x14: {  	s2 =	sld [smem:$0x3F96];
	s0 =	simm.s32 @p1 $0x1  }
0x15: {  	[smem:$0x3FB3] =	sst s0;
	s0 =	simm.s32 @!p2 $0x0  }
0x16: {  	s3 =	sld [smem:$0x3FDB];
	s0 =	simm.s32 @p2 $0x1  }
0x17: {  	s4 =	simm.s32 $0x1BF5;
	[smem:$0x3FB5] =	sst s0  }
0x18: {  	s0 =	sld [smem:$0x3F98];
	_ =	swait.ge [sflag:s4], $0x0  }
0x19: {  	s7 =	sld [smem:$0x3F99]  }
0x1a: {  	s8 =	sadd.s32 $0xFFFFE003, lr  }
0x1b: {  	s9 =	sadd.s32 $0xFFFFFEF7, lr;
	s5 =	simm.s32 $0xFFFFFFFF;
	p2 =	slt.u32 s8, $0xFFFFF086  }
0x1c: {  	p1 =	slt.u32 s9, $0xF7A;
	s5 =	simm.s32 @!p2 $0x0  }
0x1d: {  	s5 =	simm.s32 @p1 $0x1;
	p0 =	seq.s32 s7, s2  }
0x1e: {  	s7 =	smul.u32 @!p0 $0xF7A, s2;
	p2 =	seq.s32 @!p0 s5, $0x0  }
0x1f: {  	s9 =	smul.u32 $0xF7A, s1;
	s8 =	simm.s32 @!p0 $0x1BF5;
	p2 =	por !p2, p0  }
0x20: {  	[sflag:s8] =	ssyncset.s32 @!p0 $0xFFFFF086;
	s6 =	sadd.s32 @!p0 s3, s7;
	s7 =	simm.s32 @!p0 $0x108  }
0x21: {  	s3 =	sadd.s32 s3, s9;
	s6 =	sadd.s32 @!p0 $0x88, s6;
	s7 =	simm.s32 @p2 $0x1082  }
0x22: {  	[simem:s7], [sflag:s8] =	dma.local @!p0 [hbm:s6], $0xF7A  }
0x23: {  	s9 =	sor.u32 $0xD0000000, s2;
	s6 =	simm.s32 $0x108;
	_ =	swait.ge @!p0 [sflag:s8], $0x0  }
0x24: {  	s3 =	sadd.s32 $0x88, s3;
	s6 =	simm.s32 @!p1 $0x1082;
	[sflag:s4] =	ssyncset.s32 $0xFFFFF086  }
0x25: {  	[simem:s6], [sflag:s4] =	dma.local [hbm:s3], $0xF7A  }
0x26: {  	[smem:$0x3F99] =	sst s1;
	(tag) =	ssettag s2;
	_ =	strace s9  }
0x27: {  	s1 =	sld [smem:$0x3FA9]  }
0x28: {  	s2 =	sld [smem:$0x3FAA]  }
0x29: {  	s4 =	sld [smem:$0x3FAC]  }
0x2a: {  	p0 =	seq.s32 s5, $0x0;
	s5 =	sld [smem:$0x3FAD]  }
0x2b: {  	s6 =	sld [smem:$0x3FAE]  }
0x2c: {  	s7 =	sld [smem:$0x3FAF]  }
0x2d: {  	s3 =	simm.s32 $0x108;
	s8 =	sld [smem:$0x3FB0]  }
0x2e: {  	s3 =	simm.s32 @!p0 $0x1082;
	s9 =	sld [smem:$0x3FB1]  }
0x2f: {  	lr =	sadd.s32 s0, s3;
	s0 =	sld [smem:$0x3FA8]  }
0x30: {  	s3 =	sld [smem:$0x3FAB]  }
0x31: {  	[smem:$0x3FB4] =	sst s10  }
0x32: {  	s10 =	sld [smem:$0x3FB2];
	_ =	sdelay $0x3  }
0x33: {  	p0 =	seq.s32 s10, $0x1;
	s10 =	sld [smem:$0x3FB4];
	_ =	sdelay $0x3  }
0x34: {  	[smem:$0x3FB4] =	sst s10  }
0x35: {  	s10 =	sld [smem:$0x3FB3];
	_ =	sdelay $0x3  }
0x36: {  	p1 =	seq.s32 s10, $0x1;
	s10 =	sld [smem:$0x3FB4];
	_ =	sdelay $0x3  }
0x37: {  	[smem:$0x3FB4] =	sst s10  }
0x38: {  	s10 =	sld [smem:$0x3FB5]  }
0x39: {  	_ = 	snop;
	(pc) =	sbr.ind lr, $3  }
0x3a: {  	_ = 	snop  }
0x3b: {  	_ = 	snop  }
0x3c: {  	p2 =	seq.s32 s10, $0x1;
	s10 =	sld [smem:$0x3FB4]  }
0x3d: {  	_ =	shalt  }
0x3e: {  	_ =	shalt  }
0x3f: {  	_ =	shalt  }
0x40: {  	_ =	shalt  }
0x41: {  	_ =	shalt  }
0x42: {  	_ =	shalt  }
0x43: {  	_ =	shalt  }
0x44: {  	_ =	shalt  }
0x45: {  	_ =	shalt  }
0x46: {  	_ =	shalt  }
0x47: {  	_ =	shalt  }
0x48: {  	_ =	shalt  }
0x49: {  	_ =	shalt  }
0x4a: {  	_ =	shalt  }
0x4b: {  	_ =	shalt  }
0x4c: {  	_ =	shalt  }
0x4d: {  	_ =	shalt  }
0x4e: {  	_ =	shalt  }
0x4f: {  	_ =	shalt  }
0x50: {  	_ =	shalt  }
0x51: {  	_ =	shalt  }
0x52: {  	_ =	shalt  }
0x53: {  	_ =	shalt  }
0x54: {  	_ =	shalt  }
0x55: {  	_ =	shalt  }
0x56: {  	_ =	shalt  }
0x57: {  	_ =	shalt  }
0x58: {  	_ =	shalt  }
0x59: {  	_ =	shalt  }
0x5a: {  	_ =	shalt  }
0x5b: {  	_ =	shalt  }
0x5c: {  	_ =	shalt  }
0x5d: {  	_ =	shalt  }
0x5e: {  	_ =	shalt  }
0x5f: {  	_ =	shalt  }
0x60: {  	_ =	shalt  }
0x61: {  	_ =	shalt  }
0x62: {  	_ =	shalt  }
0x63: {  	_ =	shalt  }
0x64: {  	_ =	shalt  }
0x65: {  	_ =	shalt  }
0x66: {  	_ =	shalt  }
0x67: {  	_ =	shalt  }
0x68: {  	_ =	shalt  }
0x69: {  	_ =	shalt  }
0x6a: {  	_ =	shalt  }
0x6b: {  	_ =	shalt  }
0x6c: {  	_ =	shalt  }
0x6d: {  	_ =	shalt  }
0x6e: {  	_ =	shalt  }
0x6f: {  	_ =	shalt  }
0x70: {  	_ =	shalt  }
0x71: {  	_ =	shalt  }
0x72: {  	_ =	shalt  }
0x73: {  	_ =	shalt  }
0x74: {  	_ =	shalt  }
0x75: {  	_ =	shalt  }
0x76: {  	_ =	shalt  }
0x77: {  	_ =	shalt  }
0x78: {  	_ =	shalt  }
0x79: {  	_ =	shalt  }
0x7a: {  	_ =	shalt  }
0x7b: {  	_ =	shalt  }
0x7c: {  	_ =	shalt  }
0x7d: {  	_ =	shalt  }
0x7e: {  	_ =	shalt  }
0x7f: {  	_ =	shalt  }
0x80: {  	_ =	shalt  }
0x81: {  	_ =	shalt  }
0x82: {  	_ =	shalt  }
0x83: {  	_ =	shalt  }
0x84: {  	_ =	shalt  }
0x85: {  	_ =	shalt  }
0x86: {  	_ =	shalt  }
0x87: {  	_ =	shalt  }
.Lfunc_end0:
.L_simem_size_0:
called_computation.2_lowered:
.L_overlay_start_0:
0x88: {  	s2 =	sld [smem:$0x3FD9]  }
0x89: {  	s3 =	sld [smem:$0x3FFE];
	_ =	sdelay $0x1  }
0x8a: {  	s1 =	srdreg.scid  }
0x8b: {  	s0 =	sand.u32 $0x1, s1  }
0x8c: {  	s14 =	sshll.u32 s0, $0xA;
	s2 =	sadd.s32 s3, s2  }
0x8d: {  	s2 =	sadd.s32 s2, s14  }
0x8e: {  	[smem:$0x3FC0] =	sst s2  }
0x8f: {  	_ = 	snop  }
0x90: {  	s2 =	sld [smem:$0x3FD0];
	_ =	sdelay $0x2  }
0x91: {  	s15 =	simm.s32 $0xA;
	s4 =	simm.s32 $0x10  }
0x92: {  	[smem:s4], [sflag:s15] =	dma.local [hbm:s2], $0x1  }
0x93: {  	_ =	swait.eq [sflag:s15], $0x1  }
0x94: {  	[sflag:s15] =	ssyncset.done $0x0  }
0x95: {  	s16 =	sld [smem:$0x10];
	[sflag:s15] =	ssyncadd.s32 $0xFFFFFFFF  }
0x96: {  	s17 =	sld [smem:$0x11];
	(tm) =	ssettm $0x1  }
0x97: {  	s18 =	sld [smem:$0x3FFB];
	_ =	sdelay $0x3  }
0x98: {  	_ =	strace s18  }
0x99: {  	s4 =	sld [smem:$0x3FFC];
	_ =	sdelay $0x3  }
0x9a: {  	_ =	strace s4  }
0x9b: {  	s4 =	sld [smem:$0x3FFD];
	_ =	sdelay $0x3  }
0x9c: {  	_ =	strace s4  }
0x9d: {  	_ =	strace $0x8FFFFFFF  }
0x9e: {  	s19 =	sld [smem:$0x3FDB];
	_ =	sdelay $0x1  }
0x9f: {  	s5 =	simm.s32 $_scs_section_size  }
0xa0: {  	s6 =	simm.s32 $_size__tile_overlayer_lowered;
	s7 =	simm.s32 $_tile_overlayer_lowered  }
0xa1: {  	s22 =	simm.s32 $0x1BFF;
	s21 =	sshll.u32 s7, $0x1;
	s4 =	sadd.s32 s5, s19  }
0xa2: {  	s8 =	simm.s32 $0x0;
	s20 =	sshll.u32 s6, $0x1;
	s6 =	sadd.s32 s21, s4  }
0xa3: {  	[timem:s8], [sflag:s22] =	dma.local [hbm:s6], s20  }
0xa4: {  	_ =	swait.ge [sflag:s22], s20  }
0xa5: {  	s5 =	ssub.s32 $0x0, s20;
	[sflag:s22] =	ssyncset.done $0x0  }
0xa6: {  	[sflag:s22] =	ssyncadd.s32 s5;
	_ =	sdelay $0x1  }
0xa7: {  	s23 =	simm.s32 $0x1B8B  }
0xa8: {  	_ =	swait.ge [sflag:s23], $0x1  }
0xa9: {  	[sflag:s23] =	ssyncset.done $0x0  }
0xaa: {  	s25 =	simm.s32 $0x1B8E;
	s24 =	sld [smem:$0x3FFE];
	[sflag:s23] =	ssyncadd.s32 $0xFFFFFFFF  }
0xab: {  	s26 =	simm.s32 $execute0_lowered;
	[smem:$0x3FD2] =	sst s25  }
0xac: {  	s6 =	sshll.u32 s26, $0x1;
	_ =	strace $0x8000004C;
	[dreg:$0x1] =	wrdreg $0xFFFFFFFF  }
0xad: {  	s28 =	simm.s32 $_size_execute0_lowered;
	s4 =	sadd.s32 s4, s6;
	[dreg:$0x0] =	wrdreg $0x0  }
0xae: {  	s6 =	sshll.u32 s28, $0x1;
	[dreg:$0x2] =	wrdreg s4  }
0xaf: {  	[dreg:$0x3] =	wrdreg s6  }
0xb0: {  	[dreg:$0x4] =	wrdreg $0xC0  }
0xb1: {  	_ =	task [dreg:s8], $0x5FFFF  }
0xb2: {  	[dreg:$0x1] =	wrdreg $0xFFFFFFFF  }
0xb3: {  	[dreg:$0x0] =	wrdreg $0x60  }
0xb4: {  	[dreg:$0x2] =	wrdreg s24  }
0xb5: {  	[dreg:$0x3] =	wrdreg s17  }
0xb6: {  	[dreg:$0x4] =	wrdreg s16  }
0xb7: {  	[dreg:$0x5] =	wrdreg $0x126800  }
0xb8: {  	[dreg:$0x6] =	wrdreg $0x9  }
0xb9: {  	_ =	task.clear_ibuf [dreg:s8], $0x7FFFF;
	_ =	strace $0x9000004C  }
0xba: {  	s29 =	simm.s32 $0x9;
	_ =	strace $0x8000004E  }
0xbb: {  	_ =	swait.ge [sflag:s29], $0x1  }
0xbc: {  	[sflag:s29] =	ssyncadd.s32 $0xFFFFFFFF  }
0xbd: {  	_ =	strace $0x9000004E  }
0xbe: {  	_ =	sfence  }
0xbf: {  	s30 =	sld [smem:$0x0];
	_ =	sdelay $0x2  }
0xc0: {  	s31 =	sshll.u32 s1, $0xD;
	s1 =	sshrl.u32 s1, $0x2  }
0xc1: {  	s3 =	sand.u32 $0x4000, s31;
	s1 =	sadd.s32 s1, s30  }
0xc2: {  	s0 =	sor.u32 s3, s0;
	s1 =	sshll.u32 s1, $0x11  }
0xc3: {  	s0 =	sor.u32 s1, s0  }
0xc4: {  	s0 =	sadd.s32 $0x8F2B, s0  }
0xc5: {  	[sflag:s0] =	ssyncadd.remote.s32 $0x1  }
0xc6: {  	_ =	sfence.sel $0xFFFF  }
0xc7: {  	[dreg:$0x0] =	wrdreg $0xFFFFFFFF;
	(pc) =	sbr.abs _section_cstart, $3  }
0xc8: {  	[dreg:$0x1] =	wrdreg $0xFFFFFFFF  }
0xc9: {  	_ =	task.clear_ibuf [dreg:s8], $0x2FFFF;
	_ =	strace $0x9FFFFFFF  }
0xca: {  	(tm) =	ssettm $0x7FFFFFFF  }
0xcb: {  	_ =	shalt  }
tec
execute0_lowered:
.L_overlay_start_1:
0x0: {  	(tag) =	ssettag $0x1  }
0x1: {  	s0 =	rddreg [dreg:$0x0]  }
0x2: {  	s2 =	rddreg [dreg:$0x1]  }
0x3: {  	s3 =	rddreg [dreg:$0x2]  }
0x4: {  	s4 =	rddreg [dreg:$0x3];
	s1 =	stileid.u32  }
0x5: {  	s6 =	srdreg.scid;
	s5 =	simm.s32 $0x0;
	s15 =	simm.s32 $0x4  }
0x6: {  	s17 =	simm.s32 $0x80;
	s18 =	simm.s32 $0x9F00;
	s19 =	simm.s32 $0xBF00  }
0x7: {  	s21 =	simm.s32 $0x1;
	s22 =	simm.s32 $0xDF00;
	s23 =	simm.s32 $0x2  }
0x8: {  	s24 =	simm.s32 $0x3;
	s25 =	simm.s32 $0x4F00;
	s8 =	smul.u32 $0x9E00, s1  }
0x9: {  	s28 =	simm.s32 $0x9E00;
	s29 =	simm.s32 $0x9E80;
	s7 =	smul.u32 $0x9F0, s1  }
0xa: {  	s30 =	simm.s32 $0x0;
	s20 =	sand.u32 $0x1, s6;
	s10 =	smul.u32 $0x27800, s1  }
0xb: {  	[smem:$0x7FF] =	sst s5;
	s13 =	smov.u32 s3;
	s6 =	smul.u32 $0x9E000, s20  }
0xc: {  	_ =	strace $0x8000004D;
	s9 =	ssub.s32 $0x2, s20;
	p0 =	seq.s32 s20, $0x0  }
0xd: {  	s7 =	sadd.s32 s7, s0;
	s11 =	sshrl.u32 s9, $0x1;
	s26 =	sshrl.u32 s10, $0x2  }
0xe: {  	s13 =	smov.u32 @p0 s2;
	p0 =	sne.s32 s20, $0x0;
	s20 =	simm.s32 $0xFF00  }
.Ltmp0:
0xf: {  	s6 =	sadd.s32 s8, s6;
	s14 =	ssub.s32 s9, s11;
	(pc) =	sbr.rel .LBB2_1-.Ltmp0, $4  }
0x10: {  	s31 =	sadd.s32 s26, s4;
	s8 =	sadd.s32 s8, s4;
	s26 =	simm.s32 $0x9D80  }
0x11: {  	s6 =	sshrl.u32 s6, $0x3;
	s9 =	sadd.s32 $0x2780, s31;
	s10 =	sadd.s32 $0x4F00, s31  }
0x12: {  	s11 =	sadd.s32 $0x7680, s31;
	s14 =	smax.u32 s14, $0x1;
	s0 =	sadd.s32 s6, s0  }
0x13: {  	v0 =	vimm.f32 $0.0e+00;
	s6 =	sadd.s32 $0xC800, s7;
	s7 =	sadd.s32 $0x2800, s7;
	s12 =	sadd.s32 $0x65200, s0  }
.LBB2_9:
0x14: {  	[sflag:s15] =	ssyncadd.s32 $0xFFFFE000  }
0x15: {  	_ =	swait.ge [sflag:s21], $0x2000  }
0x16: {  	[sflag:s21] =	ssyncset.done $0x0  }
0x17: {  	[sflag:s21] =	ssyncadd.s32 $0xFFFFE000  }
0x18: {  	[tilespmem:s22], [sflag:$0x3] =	stream.indirect.gather [hbm4b:s3+s17], $0x40, s25, s17, $0xb8;
	[tilespmem:$0x1C480] =	vst v63  }
.LBB2_10:
0x19: {  	[spmem:s4] =	stream.indirect.scatter.add.f32 [tilespmem:s18], [sflag:$0x4], $0x40, s26, s17, $0xb8;
	[tilespmem:$0x1C480] =	vst v63  }
0x1a: {  	_ =	swait.ge [sflag:s15], $0x2000  }
0x1b: {  	[sflag:s15] =	ssyncset.done $0x0  }
0x1c: {  	[sflag:s15] =	ssyncadd.s32 $0xFFFFE000  }
0x1d: {  	_ =	swait.ge [sflag:s23], $0x2000  }
0x1e: {  	[sflag:s23] =	ssyncset.done $0x0  }
0x1f: {  	[sflag:s23] =	ssyncadd.s32 $0xFFFFE000  }
0x20: {  	[spmem:s4] =	stream.indirect.scatter.add.f32 [tilespmem:s19], [sflag:$0x4], $0x40, s28, s17, $0xb8;
	[tilespmem:$0x1C480] =	vst v63  }
0x21: {  	_ =	swait.ge [sflag:s15], $0x2000  }
0x22: {  	[sflag:s15] =	ssyncset.done $0x0  }
0x23: {  	[sflag:s15] =	ssyncadd.s32 $0xFFFFE000  }
0x24: {  	_ =	swait.ge [sflag:s24], $0x2000  }
0x25: {  	[sflag:s24] =	ssyncset.done $0x0  }
0x26: {  	[sflag:s24] =	ssyncadd.s32 $0xFFFFE000  }
0x27: {  	[spmem:s4] =	stream.indirect.scatter.add.f32 [tilespmem:s22], [sflag:$0x4], $0x40, s29, s17, $0xb8;
	[tilespmem:$0x1C480] =	vst v63  }
0x28: {  	_ =	swait.ge [sflag:s15], $0x2000  }
0x29: {  	s0 =	sshll.u32 s1, $0x6;
	s30 =	sadd.s32 $0x1, s30;
	[sflag:s15] =	ssyncset.done $0x0  }
0x2a: {  	s16 =	sshrl.u32 s8, $0x3;
	p1 =	sne.s32 s30, s14;
	[sflag:s15] =	ssyncadd.s32 $0xFFFFE000  }
.Ltmp1:
0x2b: {  	s0 =	sor.u32 $0x1C04, s0;
	[bflag:$0x0] =	sbarrier.arrive $0xFFFF;
	(pc) =	sbr.rel @!p1 .LBB2_11-.Ltmp1, $4  }
0x2c: {  	[hbm:s12], [sflag:s0] =	dma.local [spmem:s16], $0x13C0  }
0x2d: {  	_ =	swait.ge [sflag:s15], $0x13C0  }
0x2e: {  	[sflag:s15] =	ssyncset.done $0x0  }
0x2f: {  	[sflag:s15] =	ssyncadd.s32 $0xFFFFEC40  }
.LBB2_1:
0x30: {  	[tilespmem:s5], [sflag:$0x4] =	stream.linear.gather [hbm4b:s6+s5], $0x4F80, $0x38;
	[tilespmem:$0x1C480] =	vst v63  }
0x31: {  	_ =	swait.ge [sflag:s15], $0x4F80  }
0x32: {  	[sflag:s15] =	ssyncset.done $0x0  }
0x33: {  	s0 =	simm.s32 $0x4F80;
	[sflag:s15] =	ssyncadd.s32 $0xFFFFB080  }
0x34: {  	[tilespmem:s0], [sflag:$0x4] =	stream.linear.gather [hbm4b:s7+s5], $0x4F80, $0x38;
	[tilespmem:$0x1C480] =	vst v63  }
0x35: {  	_ =	swait.ge [sflag:s15], $0x4F80  }
0x36: {  	[sflag:s15] =	ssyncset.done $0x0  }
0x37: {  	[sflag:s15] =	ssyncadd.s32 $0xFFFFB080  }
0x38: {  	[tilespmem:s18], [sflag:$0x1] =	stream.indirect.gather [hbm4b:s13+s17], $0x40, s5, s17, $0xb8;
	[tilespmem:$0x1C480] =	vst v63  }
0x39: {  	_ = 	snop  }
0x3a: {  	[tilespmem:s19], [sflag:$0x2] =	stream.indirect.gather [hbm4b:s13+s17], $0x40, s17, s17, $0xb8;
	[tilespmem:$0x1C480] =	vst v63  }
0x3b: {  	s31 =	simm.s32 $0x1;
	s0 =	simm.s32 $0xFF00;
	[tilespmem:s20+$0x0] =	vst v0  }
.LBB2_2:
0x3c: {  	p1 =	sne.s32 s31, $0x277  }
.Ltmp2:
0x3d: {  	_ = 	snop;
	(pc) =	sbr.rel @p1 .LBB2_2-.Ltmp2, $3  }
0x3e: {  	_ =	sdelay $0x1  }
0x3f: {  	s31 =	sadd.s32 $0x1, s31;
	s0 =	sadd.s32 $0x10, s0  }
0x40: {  	[tilespmem:s0+$0x0] =	vst v0  }
0x41: {  	[spmem:s8] =	stream.linear.scatter [tilespmem:s20], [sflag:$0x4], $0x2780, $0x38;
	[tilespmem:$0x1C480] =	vst v63  }
0x42: {  	_ =	swait.ge [sflag:s15], $0x2780  }
0x43: {  	[sflag:s15] =	ssyncset.done $0x0  }
0x44: {  	[sflag:s15] =	ssyncadd.s32 $0xFFFFD880  }
0x45: {  	[spmem:s9] =	stream.linear.scatter [tilespmem:s20], [sflag:$0x4], $0x2780, $0x38;
	[tilespmem:$0x1C480] =	vst v63  }
0x46: {  	_ =	swait.ge [sflag:s15], $0x2780  }
0x47: {  	[sflag:s15] =	ssyncset.done $0x0  }
0x48: {  	[sflag:s15] =	ssyncadd.s32 $0xFFFFD880  }
0x49: {  	[spmem:s10] =	stream.linear.scatter [tilespmem:s20], [sflag:$0x4], $0x2780, $0x38;
	[tilespmem:$0x1C480] =	vst v63  }
0x4a: {  	_ =	swait.ge [sflag:s15], $0x2780  }
0x4b: {  	[sflag:s15] =	ssyncset.done $0x0  }
0x4c: {  	[sflag:s15] =	ssyncadd.s32 $0xFFFFD880  }
0x4d: {  	[spmem:s11] =	stream.linear.scatter [tilespmem:s20], [sflag:$0x4], $0x2780, $0x38;
	[tilespmem:$0x1C480] =	vst v63  }
.Ltmp3:
0x4e: {  	_ =	swait.ge [sflag:s15], $0x2780;
	(pc) =	sbr.rel @p0 .LBB2_7-.Ltmp3, $3  }
0x4f: {  	[sflag:s15] =	ssyncset.done $0x0  }
0x50: {  	[sflag:s15] =	ssyncadd.s32 $0xFFFFD880  }
0x51: {  	[bflag:$0x0] =	sbarrier.arrive $0xFFFF;
	_ =	sdelay $0x1  }
0x52: {  	_ =	swait.ge [sflag:s21], $0x2000  }
0x53: {  	[sflag:s21] =	ssyncset.done $0x0  }
0x54: {  	s0 =	simm.s32 $0x100;
	[sflag:s21] =	ssyncadd.s32 $0xFFFFE000  }
0x55: {  	[tilespmem:s22], [sflag:$0x3] =	stream.indirect.gather [hbm4b:s2+s17], $0x40, s0, s17, $0xb8;
	[tilespmem:$0x1C480] =	vst v63  }
0x56: {  	s16 =	simm.s32 $0x4F80  }
0x57: {  	[spmem:s4] =	stream.indirect.scatter.add.f32 [tilespmem:s18], [sflag:$0x4], $0x40, s16, s17, $0xb8;
	[tilespmem:$0x1C480] =	vst v63  }
0x58: {  	_ =	swait.ge [sflag:s15], $0x2000  }
0x59: {  	[sflag:s15] =	ssyncset.done $0x0  }
0x5a: {  	[sflag:s15] =	ssyncadd.s32 $0xFFFFE000  }
0x5b: {  	_ =	swait.ge [sflag:s23], $0x2000  }
0x5c: {  	[sflag:s23] =	ssyncset.done $0x0  }
0x5d: {  	s16 =	simm.s32 $0x180;
	[sflag:s23] =	ssyncadd.s32 $0xFFFFE000  }
0x5e: {  	[tilespmem:s18], [sflag:$0x1] =	stream.indirect.gather [hbm4b:s2+s17], $0x40, s16, s17, $0xb8;
	[tilespmem:$0x1C480] =	vst v63  }
0x5f: {  	s16 =	simm.s32 $0x5000  }
0x60: {  	[spmem:s4] =	stream.indirect.scatter.add.f32 [tilespmem:s19], [sflag:$0x4], $0x40, s16, s17, $0xb8;
	[tilespmem:$0x1C480] =	vst v63  }
0x61: {  	_ =	swait.ge [sflag:s15], $0x2000  }
0x62: {  	[sflag:s15] =	ssyncset.done $0x0  }
0x63: {  	[sflag:s15] =	ssyncadd.s32 $0xFFFFE000  }
0x64: {  	_ =	swait.ge [sflag:s24], $0x2000  }
0x65: {  	[sflag:s24] =	ssyncset.done $0x0  }
0x66: {  	s16 =	simm.s32 $0x200;
	[sflag:s24] =	ssyncadd.s32 $0xFFFFE000  }
0x67: {  	[tilespmem:s19], [sflag:$0x2] =	stream.indirect.gather [hbm4b:s2+s17], $0x40, s16, s17, $0xb8;
	[tilespmem:$0x1C480] =	vst v63  }
0x68: {  	s16 =	simm.s32 $0x5080  }
0x69: {  	[spmem:s4] =	stream.indirect.scatter.add.f32 [tilespmem:s22], [sflag:$0x4], $0x40, s16, s17, $0xb8;
	[tilespmem:$0x1C480] =	vst v63  }
0x6a: {  	_ =	swait.ge [sflag:s15], $0x2000  }
0x6b: {  	s31 =	simm.s32 $0x600;
	[sflag:s15] =	ssyncset.done $0x0  }
.LBB2_5:
0x6c: {  	p1 =	seq.s32 s31, $0x13200  }
0x6d: {  	[sflag:s15] =	ssyncadd.s32 $0xFFFFE000;
	s0 =	smov.u32 s31;
	s31 =	sadd.s32 $0x600, s31  }
0x6e: {  	_ = 	snop  }
0x6f: {  	_ =	swait.ge [sflag:s21], $0x2000  }
0x70: {  	s0 =	sshra.s32 s0, $0x2;
	[sflag:s21] =	ssyncset.done $0x0  }
0x71: {  	s16 =	sadd.s32 $0x100, s0;
	[sflag:s21] =	ssyncadd.s32 $0xFFFFE000  }
0x72: {  	[tilespmem:s22], [sflag:$0x3] =	stream.indirect.gather [hbm4b:s2+s17], $0x40, s16, s17, $0xb8;
	[tilespmem:$0x1C480] =	vst v63  }
0x73: {  	s16 =	sadd.s32 $0x4F80, s0  }
0x74: {  	[spmem:s4] =	stream.indirect.scatter.add.f32 [tilespmem:s18], [sflag:$0x4], $0x40, s16, s17, $0xb8;
	[tilespmem:$0x1C480] =	vst v63  }
0x75: {  	_ =	swait.ge [sflag:s15], $0x2000  }
0x76: {  	[sflag:s15] =	ssyncset.done $0x0  }
0x77: {  	[sflag:s15] =	ssyncadd.s32 $0xFFFFE000  }
0x78: {  	_ =	swait.ge [sflag:s23], $0x2000  }
0x79: {  	[sflag:s23] =	ssyncset.done $0x0  }
0x7a: {  	s16 =	sadd.s32 $0x180, s0;
	[sflag:s23] =	ssyncadd.s32 $0xFFFFE000  }
0x7b: {  	[tilespmem:s18], [sflag:$0x1] =	stream.indirect.gather [hbm4b:s2+s17], $0x40, s16, s17, $0xb8;
	[tilespmem:$0x1C480] =	vst v63  }
0x7c: {  	s16 =	sadd.s32 $0x5000, s0  }
0x7d: {  	[spmem:s4] =	stream.indirect.scatter.add.f32 [tilespmem:s19], [sflag:$0x4], $0x40, s16, s17, $0xb8;
	[tilespmem:$0x1C480] =	vst v63  }
0x7e: {  	_ =	swait.ge [sflag:s15], $0x2000  }
0x7f: {  	[sflag:s15] =	ssyncset.done $0x0  }
0x80: {  	[sflag:s15] =	ssyncadd.s32 $0xFFFFE000  }
0x81: {  	_ =	swait.ge [sflag:s24], $0x2000  }
0x82: {  	[sflag:s24] =	ssyncset.done $0x0  }
0x83: {  	s16 =	sadd.s32 $0x200, s0;
	[sflag:s24] =	ssyncadd.s32 $0xFFFFE000  }
0x84: {  	[tilespmem:s19], [sflag:$0x2] =	stream.indirect.gather [hbm4b:s2+s17], $0x40, s16, s17, $0xb8;
	[tilespmem:$0x1C480] =	vst v63  }
.Ltmp4:
0x85: {  	_ = 	snop;
	(pc) =	sbr.rel @!p1 .LBB2_5-.Ltmp4, $4  }
0x86: {  	s0 =	sadd.s32 $0x5080, s0  }
0x87: {  	[spmem:s4] =	stream.indirect.scatter.add.f32 [tilespmem:s22], [sflag:$0x4], $0x40, s0, s17, $0xb8;
	[tilespmem:$0x1C480] =	vst v63  }
0x88: {  	_ =	swait.ge [sflag:s15], $0x2000  }
0x89: {  	[sflag:s15] =	ssyncset.done $0x0  }
.Ltmp5:
0x8a: {  	[sflag:s15] =	ssyncadd.s32 $0xFFFFE000;
	(pc) =	sbr.rel .LBB2_10-.Ltmp5, $4  }
0x8b: {  	_ =	swait.ge [sflag:s21], $0x2000  }
0x8c: {  	[sflag:s21] =	ssyncset.done $0x0  }
0x8d: {  	[sflag:s21] =	ssyncadd.s32 $0xFFFFE000  }
0x8e: {  	[tilespmem:s22], [sflag:$0x3] =	stream.indirect.gather [hbm4b:s2+s17], $0x40, s25, s17, $0xb8;
	[tilespmem:$0x1C480] =	vst v63  }
.LBB2_7:
0x8f: {  	_ =	swait.ge [sflag:s21], $0x2000  }
0x90: {  	[sflag:s21] =	ssyncset.done $0x0  }
0x91: {  	s0 =	simm.s32 $0x100;
	[sflag:s21] =	ssyncadd.s32 $0xFFFFE000  }
0x92: {  	[tilespmem:s22], [sflag:$0x3] =	stream.indirect.gather [hbm4b:s3+s17], $0x40, s0, s17, $0xb8;
	[tilespmem:$0x1C480] =	vst v63  }
0x93: {  	s16 =	simm.s32 $0x4F80  }
0x94: {  	[spmem:s4] =	stream.indirect.scatter.add.f32 [tilespmem:s18], [sflag:$0x4], $0x40, s16, s17, $0xb8;
	[tilespmem:$0x1C480] =	vst v63  }
0x95: {  	_ =	swait.ge [sflag:s15], $0x2000  }
0x96: {  	[sflag:s15] =	ssyncset.done $0x0  }
0x97: {  	[sflag:s15] =	ssyncadd.s32 $0xFFFFE000  }
0x98: {  	_ =	swait.ge [sflag:s23], $0x2000  }
0x99: {  	[sflag:s23] =	ssyncset.done $0x0  }
0x9a: {  	s16 =	simm.s32 $0x180;
	[sflag:s23] =	ssyncadd.s32 $0xFFFFE000  }
0x9b: {  	[tilespmem:s18], [sflag:$0x1] =	stream.indirect.gather [hbm4b:s3+s17], $0x40, s16, s17, $0xb8;
	[tilespmem:$0x1C480] =	vst v63  }
0x9c: {  	s16 =	simm.s32 $0x5000  }
0x9d: {  	[spmem:s4] =	stream.indirect.scatter.add.f32 [tilespmem:s19], [sflag:$0x4], $0x40, s16, s17, $0xb8;
	[tilespmem:$0x1C480] =	vst v63  }
0x9e: {  	_ =	swait.ge [sflag:s15], $0x2000  }
0x9f: {  	[sflag:s15] =	ssyncset.done $0x0  }
0xa0: {  	[sflag:s15] =	ssyncadd.s32 $0xFFFFE000  }
0xa1: {  	_ =	swait.ge [sflag:s24], $0x2000  }
0xa2: {  	[sflag:s24] =	ssyncset.done $0x0  }
0xa3: {  	s16 =	simm.s32 $0x200;
	[sflag:s24] =	ssyncadd.s32 $0xFFFFE000  }
0xa4: {  	[tilespmem:s19], [sflag:$0x2] =	stream.indirect.gather [hbm4b:s3+s17], $0x40, s16, s17, $0xb8;
	[tilespmem:$0x1C480] =	vst v63  }
0xa5: {  	s16 =	simm.s32 $0x5080  }
0xa6: {  	[spmem:s4] =	stream.indirect.scatter.add.f32 [tilespmem:s22], [sflag:$0x4], $0x40, s16, s17, $0xb8;
	[tilespmem:$0x1C480] =	vst v63  }
0xa7: {  	_ =	swait.ge [sflag:s15], $0x2000  }
0xa8: {  	s31 =	simm.s32 $0x600;
	[sflag:s15] =	ssyncset.done $0x0  }
.LBB2_8:
0xa9: {  	p1 =	seq.s32 s31, $0x13200  }
0xaa: {  	[sflag:s15] =	ssyncadd.s32 $0xFFFFE000;
	s0 =	smov.u32 s31;
	s31 =	sadd.s32 $0x600, s31  }
0xab: {  	_ = 	snop  }
0xac: {  	_ =	swait.ge [sflag:s21], $0x2000  }
0xad: {  	s0 =	sshra.s32 s0, $0x2;
	[sflag:s21] =	ssyncset.done $0x0  }
0xae: {  	s16 =	sadd.s32 $0x100, s0;
	[sflag:s21] =	ssyncadd.s32 $0xFFFFE000  }
0xaf: {  	[tilespmem:s22], [sflag:$0x3] =	stream.indirect.gather [hbm4b:s3+s17], $0x40, s16, s17, $0xb8;
	[tilespmem:$0x1C480] =	vst v63  }
0xb0: {  	s16 =	sadd.s32 $0x4F80, s0  }
0xb1: {  	[spmem:s4] =	stream.indirect.scatter.add.f32 [tilespmem:s18], [sflag:$0x4], $0x40, s16, s17, $0xb8;
	[tilespmem:$0x1C480] =	vst v63  }
0xb2: {  	_ =	swait.ge [sflag:s15], $0x2000  }
0xb3: {  	[sflag:s15] =	ssyncset.done $0x0  }
0xb4: {  	[sflag:s15] =	ssyncadd.s32 $0xFFFFE000  }
0xb5: {  	_ =	swait.ge [sflag:s23], $0x2000  }
0xb6: {  	[sflag:s23] =	ssyncset.done $0x0  }
0xb7: {  	s16 =	sadd.s32 $0x180, s0;
	[sflag:s23] =	ssyncadd.s32 $0xFFFFE000  }
0xb8: {  	[tilespmem:s18], [sflag:$0x1] =	stream.indirect.gather [hbm4b:s3+s17], $0x40, s16, s17, $0xb8;
	[tilespmem:$0x1C480] =	vst v63  }
0xb9: {  	s16 =	sadd.s32 $0x5000, s0  }
0xba: {  	[spmem:s4] =	stream.indirect.scatter.add.f32 [tilespmem:s19], [sflag:$0x4], $0x40, s16, s17, $0xb8;
	[tilespmem:$0x1C480] =	vst v63  }
0xbb: {  	_ =	swait.ge [sflag:s15], $0x2000  }
0xbc: {  	[sflag:s15] =	ssyncset.done $0x0  }
0xbd: {  	[sflag:s15] =	ssyncadd.s32 $0xFFFFE000  }
0xbe: {  	_ =	swait.ge [sflag:s24], $0x2000  }
0xbf: {  	[sflag:s24] =	ssyncset.done $0x0  }
0xc0: {  	s16 =	sadd.s32 $0x200, s0;
	[sflag:s24] =	ssyncadd.s32 $0xFFFFE000  }
0xc1: {  	[tilespmem:s19], [sflag:$0x2] =	stream.indirect.gather [hbm4b:s3+s17], $0x40, s16, s17, $0xb8;
	[tilespmem:$0x1C480] =	vst v63  }
.Ltmp6:
0xc2: {  	_ = 	snop;
	(pc) =	sbr.rel @!p1 .LBB2_8-.Ltmp6, $4  }
0xc3: {  	s0 =	sadd.s32 $0x5080, s0  }
0xc4: {  	[spmem:s4] =	stream.indirect.scatter.add.f32 [tilespmem:s22], [sflag:$0x4], $0x40, s0, s17, $0xb8;
	[tilespmem:$0x1C480] =	vst v63  }
0xc5: {  	_ =	swait.ge [sflag:s15], $0x2000  }
0xc6: {  	[sflag:s15] =	ssyncset.done $0x0  }
.Ltmp7:
0xc7: {  	_ = 	snop;
	(pc) =	sbr.rel .LBB2_9-.Ltmp7, $1  }
0xc8: {  	_ =	sdelay $0x3  }
.LBB2_11:
0xc9: {  	_ =	sfence.sel $0x180000  }
0xca: {  	[bflag:$0x0] =	sbarrier.arrive $0xFFFF  }
0xcb: {  	_ =	strace $0x9000004D  }
0xcc: {  	[bflag:$0x2] =	sbarrier.arrive $0xFFFF  }
0xcd: {  	p0 =	sne.s32 s1, $0x0;
	s0 =	rddreg [dreg:$0x4]  }
0xce: {  	s0 =	sadd.s32 @!p0 $0x100000, s0  }
0xcf: {  	[sflag:s0] =	ssyncadd.tile.s32 @!p0 $0x1;
	_ =	shalt  }
.Lfunc_end2:
_tile_overlayer_lowered:
.L_overlay_start_2:
0xd0: {  	(tag) =	ssettag $0x2  }
0xd1: {  	s0 =	rddreg [dreg:$0x0];
	s2 =	stileid.u32  }
0xd2: {  	s1 =	rddreg [dreg:$0x1];
	p0 =	sne.s32 s2, $0x0  }
0xd3: {  	s3 =	rddreg [dreg:$0x2];
	[bflag:$0x3] =	sbarrier.arrive $0xFFFF;
	s2 =	simm.s32 @!p0 $0x1C04  }
0xd4: {  	[timem:s3], [sflag:s2] =	dma.local @!p0 [hbm:s0], s1  }
0xd5: {  	s0 =	simm.s32 @!p0 $0x4  }
0xd6: {  	_ =	swait.ge @!p0 [sflag:s0], s1  }
0xd7: {  	s1 =	ssub.s32 @!p0 $0x0, s1;
	[sflag:s0] =	ssyncset.done @!p0 $0x0  }
0xd8: {  	[sflag:s0] =	ssyncadd.s32 @!p0 s1  }
0xd9: {  	[bflag:$0x3] =	sbarrier.arrive $0xFFFF  }
0xda: {  	_ =	shalt  }

// kernel: kernel.9.cloned.1.call-start
scs
__scs_entry_jumppad:
0x0: {  	(pc) =	sbr.rel $0x88, $3  }
0x1: {  	(tag) =	ssettag $0x0;
	lr =	simm.s32 $0x1  }
0x2: {  	[smem:$0x3F99] =	sst lr;
	_ =	strace $0xD0000000  }
0x3: {  	_ = 	snop  }
0x4: {  	_ = 	snop  }
0x5: {  	_ = 	snop  }
0x6: {  	_ = 	snop  }
0x7: {  	_ = 	snop  }
__scs_overlays_trampoline_lowered:
0x8: {  	[smem:$0x3FA8] =	sst s0  }
0x9: {  	[smem:$0x3FA9] =	sst s1  }
0xa: {  	[smem:$0x3FAA] =	sst s2  }
0xb: {  	[smem:$0x3FAB] =	sst s3  }
0xc: {  	[smem:$0x3FAC] =	sst s4  }
0xd: {  	[smem:$0x3FAD] =	sst s5  }
0xe: {  	[smem:$0x3FAE] =	sst s6  }
0xf: {  	[smem:$0x3FAF] =	sst s7  }
0x10: {  	[smem:$0x3FB0] =	sst s8  }
0x11: {  	[smem:$0x3FB1] =	sst s9;
	s0 =	simm.s32 @!p0 $0x0  }
0x12: {  	s1 =	sld [smem:$0x3F97];
	s0 =	simm.s32 @p0 $0x1  }
0x13: {  	[smem:$0x3FB2] =	sst s0;
	s0 =	simm.s32 @!p1 $0x0  }
0x14: {  	s2 =	sld [smem:$0x3F96];
	s0 =	simm.s32 @p1 $0x1  }
0x15: {  	[smem:$0x3FB3] =	sst s0;
	s0 =	simm.s32 @!p2 $0x0  }
0x16: {  	s3 =	sld [smem:$0x3FDB];
	s0 =	simm.s32 @p2 $0x1  }
0x17: {  	s4 =	simm.s32 $0x1BF5;
	[smem:$0x3FB5] =	sst s0  }
0x18: {  	s0 =	sld [smem:$0x3F98];
	_ =	swait.ge [sflag:s4], $0x0  }
0x19: {  	s7 =	sld [smem:$0x3F99]  }
0x1a: {  	s8 =	sadd.s32 $0xFFFFE003, lr  }
0x1b: {  	s9 =	sadd.s32 $0xFFFFFEF7, lr;
	s5 =	simm.s32 $0xFFFFFFFF;
	p2 =	slt.u32 s8, $0xFFFFF086  }
0x1c: {  	p1 =	slt.u32 s9, $0xF7A;
	s5 =	simm.s32 @!p2 $0x0  }
0x1d: {  	s5 =	simm.s32 @p1 $0x1;
	p0 =	seq.s32 s7, s2  }
0x1e: {  	s7 =	smul.u32 @!p0 $0xF7A, s2;
	p2 =	seq.s32 @!p0 s5, $0x0  }
0x1f: {  	s9 =	smul.u32 $0xF7A, s1;
	s8 =	simm.s32 @!p0 $0x1BF5;
	p2 =	por !p2, p0  }
0x20: {  	[sflag:s8] =	ssyncset.s32 @!p0 $0xFFFFF086;
	s6 =	sadd.s32 @!p0 s3, s7;
	s7 =	simm.s32 @!p0 $0x108  }
0x21: {  	s3 =	sadd.s32 s3, s9;
	s6 =	sadd.s32 @!p0 $0x88, s6;
	s7 =	simm.s32 @p2 $0x1082  }
0x22: {  	[simem:s7], [sflag:s8] =	dma.local @!p0 [hbm:s6], $0xF7A  }
0x23: {  	s9 =	sor.u32 $0xD0000000, s2;
	s6 =	simm.s32 $0x108;
	_ =	swait.ge @!p0 [sflag:s8], $0x0  }
0x24: {  	s3 =	sadd.s32 $0x88, s3;
	s6 =	simm.s32 @!p1 $0x1082;
	[sflag:s4] =	ssyncset.s32 $0xFFFFF086  }
0x25: {  	[simem:s6], [sflag:s4] =	dma.local [hbm:s3], $0xF7A  }
0x26: {  	[smem:$0x3F99] =	sst s1;
	(tag) =	ssettag s2;
	_ =	strace s9  }
0x27: {  	s1 =	sld [smem:$0x3FA9]  }
0x28: {  	s2 =	sld [smem:$0x3FAA]  }
0x29: {  	s4 =	sld [smem:$0x3FAC]  }
0x2a: {  	p0 =	seq.s32 s5, $0x0;
	s5 =	sld [smem:$0x3FAD]  }
0x2b: {  	s6 =	sld [smem:$0x3FAE]  }
0x2c: {  	s7 =	sld [smem:$0x3FAF]  }
0x2d: {  	s3 =	simm.s32 $0x108;
	s8 =	sld [smem:$0x3FB0]  }
0x2e: {  	s3 =	simm.s32 @!p0 $0x1082;
	s9 =	sld [smem:$0x3FB1]  }
0x2f: {  	lr =	sadd.s32 s0, s3;
	s0 =	sld [smem:$0x3FA8]  }
0x30: {  	s3 =	sld [smem:$0x3FAB]  }
0x31: {  	[smem:$0x3FB4] =	sst s10  }
0x32: {  	s10 =	sld [smem:$0x3FB2];
	_ =	sdelay $0x3  }
0x33: {  	p0 =	seq.s32 s10, $0x1;
	s10 =	sld [smem:$0x3FB4];
	_ =	sdelay $0x3  }
0x34: {  	[smem:$0x3FB4] =	sst s10  }
0x35: {  	s10 =	sld [smem:$0x3FB3];
	_ =	sdelay $0x3  }
0x36: {  	p1 =	seq.s32 s10, $0x1;
	s10 =	sld [smem:$0x3FB4];
	_ =	sdelay $0x3  }
0x37: {  	[smem:$0x3FB4] =	sst s10  }
0x38: {  	s10 =	sld [smem:$0x3FB5]  }
0x39: {  	_ = 	snop;
	(pc) =	sbr.ind lr, $3  }
0x3a: {  	_ = 	snop  }
0x3b: {  	_ = 	snop  }
0x3c: {  	p2 =	seq.s32 s10, $0x1;
	s10 =	sld [smem:$0x3FB4]  }
0x3d: {  	_ =	shalt  }
0x3e: {  	_ =	shalt  }
0x3f: {  	_ =	shalt  }
0x40: {  	_ =	shalt  }
0x41: {  	_ =	shalt  }
0x42: {  	_ =	shalt  }
0x43: {  	_ =	shalt  }
0x44: {  	_ =	shalt  }
0x45: {  	_ =	shalt  }
0x46: {  	_ =	shalt  }
0x47: {  	_ =	shalt  }
0x48: {  	_ =	shalt  }
0x49: {  	_ =	shalt  }
0x4a: {  	_ =	shalt  }
0x4b: {  	_ =	shalt  }
0x4c: {  	_ =	shalt  }
0x4d: {  	_ =	shalt  }
0x4e: {  	_ =	shalt  }
0x4f: {  	_ =	shalt  }
0x50: {  	_ =	shalt  }
0x51: {  	_ =	shalt  }
0x52: {  	_ =	shalt  }
0x53: {  	_ =	shalt  }
0x54: {  	_ =	shalt  }
0x55: {  	_ =	shalt  }
0x56: {  	_ =	shalt  }
0x57: {  	_ =	shalt  }
0x58: {  	_ =	shalt  }
0x59: {  	_ =	shalt  }
0x5a: {  	_ =	shalt  }
0x5b: {  	_ =	shalt  }
0x5c: {  	_ =	shalt  }
0x5d: {  	_ =	shalt  }
0x5e: {  	_ =	shalt  }
0x5f: {  	_ =	shalt  }
0x60: {  	_ =	shalt  }
0x61: {  	_ =	shalt  }
0x62: {  	_ =	shalt  }
0x63: {  	_ =	shalt  }
0x64: {  	_ =	shalt  }
0x65: {  	_ =	shalt  }
0x66: {  	_ =	shalt  }
0x67: {  	_ =	shalt  }
0x68: {  	_ =	shalt  }
0x69: {  	_ =	shalt  }
0x6a: {  	_ =	shalt  }
0x6b: {  	_ =	shalt  }
0x6c: {  	_ =	shalt  }
0x6d: {  	_ =	shalt  }
0x6e: {  	_ =	shalt  }
0x6f: {  	_ =	shalt  }
0x70: {  	_ =	shalt  }
0x71: {  	_ =	shalt  }
0x72: {  	_ =	shalt  }
0x73: {  	_ =	shalt  }
0x74: {  	_ =	shalt  }
0x75: {  	_ =	shalt  }
0x76: {  	_ =	shalt  }
0x77: {  	_ =	shalt  }
0x78: {  	_ =	shalt  }
0x79: {  	_ =	shalt  }
0x7a: {  	_ =	shalt  }
0x7b: {  	_ =	shalt  }
0x7c: {  	_ =	shalt  }
0x7d: {  	_ =	shalt  }
0x7e: {  	_ =	shalt  }
0x7f: {  	_ =	shalt  }
0x80: {  	_ =	shalt  }
0x81: {  	_ =	shalt  }
0x82: {  	_ =	shalt  }
0x83: {  	_ =	shalt  }
0x84: {  	_ =	shalt  }
0x85: {  	_ =	shalt  }
0x86: {  	_ =	shalt  }
0x87: {  	_ =	shalt  }
.Lfunc_end0:
.L_simem_size_0:
called_computation_lowered:
.L_overlay_start_0:
0x88: {  	s2 =	sld [smem:$0x3FD9]  }
0x89: {  	s3 =	sld [smem:$0x3FFE];
	_ =	sdelay $0x1  }
0x8a: {  	s1 =	srdreg.scid  }
0x8b: {  	s0 =	sand.u32 $0x1, s1  }
0x8c: {  	s15 =	sshll.u32 s0, $0xA;
	s2 =	sadd.s32 s3, s2  }
0x8d: {  	s2 =	sadd.s32 s2, s15  }
0x8e: {  	[smem:$0x3FC0] =	sst s2  }
0x8f: {  	_ = 	snop  }
0x90: {  	s2 =	sld [smem:$0x3FD0];
	_ =	sdelay $0x2  }
0x91: {  	s16 =	simm.s32 $0xA;
	s4 =	simm.s32 $0x10  }
0x92: {  	[smem:s4], [sflag:s16] =	dma.local [hbm:s2], $0x1  }
0x93: {  	_ =	swait.eq [sflag:s16], $0x1  }
0x94: {  	[sflag:s16] =	ssyncset.done $0x0  }
0x95: {  	s17 =	sld [smem:$0x10];
	[sflag:s16] =	ssyncadd.s32 $0xFFFFFFFF  }
0x96: {  	s18 =	sld [smem:$0x11];
	(tm) =	ssettm $0x1  }
0x97: {  	s19 =	sld [smem:$0x3FFB];
	_ =	sdelay $0x3  }
0x98: {  	_ =	strace s19  }
0x99: {  	s4 =	sld [smem:$0x3FFC];
	_ =	sdelay $0x3  }
0x9a: {  	_ =	strace s4  }
0x9b: {  	s4 =	sld [smem:$0x3FFD];
	_ =	sdelay $0x3  }
0x9c: {  	_ =	strace s4  }
0x9d: {  	_ =	strace $0x8FFFFFFF  }
0x9e: {  	s20 =	sld [smem:$0x3FDB];
	_ =	sdelay $0x1  }
0x9f: {  	s5 =	simm.s32 $_scs_section_size  }
0xa0: {  	s6 =	simm.s32 $_size__tile_overlayer_lowered;
	s7 =	simm.s32 $_tile_overlayer_lowered  }
0xa1: {  	s23 =	simm.s32 $0x1BFF;
	s22 =	sshll.u32 s7, $0x1;
	s4 =	sadd.s32 s5, s20  }
0xa2: {  	s8 =	simm.s32 $0x0;
	s21 =	sshll.u32 s6, $0x1;
	s6 =	sadd.s32 s22, s4  }
0xa3: {  	[timem:s8], [sflag:s23] =	dma.local [hbm:s6], s21  }
0xa4: {  	_ =	swait.ge [sflag:s23], s21  }
0xa5: {  	s5 =	ssub.s32 $0x0, s21;
	[sflag:s23] =	ssyncset.done $0x0  }
0xa6: {  	[sflag:s23] =	ssyncadd.s32 s5;
	_ =	sdelay $0x1  }
0xa7: {  	s24 =	simm.s32 $0x1B8B  }
0xa8: {  	_ =	swait.ge [sflag:s24], $0x1  }
0xa9: {  	[sflag:s24] =	ssyncset.done $0x0  }
0xaa: {  	s25 =	simm.s32 $0x1B8E;
	[sflag:s24] =	ssyncadd.s32 $0xFFFFFFFF  }
0xab: {  	s26 =	simm.s32 $execute0_lowered;
	[smem:$0x3FD2] =	sst s25  }
0xac: {  	s5 =	sshll.u32 s26, $0x1;
	_ =	strace $0x80000046;
	[dreg:$0x1] =	wrdreg $0xFFFFFFFF  }
0xad: {  	s28 =	simm.s32 $_size_execute0_lowered;
	s4 =	sadd.s32 s4, s5;
	[dreg:$0x0] =	wrdreg $0x0  }
0xae: {  	s5 =	sshll.u32 s28, $0x1;
	[dreg:$0x2] =	wrdreg s4  }
0xaf: {  	[dreg:$0x3] =	wrdreg s5  }
0xb0: {  	[dreg:$0x4] =	wrdreg $0xC0  }
0xb1: {  	_ =	task [dreg:s8], $0x5FFFF  }
0xb2: {  	[dreg:$0x1] =	wrdreg $0xFFFFFFFF  }
0xb3: {  	[dreg:$0x0] =	wrdreg $0x60  }
0xb4: {  	[dreg:$0x2] =	wrdreg s17  }
0xb5: {  	[dreg:$0x3] =	wrdreg s18  }
0xb6: {  	[dreg:$0x4] =	wrdreg $0x9  }
0xb7: {  	_ =	task.clear_ibuf [dreg:s8], $0x5FFFF;
	_ =	strace $0x90000046  }
0xb8: {  	s29 =	simm.s32 $0x9;
	_ =	strace $0x80000048  }
0xb9: {  	_ =	swait.ge [sflag:s29], $0x1  }
0xba: {  	[sflag:s29] =	ssyncadd.s32 $0xFFFFFFFF  }
0xbb: {  	_ =	strace $0x90000048  }
0xbc: {  	_ =	sfence  }
0xbd: {  	s30 =	sld [smem:$0x0];
	_ =	sdelay $0x2  }
0xbe: {  	s31 =	sshll.u32 s1, $0xD;
	s1 =	sshrl.u32 s1, $0x2  }
0xbf: {  	s3 =	sand.u32 $0x4000, s31;
	s1 =	sadd.s32 s1, s30  }
0xc0: {  	s0 =	sor.u32 s3, s0;
	s1 =	sshll.u32 s1, $0x11  }
0xc1: {  	s0 =	sor.u32 s1, s0  }
0xc2: {  	s0 =	sadd.s32 $0x8F2B, s0  }
0xc3: {  	[sflag:s0] =	ssyncadd.remote.s32 $0x1  }
0xc4: {  	_ =	sfence.sel $0xFFFF  }
0xc5: {  	[dreg:$0x0] =	wrdreg $0xFFFFFFFF;
	(pc) =	sbr.abs _section_cstart, $3  }
0xc6: {  	[dreg:$0x1] =	wrdreg $0xFFFFFFFF  }
0xc7: {  	_ =	task.clear_ibuf [dreg:s8], $0x2FFFF;
	_ =	strace $0x9FFFFFFF  }
0xc8: {  	(tm) =	ssettm $0x7FFFFFFF  }
0xc9: {  	_ =	shalt  }
tec
execute0_lowered:
.L_overlay_start_1:
0x0: {  	(tag) =	ssettag $0x1  }
0x1: {  	s0 =	srdreg.scid  }
0x2: {  	s4 =	sand.u32 $0x1, s0  }
0x3: {  	s3 =	rddreg [dreg:$0x0];
	s1 =	stileid.u32;
	s2 =	sshll.u32 s4, $0x4  }
0x4: {  	s5 =	rddreg [dreg:$0x1];
	s6 =	sor.u32 s1, s2  }
0x5: {  	s4 =	ssub.s32 $0x2, s4;
	s2 =	simm.s32 $0x0;
	s7 =	smul.u32 $0x4E2, s6  }
0x6: {  	s8 =	sshrl.u32 s4, $0x1;
	[smem:$0x7FF] =	sst s2;
	s6 =	smul.u32 $0x4F0, s6  }
0x7: {  	s0 =	rddreg [dreg:$0x2];
	s8 =	ssub.s32 s4, s8;
	_ =	strace $0x80000047  }
0x8: {  	s3 =	sadd.s32 s3, s7;
	s4 =	sadd.s32 s5, s6;
	s5 =	smax.u32 s8, $0x1  }
0x9: {  	v0 =	vimm.f32 $0.0e+00;
	v1 =	vimm.f32 $1.000000000e+00;
	s6 =	simm.s32 $0x1;
	s7 =	simm.s32 $0x2710;
	s8 =	simm.s32 $0x0  }
.LBB2_1:
0xa: {  	[tilespmem:s2], [sflag:$0x1] =	stream.linear.gather [hbm4b:s3+s2], $0x2710, $0x38;
	[tilespmem:$0x4E90] =	vst v63  }
0xb: {  	_ =	swait.ge [sflag:s6], $0x2710  }
0xc: {  	[sflag:s6] =	ssyncset.done $0x0  }
0xd: {  	s9 =	simm.s32 $0x0;
	[sflag:s6] =	ssyncadd.s32 $0xFFFFD8F0  }
.LBB2_2:
0xe: {  	p0 =	sne.s32 s9, $0x9DC0  }
.Ltmp0:
0xf: {  	_ = 	snop;
	(pc) =	sbr.rel @p0 .LBB2_2-.Ltmp0, $3  }
0x10: {  	_ =	sdelay $0x1  }
0x11: {  	s10 =	sshra.s32 s9, $0x2  }
0x12: {  	s9 =	sadd.s32 $0x40, s9;
	[tilespmem:s10+$0x2710] =	vst v0  }
0x13: {  	s9 =	simm.s32 $0x0  }
0x14: {  	s10 =	simm.s32 $0x1;
	v2 =	vld [tilespmem:s9+$0x0]  }
.LBB2_4:
0x15: {  	p0 =	sne.s32 s10, $0x270;
	_ =	sdelay $0x3  }
.Ltmp1:
0x16: {  	(pc) =	sbr.rel @p0 .LBB2_4-.Ltmp1, $3  }
0x17: {  	_ =	sdelay $0x1  }
0x18: {  	s9 =	sadd.s32 $0x10, s9;
	[tilespmem:v2+s7+$0x0] =	vst.idx.add.f32.msk $0xffff, v1  }
0x19: {  	s10 =	sadd.s32 $0x1, s10;
	v2 =	vld [tilespmem:s9+$0x0]  }
0x1a: {  	_ =	sdelay $0x5  }
0x1b: {  	s8 =	sadd.s32 $0x1, s8  }
0x1c: {  	p0 =	sne.s32 s8, s5  }
.Ltmp2:
0x1d: {  	[tilespmem:v2+s7+$0x0] =	vst.idx.add.f32.msk $0xffff, v1;
	(pc) =	sbr.rel @p0 .LBB2_1-.Ltmp2, $4  }
0x1e: {  	[hbm4b:s4+s2] =	stream.linear.scatter [tilespmem:s7], [sflag:$0x1], $0x2780, $0x38;
	[tilespmem:$0x4E90] =	vst v63  }
0x1f: {  	_ =	swait.ge [sflag:s6], $0x2780  }
0x20: {  	[sflag:s6] =	ssyncset.done $0x0  }
0x21: {  	[sflag:s6] =	ssyncadd.s32 $0xFFFFD880  }
0x22: {  	_ =	sfence.sel $0x180000  }
0x23: {  	[bflag:$0x0] =	sbarrier.arrive $0xFFFF  }
0x24: {  	p0 =	sne.s32 s1, $0x0;
	_ =	strace $0x90000047  }
0x25: {  	s0 =	sadd.s32 @!p0 $0x100000, s0;
	[bflag:$0x2] =	sbarrier.arrive $0xFFFF  }
0x26: {  	[sflag:s0] =	ssyncadd.tile.s32 @!p0 $0x1;
	_ =	shalt  }
.Lfunc_end2:
_tile_overlayer_lowered:
.L_overlay_start_2:
0x27: {  	(tag) =	ssettag $0x2  }
0x28: {  	s0 =	rddreg [dreg:$0x0];
	s2 =	stileid.u32  }
0x29: {  	s1 =	rddreg [dreg:$0x1];
	p0 =	sne.s32 s2, $0x0  }
0x2a: {  	s3 =	rddreg [dreg:$0x2];
	[bflag:$0x3] =	sbarrier.arrive $0xFFFF;
	s2 =	simm.s32 @!p0 $0x1C01  }
0x2b: {  	[timem:s3], [sflag:s2] =	dma.local @!p0 [hbm:s0], s1  }
0x2c: {  	s0 =	simm.s32 @!p0 $0x1  }
0x2d: {  	_ =	swait.ge @!p0 [sflag:s0], s1  }
0x2e: {  	s1 =	ssub.s32 @!p0 $0x0, s1;
	[sflag:s0] =	ssyncset.done @!p0 $0x0  }
0x2f: {  	[sflag:s0] =	ssyncadd.s32 @!p0 s1  }
0x30: {  	[bflag:$0x3] =	sbarrier.arrive $0xFFFF  }
0x31: {  	_ =	shalt  }

</sc_bundles>
